<compile_context>
chip_gen: v7x
topology: tpu7x:2x2x1
jax: 0.10.2.dev20260603
libtpu: 0.0.44.dev20260713+nightly
codegen_flags: <defaults>
</compile_context>

<pallas_src>
import functools

import jax
import jax.numpy as jnp
from jax import lax
from jax.experimental import pallas as pl
from jax.experimental.pallas import tpu as pltpu
from jax.experimental.pallas import tpu_sc as plsc

import math

N = 10000
D = 128
N_PAD = 10240
NC, NS = 2, 16
NW = NC * NS
BATCH = 64
NBUF = 4
ROWS_PER_TILE = N_PAD // NS

_mesh = plsc.VectorSubcoreMesh(core_axis_name="c", subcore_axis_name="s")


def _edge_pad(e):
    q = NW * BATCH * math.lcm(8, NBUF)
    return ((e + q - 1) // q) * q


def _make_deg_kernel(e_pad, w=16):
    nb = e_pad // (NW * BATCH)

    @functools.partial(
        pl.kernel,
        out_type=jax.ShapeDtypeStruct((NC, N_PAD, w), jnp.float32),
        mesh=_mesh,
        scratch_types=[
            pltpu.VMEM((nb, BATCH), jnp.int32),
            pltpu.VMEM((BATCH, w), jnp.float32),
            pltpu.VMEM_SHARED((N_PAD, w), jnp.float32),
            [pltpu.SemaphoreType.DMA] * 4,
        ],
    )
    def deg_kernel(dst_hbm, ones_hbm, zeros_hbm, out_hbm, dst_v, ones_v, acc,
                   sems):
        c = lax.axis_index("c")
        s = lax.axis_index("s")
        wid = c * NS + s
        pltpu.sync_copy(dst_hbm.at[pl.ds(wid * nb, nb)], dst_v)
        pltpu.sync_copy(ones_hbm, ones_v)
        pltpu.sync_copy(zeros_hbm, acc.at[pl.ds(s * ROWS_PER_TILE, ROWS_PER_TILE)])
        plsc.subcore_barrier()

        def scatter(i, j):
            pltpu.async_copy(ones_v, acc.at[dst_v.at[i]], sems[j], add=True)

        def scatter_wait(i, j):
            pltpu.make_async_copy(ones_v, acc.at[dst_v.at[i]], sems[j]).wait()

        assert nb % 4 == 0
        for j in range(4):
            scatter(j, j)

        @pl.loop(0, nb // 4 - 1)
        def _(t):
            for j in range(4):
                i = t * 4 + j
                scatter_wait(i, j)
                scatter(i + 4, j)

        for j in range(4):
            scatter_wait(nb - 4 + j, j)

        plsc.subcore_barrier()
        pltpu.sync_copy(
            acc.at[pl.ds(s * ROWS_PER_TILE, ROWS_PER_TILE)],
            out_hbm.at[c, pl.ds(s * ROWS_PER_TILE, ROWS_PER_TILE)],
        )

    return deg_kernel


def _make_agg_kernel(e_pad, batch, nbuf, chb=40, split=0.5):
    tb = e_pad // (NS * batch)
    nb0 = int(round(tb * split / chb)) * chb
    nb1 = tb - nb0
    assert nb0 % chb == 0 and nb1 % chb == 0 and chb % nbuf == 0
    nin = chb // nbuf

    @functools.partial(
        pl.kernel,
        out_type=jax.ShapeDtypeStruct((NC, N_PAD, D), jnp.float32),
        mesh=_mesh,
        scratch_types=[
            pltpu.VMEM((chb, batch), jnp.int32),
            pltpu.VMEM((chb, batch), jnp.int32),
            pltpu.VMEM((nbuf, batch, D), jnp.float32),
            pltpu.VMEM_SHARED((N_PAD, D), jnp.float32),
            [pltpu.SemaphoreType.DMA] * nbuf,
            [pltpu.SemaphoreType.DMA] * nbuf,
        ],
    )
    def agg_kernel(g_hbm, src_hbm, dst_hbm, zeros_hbm, out_hbm,
                   src_v, dst_v, rows_v, acc, sems_g, sems_s):
        c = lax.axis_index("c")
        s = lax.axis_index("s")
        wid = c * NS + s
        pltpu.sync_copy(zeros_hbm, acc.at[pl.ds(s * ROWS_PER_TILE, ROWS_PER_TILE)])
        plsc.subcore_barrier()

        def gather(i, j):
            pltpu.async_copy(g_hbm.at[src_v.at[i]], rows_v.at[j], sems_g[j])

        def gather_wait(i, j):
            pltpu.make_async_copy(g_hbm.at[src_v.at[i]], rows_v.at[j],
                                  sems_g[j]).wait()

        def scatter(i, j):
            pltpu.async_copy(rows_v.at[j], acc.at[dst_v.at[i]], sems_s[j],
                             add=True)

        def scatter_wait(i, j):
            pltpu.make_async_copy(rows_v.at[j], acc.at[dst_v.at[i]],
                                  sems_s[j]).wait()

        def run(tile_base, nb_c):
            @pl.loop(0, nb_c // chb)
            def _(cidx):
                base = tile_base + cidx * chb
                pltpu.sync_copy(src_hbm.at[pl.ds(base, chb)], src_v)
                pltpu.sync_copy(dst_hbm.at[pl.ds(base, chb)], dst_v)
                for j in range(nbuf):
                    gather(j, j)

                @pl.loop(0, nin)
                def _(t):
                    for j in range(nbuf):
                        k = t * nbuf + j
                        gather_wait(k, j)
                        scatter(k, j)
                    for j in range(nbuf):
                        k = t * nbuf + j

                        @pl.when(t + 1 < nin)
                        def _():
                            scatter_wait(k, j)
                            gather(k + nbuf, j)

                for j in range(nbuf):
                    scatter_wait(chb - nbuf + j, j)

        if nb0 == nb1:
            run(wid * nb0, nb0)
        else:
            @pl.when(c == 0)
            def _():
                run(s * nb0, nb0)

            @pl.when(c == 1)
            def _():
                run(NS * nb0 + s * nb1, nb1)

        plsc.subcore_barrier()
        pltpu.sync_copy(
            acc.at[pl.ds(s * ROWS_PER_TILE, ROWS_PER_TILE)],
            out_hbm.at[c, pl.ds(s * ROWS_PER_TILE, ROWS_PER_TILE)],
        )

    return agg_kernel


_R1 = 1024


def _tc1_body(cnt0, cnt1, x, w, g_out):
    dinv = lax.rsqrt(cnt0[...] + cnt1[...] + 1.0)
    g_out[...] = dinv * jnp.dot(x[...], w[...], preferred_element_type=jnp.float32)


def _tc2_body(cnt0, cnt1, g1, p0, p1, b, w, g_out):
    dinv = lax.rsqrt(cnt0[...] + cnt1[...] + 1.0)
    h = dinv * (g1[...] + p0[...] + p1[...]) + b[...]
    g_out[...] = dinv * jnp.dot(h, w[...], preferred_element_type=jnp.float32)


def _tc3_body(cnt0, cnt1, g2, q0, q1, b, out):
    dinv = lax.rsqrt(cnt0[...] + cnt1[...] + 1.0)
    out[...] = dinv * (g2[...] + q0[...] + q1[...]) + b[...]


def _col_spec(r):
    return pl.BlockSpec((r, 1), lambda i: (i, 0))


def _mat_spec(r):
    return pl.BlockSpec((r, D), lambda i: (i, 0))


def _full_spec(shape):
    return pl.BlockSpec(shape, lambda i: tuple(0 for _ in shape))


def _tc1(cnt0, cnt1, x, w):
    return pl.pallas_call(
        _tc1_body,
        out_shape=jax.ShapeDtypeStruct((N_PAD, D), jnp.float32),
        grid=(N_PAD // _R1,),
        in_specs=[_col_spec(_R1), _col_spec(_R1), _mat_spec(_R1), _full_spec((D, D))],
        out_specs=_mat_spec(_R1),
    )(cnt0, cnt1, x, w)


def _tc2(cnt0, cnt1, g1, p0, p1, b, w):
    return pl.pallas_call(
        _tc2_body,
        out_shape=jax.ShapeDtypeStruct((N_PAD, D), jnp.float32),
        grid=(N_PAD // _R1,),
        in_specs=[_col_spec(_R1), _col_spec(_R1), _mat_spec(_R1), _mat_spec(_R1),
                  _mat_spec(_R1), _full_spec((1, D)), _full_spec((D, D))],
        out_specs=_mat_spec(_R1),
    )(cnt0, cnt1, g1, p0, p1, b, w)


def _tc3(cnt0, cnt1, g2, q0, q1, b):
    r = 1000
    return pl.pallas_call(
        _tc3_body,
        out_shape=jax.ShapeDtypeStruct((N, D), jnp.float32),
        grid=(N // r,),
        in_specs=[_col_spec(r), _col_spec(r), _mat_spec(r), _mat_spec(r),
                  _mat_spec(r), _full_spec((1, D))],
        out_specs=_mat_spec(r),
    )(cnt0, cnt1, g2, q0, q1, b)


def kernel(in_feat, adj, W1, b1, W2, b2):
    e = adj.shape[1]
    e_pad = _edge_pad(e)
    src = adj[0].astype(jnp.int32)
    dst = adj[1].astype(jnp.int32)
    pad = jnp.full((e_pad - e,), N, dtype=jnp.int32)
    src = jnp.concatenate([src, pad]).reshape(e_pad // BATCH, BATCH)
    dst = jnp.concatenate([dst, pad]).reshape(e_pad // BATCH, BATCH)

    x = jnp.zeros((N_PAD, D), jnp.float32).at[:N].set(in_feat)
    onesD = jnp.ones((BATCH, D), jnp.float32)
    zerosD = jnp.zeros((ROWS_PER_TILE, D), jnp.float32)

    deg_k = _make_deg_kernel(e_pad, D)
    agg_k = _make_agg_kernel(e_pad, BATCH, NBUF)

    cnt = deg_k(dst, onesD, zerosD)
    cnt0 = cnt[0, :, 0:1]
    cnt1 = cnt[1, :, 0:1]

    g1 = _tc1(cnt0, cnt1, x, W1)
    p = agg_k(g1, src, dst, zerosD)
    g2 = _tc2(cnt0, cnt1, g1, p[0], p[1], b1.reshape(1, D), W2)
    q = agg_k(g2, src, dst, zerosD)
    return _tc3(cnt0, cnt1, g2, q[0], q[1], b2.reshape(1, D))

# --- scband reference (transcript-rebuilt; emitter-appended) ---
"""Pipeline reference for scband-gcn-40415642256058 (READ-ONLY COPY).

The authoritative reference and input builder live on the scoring server;
editing this copy changes nothing except your own understanding.
"""

import jax, jax.numpy as jnp
import numpy as np

N_NODES = 10000
N_EDGES = 320000
D_IN = 128
D_H = 128


def setup_inputs(seed: int = 0) -> dict:
    key = jax.random.key(seed)
    k1, k2, k3, k4, k5, k6 = jax.random.split(key, 6)
    in_feat = jax.random.normal(k1, (N_NODES, D_IN), dtype=jnp.float32)
    adj = jax.random.randint(k2, (2, N_EDGES), 0, N_NODES, dtype=jnp.int64)
    # GCNConv learned parameters (glorot-ish scale)
    W1 = jax.random.normal(k3, (D_IN, D_H), dtype=jnp.float32) * (1.0 / np.sqrt(D_IN))
    b1 = jnp.zeros((D_H,), dtype=jnp.float32)
    W2 = jax.random.normal(k4, (D_H, D_H), dtype=jnp.float32) * (1.0 / np.sqrt(D_H))
    b2 = jnp.zeros((D_H,), dtype=jnp.float32)
    return {"in_feat": in_feat, "adj": adj, "W1": W1, "b1": b1, "W2": W2, "b2": b2}


def _gcn_conv(x, edge_index, W, b):
    # Faithful PyG-style GCNConv: add self-loops, symmetric deg^-1/2 normalization,
    # linear transform, scatter-add aggregation over destination nodes.
    N = x.shape[0]
    self_idx = jnp.arange(N, dtype=edge_index.dtype)
    src = jnp.concatenate([edge_index[0], self_idx])
    dst = jnp.concatenate([edge_index[1], self_idx])
    deg = jnp.zeros((N,), dtype=x.dtype).at[dst].add(1.0)
    dinv = jnp.where(deg > 0, deg ** -0.5, 0.0)
    norm = dinv[src] * dinv[dst]
    h = x @ W
    msg = h[src] * norm[:, None]
    out = jnp.zeros((N, W.shape[1]), dtype=x.dtype).at[dst].add(msg)
    return out + b


def reference(in_feat, adj, W1, b1, W2, b2):
    prop_step = 2
    residual = 0
    ori = in_feat
    h = _gcn_conv(in_feat, adj, W1, b1) + residual * ori
    for _ in range(1, prop_step):
        h = _gcn_conv(h, adj, W2, b2) + residual * ori
    return h

if __name__ == "__main__":
    import jax
    _d = setup_inputs()
    print(jax.jit(kernel)(*tuple(_d.values())))

</pallas_src>

<mosaic_0001>
#map = affine_map<(d0, d1) -> (0, 0)>
#map1 = affine_map<(d0, d1) -> (0, 0, 0)>
module attributes {stable_mosaic.version = 14 : i64} {
  func.func @agg_kernel(%arg0: i32, %arg1: i32, %arg2: memref<10240x128xf32, #tpu.memory_space<hbm>>, %arg3: memref<5120x64xi32, #tpu.memory_space<hbm>>, %arg4: memref<5120x64xi32, #tpu.memory_space<hbm>>, %arg5: memref<640x128xf32, #tpu.memory_space<hbm>>, %arg6: memref<2x10240x128xf32, #tpu.memory_space<hbm>>, %arg7: memref<40x64xi32, #tpu.memory_space<vmem>>, %arg8: memref<40x64xi32, #tpu.memory_space<vmem>>, %arg9: memref<4x64x128xf32, #tpu.memory_space<vmem>>, %arg10: memref<10240x128xf32, #tpu.memory_space<vmem_shared>>, %arg11: memref<!tpu.dma_semaphore, #tpu.memory_space<semaphore_mem>>, %arg12: memref<!tpu.dma_semaphore, #tpu.memory_space<semaphore_mem>>, %arg13: memref<!tpu.dma_semaphore, #tpu.memory_space<semaphore_mem>>, %arg14: memref<!tpu.dma_semaphore, #tpu.memory_space<semaphore_mem>>, %arg15: memref<!tpu.dma_semaphore, #tpu.memory_space<semaphore_mem>>, %arg16: memref<!tpu.dma_semaphore, #tpu.memory_space<semaphore_mem>>, %arg17: memref<!tpu.dma_semaphore, #tpu.memory_space<semaphore_mem>>, %arg18: memref<!tpu.dma_semaphore, #tpu.memory_space<semaphore_mem>>) attributes {dimension_semantics = [#tpu.dimension_semantics<core_parallel>, #tpu.dimension_semantics<subcore_parallel>], iteration_bounds = array<i64: 2, 16>, scalar_prefetch = 0 : i64, scratch_operands = 12 : i64, tpu.core_type = #tpu.core_type<sc_vector_subcore>, window_params = [{transform_indices = #map}, {transform_indices = #map}, {transform_indices = #map}, {transform_indices = #map}, {transform_indices = #map1}]} {
    %mul3A = arith.constant 16 : i32
    %mul3A_0 = arith.muli %arg0, %mul3A : i32
    %add3A = arith.addi %mul3A_0, %arg1 : i32
    %mul3A_1 = arith.constant 640 : i32
    %mul3A_2 = arith.muli %arg1, %mul3A_1 : i32
    "tpu.region"() ({
      %run_scoped3A = tpu.sem_alloc : memref<!tpu.dma_semaphore, #tpu.memory_space<semaphore_mem>>
      %dma_start3A = arith.constant 0 : i32
      %dma_start3A_14 = tpu.memref_slice %arg10[%mul3A_2, %dma_start3A] : memref<10240x128xf32, #tpu.memory_space<vmem_shared>> -> memref<640x128xf32, #tpu.memory_space<vmem_shared>>
      tpu.enqueue_dma source(%arg5 : memref<640x128xf32, #tpu.memory_space<hbm>>) target(%dma_start3A_14 : memref<640x128xf32, #tpu.memory_space<vmem_shared>>) target_semaphore(%run_scoped3A : memref<!tpu.dma_semaphore, #tpu.memory_space<semaphore_mem>>)
      %dma_wait3A = arith.constant 0 : i32
      %dma_wait3A_15 = tpu.memref_slice %arg10[%mul3A_2, %dma_wait3A] : memref<10240x128xf32, #tpu.memory_space<vmem_shared>> -> memref<640x128xf32, #tpu.memory_space<vmem_shared>>
      tpu.wait_dma2 semaphore(%run_scoped3A : memref<!tpu.dma_semaphore, #tpu.memory_space<semaphore_mem>>) src(%arg5 : memref<640x128xf32, #tpu.memory_space<hbm>>) dst(%dma_wait3A_15 : memref<640x128xf32, #tpu.memory_space<vmem_shared>>)
      tpu.yield
    }) : () -> ()
    %barrier3A = arith.constant 0 : index
    tpu.barrier barrier_id(%barrier3A)
    %mul3A_3 = arith.constant 160 : i32
    %mul3A_4 = arith.muli %add3A, %mul3A_3 : i32
    %scan3A = arith.constant 0 : i32
    %scan3A_5 = arith.constant 4 : i32
    %scan3A_6 = arith.addi %scan3A, %scan3A_5 : i32
    %scan3A_7 = arith.constant 1 : i32
    scf.for %scan3A_14 = %scan3A to %scan3A_6 step %scan3A_7  : i32 {
      %mul3A_15 = arith.constant 1 : i32
      %mul3A_16 = arith.muli %scan3A_14, %mul3A_15 : i32
      %add3A_17 = arith.constant 0 : i32
      %add3A_18 = arith.addi %add3A_17, %mul3A_16 : i32
      %mul3A_19 = arith.constant 40 : i32
      %mul3A_20 = arith.muli %add3A_18, %mul3A_19 : i32
      %add3A_21 = arith.addi %mul3A_4, %mul3A_20 : i32
      "tpu.region"() ({
        %run_scoped3A = tpu.sem_alloc : memref<!tpu.dma_semaphore, #tpu.memory_space<semaphore_mem>>
        %dma_start3A_121 = arith.constant 0 : i32
        %dma_start3A_122 = tpu.memref_slice %arg3[%add3A_21, %dma_start3A_121] : memref<5120x64xi32, #tpu.memory_space<hbm>> -> memref<40x64xi32, #tpu.memory_space<hbm>>
        %dma_start3A_123 = arith.constant 0 : i32
        %dma_start3A_124 = tpu.memref_slice %arg3[%add3A_21, %dma_start3A_123] : memref<5120x64xi32, #tpu.memory_space<hbm>> -> memref<40x64xi32, #tpu.memory_space<hbm>>
        tpu.enqueue_dma source(%dma_start3A_124 : memref<40x64xi32, #tpu.memory_space<hbm>>) target(%arg7 : memref<40x64xi32, #tpu.memory_space<vmem>>) target_semaphore(%run_scoped3A : memref<!tpu.dma_semaphore, #tpu.memory_space<semaphore_mem>>)
        %dma_wait3A_125 = arith.constant 0 : i32
        %dma_wait3A_126 = tpu.memref_slice %arg3[%add3A_21, %dma_wait3A_125] : memref<5120x64xi32, #tpu.memory_space<hbm>> -> memref<40x64xi32, #tpu.memory_space<hbm>>
        %dma_wait3A_127 = arith.constant 0 : i32
        %dma_wait3A_128 = tpu.memref_slice %arg3[%add3A_21, %dma_wait3A_127] : memref<5120x64xi32, #tpu.memory_space<hbm>> -> memref<40x64xi32, #tpu.memory_space<hbm>>
        tpu.wait_dma2 semaphore(%run_scoped3A : memref<!tpu.dma_semaphore, #tpu.memory_space<semaphore_mem>>) src(%dma_wait3A_128 : memref<40x64xi32, #tpu.memory_space<hbm>>) dst(%arg7 : memref<40x64xi32, #tpu.memory_space<vmem>>)
        tpu.yield
      }) : () -> ()
      "tpu.region"() ({
        %run_scoped3A = tpu.sem_alloc : memref<!tpu.dma_semaphore, #tpu.memory_space<semaphore_mem>>
        %dma_start3A_121 = arith.constant 0 : i32
        %dma_start3A_122 = tpu.memref_slice %arg4[%add3A_21, %dma_start3A_121] : memref<5120x64xi32, #tpu.memory_space<hbm>> -> memref<40x64xi32, #tpu.memory_space<hbm>>
        %dma_start3A_123 = arith.constant 0 : i32
        %dma_start3A_124 = tpu.memref_slice %arg4[%add3A_21, %dma_start3A_123] : memref<5120x64xi32, #tpu.memory_space<hbm>> -> memref<40x64xi32, #tpu.memory_space<hbm>>
        tpu.enqueue_dma source(%dma_start3A_124 : memref<40x64xi32, #tpu.memory_space<hbm>>) target(%arg8 : memref<40x64xi32, #tpu.memory_space<vmem>>) target_semaphore(%run_scoped3A : memref<!tpu.dma_semaphore, #tpu.memory_space<semaphore_mem>>)
        %dma_wait3A_125 = arith.constant 0 : i32
        %dma_wait3A_126 = tpu.memref_slice %arg4[%add3A_21, %dma_wait3A_125] : memref<5120x64xi32, #tpu.memory_space<hbm>> -> memref<40x64xi32, #tpu.memory_space<hbm>>
        %dma_wait3A_127 = arith.constant 0 : i32
        %dma_wait3A_128 = tpu.memref_slice %arg4[%add3A_21, %dma_wait3A_127] : memref<5120x64xi32, #tpu.memory_space<hbm>> -> memref<40x64xi32, #tpu.memory_space<hbm>>
        tpu.wait_dma2 semaphore(%run_scoped3A : memref<!tpu.dma_semaphore, #tpu.memory_space<semaphore_mem>>) src(%dma_wait3A_128 : memref<40x64xi32, #tpu.memory_space<hbm>>) dst(%arg8 : memref<40x64xi32, #tpu.memory_space<vmem>>)
        tpu.yield
      }) : () -> ()
      %dma_start3A = arith.constant 0 : i32
      %dma_start3A_22 = arith.constant 0 : i32
      %dma_start3A_23 = arith.constant 0 : i32
      %dma_start3A_24 = arith.constant 0 : i32
      %dma_start3A_25 = tpu.memref_slice %arg9[%dma_start3A_22, %dma_start3A_23, %dma_start3A_24] : memref<4x64x128xf32, #tpu.memory_space<vmem>> -> memref<1x64x128xf32, #tpu.memory_space<vmem>>
      %dma_start3A_26 = tpu.memref_squeeze %dma_start3A_25 : memref<1x64x128xf32, #tpu.memory_space<vmem>> -> memref<64x128xf32, #tpu.memory_space<vmem>>
      %dma_start3A_27 = arith.constant 0 : i32
      %dma_start3A_28 = tpu.memref_slice %arg7[%dma_start3A, %dma_start3A_27] : memref<40x64xi32, #tpu.memory_space<vmem>> -> memref<1x64xi32, #tpu.memory_space<vmem>>
      %dma_start3A_29 = tpu.memref_squeeze %dma_start3A_28 : memref<1x64xi32, #tpu.memory_space<vmem>> -> memref<64xi32, #tpu.memory_space<vmem>>
      %dma_start3A_30 = arith.constant 0 : i32
      %dma_start3A_31 = arith.constant 0 : i32
      %dma_start3A_32 = tpu.memref_slice %arg2[%dma_start3A_30, %dma_start3A_31] : memref<10240x128xf32, #tpu.memory_space<hbm>> -> memref<10240x128xf32, #tpu.memory_space<hbm>>
      tpu.enqueue_indirect_dma source(%dma_start3A_32 : memref<10240x128xf32, #tpu.memory_space<hbm>>) target(%dma_start3A_26 : memref<64x128xf32, #tpu.memory_space<vmem>>) offsets(%dma_start3A_29 : memref<64xi32, #tpu.memory_space<vmem>>) semaphore(%arg11 : memref<!tpu.dma_semaphore, #tpu.memory_space<semaphore_mem>>)
      %dma_start3A_33 = arith.constant 1 : i32
      %dma_start3A_34 = arith.constant 1 : i32
      %dma_start3A_35 = arith.constant 0 : i32
      %dma_start3A_36 = arith.constant 0 : i32
      %dma_start3A_37 = tpu.memref_slice %arg9[%dma_start3A_34, %dma_start3A_35, %dma_start3A_36] : memref<4x64x128xf32, #tpu.memory_space<vmem>> -> memref<1x64x128xf32, #tpu.memory_space<vmem>>
      %dma_start3A_38 = tpu.memref_squeeze %dma_start3A_37 : memref<1x64x128xf32, #tpu.memory_space<vmem>> -> memref<64x128xf32, #tpu.memory_space<vmem>>
      %dma_start3A_39 = arith.constant 0 : i32
      %dma_start3A_40 = tpu.memref_slice %arg7[%dma_start3A_33, %dma_start3A_39] : memref<40x64xi32, #tpu.memory_space<vmem>> -> memref<1x64xi32, #tpu.memory_space<vmem>>
      %dma_start3A_41 = tpu.memref_squeeze %dma_start3A_40 : memref<1x64xi32, #tpu.memory_space<vmem>> -> memref<64xi32, #tpu.memory_space<vmem>>
      %dma_start3A_42 = arith.constant 0 : i32
      %dma_start3A_43 = arith.constant 0 : i32
      %dma_start3A_44 = tpu.memref_slice %arg2[%dma_start3A_42, %dma_start3A_43] : memref<10240x128xf32, #tpu.memory_space<hbm>> -> memref<10240x128xf32, #tpu.memory_space<hbm>>
      tpu.enqueue_indirect_dma source(%dma_start3A_44 : memref<10240x128xf32, #tpu.memory_space<hbm>>) target(%dma_start3A_38 : memref<64x128xf32, #tpu.memory_space<vmem>>) offsets(%dma_start3A_41 : memref<64xi32, #tpu.memory_space<vmem>>) semaphore(%arg12 : memref<!tpu.dma_semaphore, #tpu.memory_space<semaphore_mem>>)
      %dma_start3A_45 = arith.constant 2 : i32
      %dma_start3A_46 = arith.constant 2 : i32
      %dma_start3A_47 = arith.constant 0 : i32
      %dma_start3A_48 = arith.constant 0 : i32
      %dma_start3A_49 = tpu.memref_slice %arg9[%dma_start3A_46, %dma_start3A_47, %dma_start3A_48] : memref<4x64x128xf32, #tpu.memory_space<vmem>> -> memref<1x64x128xf32, #tpu.memory_space<vmem>>
      %dma_start3A_50 = tpu.memref_squeeze %dma_start3A_49 : memref<1x64x128xf32, #tpu.memory_space<vmem>> -> memref<64x128xf32, #tpu.memory_space<vmem>>
      %dma_start3A_51 = arith.constant 0 : i32
      %dma_start3A_52 = tpu.memref_slice %arg7[%dma_start3A_45, %dma_start3A_51] : memref<40x64xi32, #tpu.memory_space<vmem>> -> memref<1x64xi32, #tpu.memory_space<vmem>>
      %dma_start3A_53 = tpu.memref_squeeze %dma_start3A_52 : memref<1x64xi32, #tpu.memory_space<vmem>> -> memref<64xi32, #tpu.memory_space<vmem>>
      %dma_start3A_54 = arith.constant 0 : i32
      %dma_start3A_55 = arith.constant 0 : i32
      %dma_start3A_56 = tpu.memref_slice %arg2[%dma_start3A_54, %dma_start3A_55] : memref<10240x128xf32, #tpu.memory_space<hbm>> -> memref<10240x128xf32, #tpu.memory_space<hbm>>
      tpu.enqueue_indirect_dma source(%dma_start3A_56 : memref<10240x128xf32, #tpu.memory_space<hbm>>) target(%dma_start3A_50 : memref<64x128xf32, #tpu.memory_space<vmem>>) offsets(%dma_start3A_53 : memref<64xi32, #tpu.memory_space<vmem>>) semaphore(%arg13 : memref<!tpu.dma_semaphore, #tpu.memory_space<semaphore_mem>>)
      %dma_start3A_57 = arith.constant 3 : i32
      %dma_start3A_58 = arith.constant 3 : i32
      %dma_start3A_59 = arith.constant 0 : i32
      %dma_start3A_60 = arith.constant 0 : i32
      %dma_start3A_61 = tpu.memref_slice %arg9[%dma_start3A_58, %dma_start3A_59, %dma_start3A_60] : memref<4x64x128xf32, #tpu.memory_space<vmem>> -> memref<1x64x128xf32, #tpu.memory_space<vmem>>
      %dma_start3A_62 = tpu.memref_squeeze %dma_start3A_61 : memref<1x64x128xf32, #tpu.memory_space<vmem>> -> memref<64x128xf32, #tpu.memory_space<vmem>>
      %dma_start3A_63 = arith.constant 0 : i32
      %dma_start3A_64 = tpu.memref_slice %arg7[%dma_start3A_57, %dma_start3A_63] : memref<40x64xi32, #tpu.memory_space<vmem>> -> memref<1x64xi32, #tpu.memory_space<vmem>>
      %dma_start3A_65 = tpu.memref_squeeze %dma_start3A_64 : memref<1x64xi32, #tpu.memory_space<vmem>> -> memref<64xi32, #tpu.memory_space<vmem>>
      %dma_start3A_66 = arith.constant 0 : i32
      %dma_start3A_67 = arith.constant 0 : i32
      %dma_start3A_68 = tpu.memref_slice %arg2[%dma_start3A_66, %dma_start3A_67] : memref<10240x128xf32, #tpu.memory_space<hbm>> -> memref<10240x128xf32, #tpu.memory_space<hbm>>
      tpu.enqueue_indirect_dma source(%dma_start3A_68 : memref<10240x128xf32, #tpu.memory_space<hbm>>) target(%dma_start3A_62 : memref<64x128xf32, #tpu.memory_space<vmem>>) offsets(%dma_start3A_65 : memref<64xi32, #tpu.memory_space<vmem>>) semaphore(%arg14 : memref<!tpu.dma_semaphore, #tpu.memory_space<semaphore_mem>>)
      %scan3A_69 = arith.constant 0 : i32
      %scan3A_70 = arith.constant 10 : i32
      %scan3A_71 = arith.addi %scan3A_69, %scan3A_70 : i32
      %scan3A_72 = arith.constant 1 : i32
      scf.for %scan3A_121 = %scan3A_69 to %scan3A_71 step %scan3A_72  : i32 {
        %mul3A_122 = arith.constant 1 : i32
        %mul3A_123 = arith.muli %scan3A_121, %mul3A_122 : i32
        %add3A_124 = arith.constant 0 : i32
        %add3A_125 = arith.addi %add3A_124, %mul3A_123 : i32
        %mul3A_126 = arith.constant 4 : i32
        %mul3A_127 = arith.muli %add3A_125, %mul3A_126 : i32
        %add3A_128 = arith.constant 0 : i32
        %add3A_129 = arith.addi %mul3A_127, %add3A_128 : i32
        %dma_wait3A_130 = arith.constant 0 : i32
        %dma_wait3A_131 = arith.constant 0 : i32
        %dma_wait3A_132 = arith.constant 0 : i32
        %dma_wait3A_133 = tpu.memref_slice %arg9[%dma_wait3A_130, %dma_wait3A_131, %dma_wait3A_132] : memref<4x64x128xf32, #tpu.memory_space<vmem>> -> memref<1x64x128xf32, #tpu.memory_space<vmem>>
        %dma_wait3A_134 = tpu.memref_squeeze %dma_wait3A_133 : memref<1x64x128xf32, #tpu.memory_space<vmem>> -> memref<64x128xf32, #tpu.memory_space<vmem>>
        %dma_wait3A_135 = arith.constant 0 : i32
        %dma_wait3A_136 = tpu.memref_slice %arg7[%add3A_129, %dma_wait3A_135] : memref<40x64xi32, #tpu.memory_space<vmem>> -> memref<1x64xi32, #tpu.memory_space<vmem>>
        %dma_wait3A_137 = tpu.memref_squeeze %dma_wait3A_136 : memref<1x64xi32, #tpu.memory_space<vmem>> -> memref<64xi32, #tpu.memory_space<vmem>>
        %dma_wait3A_138 = arith.constant 0 : i32
        %dma_wait3A_139 = arith.constant 0 : i32
        %dma_wait3A_140 = tpu.memref_slice %arg2[%dma_wait3A_138, %dma_wait3A_139] : memref<10240x128xf32, #tpu.memory_space<hbm>> -> memref<10240x128xf32, #tpu.memory_space<hbm>>
        tpu.wait_indirect_dma semaphore(%arg11 : memref<!tpu.dma_semaphore, #tpu.memory_space<semaphore_mem>>) src(%dma_wait3A_140 : memref<10240x128xf32, #tpu.memory_space<hbm>>) dst(%dma_wait3A_134 : memref<64x128xf32, #tpu.memory_space<vmem>>)
        %dma_start3A_141 = arith.constant 0 : i32
        %dma_start3A_142 = arith.constant 0 : i32
        %dma_start3A_143 = arith.constant 0 : i32
        %dma_start3A_144 = tpu.memref_slice %arg9[%dma_start3A_141, %dma_start3A_142, %dma_start3A_143] : memref<4x64x128xf32, #tpu.memory_space<vmem>> -> memref<1x64x128xf32, #tpu.memory_space<vmem>>
        %dma_start3A_145 = tpu.memref_squeeze %dma_start3A_144 : memref<1x64x128xf32, #tpu.memory_space<vmem>> -> memref<64x128xf32, #tpu.memory_space<vmem>>
        %dma_start3A_146 = arith.constant 0 : i32
        %dma_start3A_147 = tpu.memref_slice %arg8[%add3A_129, %dma_start3A_146] : memref<40x64xi32, #tpu.memory_space<vmem>> -> memref<1x64xi32, #tpu.memory_space<vmem>>
        %dma_start3A_148 = tpu.memref_squeeze %dma_start3A_147 : memref<1x64xi32, #tpu.memory_space<vmem>> -> memref<64xi32, #tpu.memory_space<vmem>>
        %dma_start3A_149 = arith.constant 0 : i32
        %dma_start3A_150 = arith.constant 0 : i32
        %dma_start3A_151 = tpu.memref_slice %arg10[%dma_start3A_149, %dma_start3A_150] : memref<10240x128xf32, #tpu.memory_space<vmem_shared>> -> memref<10240x128xf32, #tpu.memory_space<vmem_shared>>
        tpu.enqueue_indirect_dma source(%dma_start3A_145 : memref<64x128xf32, #tpu.memory_space<vmem>>) target(%dma_start3A_151 : memref<10240x128xf32, #tpu.memory_space<vmem_shared>>) offsets(%dma_start3A_148 : memref<64xi32, #tpu.memory_space<vmem>>) semaphore(%arg15 : memref<!tpu.dma_semaphore, #tpu.memory_space<semaphore_mem>>) {add = true}
        %mul3A_152 = arith.constant 4 : i32
        %mul3A_153 = arith.muli %add3A_125, %mul3A_152 : i32
        %add3A_154 = arith.constant 1 : i32
        %add3A_155 = arith.addi %mul3A_153, %add3A_154 : i32
        %dma_wait3A_156 = arith.constant 1 : i32
        %dma_wait3A_157 = arith.constant 0 : i32
        %dma_wait3A_158 = arith.constant 0 : i32
        %dma_wait3A_159 = tpu.memref_slice %arg9[%dma_wait3A_156, %dma_wait3A_157, %dma_wait3A_158] : memref<4x64x128xf32, #tpu.memory_space<vmem>> -> memref<1x64x128xf32, #tpu.memory_space<vmem>>
        %dma_wait3A_160 = tpu.memref_squeeze %dma_wait3A_159 : memref<1x64x128xf32, #tpu.memory_space<vmem>> -> memref<64x128xf32, #tpu.memory_space<vmem>>
        %dma_wait3A_161 = arith.constant 0 : i32
        %dma_wait3A_162 = tpu.memref_slice %arg7[%add3A_155, %dma_wait3A_161] : memref<40x64xi32, #tpu.memory_space<vmem>> -> memref<1x64xi32, #tpu.memory_space<vmem>>
        %dma_wait3A_163 = tpu.memref_squeeze %dma_wait3A_162 : memref<1x64xi32, #tpu.memory_space<vmem>> -> memref<64xi32, #tpu.memory_space<vmem>>
        %dma_wait3A_164 = arith.constant 0 : i32
        %dma_wait3A_165 = arith.constant 0 : i32
        %dma_wait3A_166 = tpu.memref_slice %arg2[%dma_wait3A_164, %dma_wait3A_165] : memref<10240x128xf32, #tpu.memory_space<hbm>> -> memref<10240x128xf32, #tpu.memory_space<hbm>>
        tpu.wait_indirect_dma semaphore(%arg12 : memref<!tpu.dma_semaphore, #tpu.memory_space<semaphore_mem>>) src(%dma_wait3A_166 : memref<10240x128xf32, #tpu.memory_space<hbm>>) dst(%dma_wait3A_160 : memref<64x128xf32, #tpu.memory_space<vmem>>)
        %dma_start3A_167 = arith.constant 1 : i32
        %dma_start3A_168 = arith.constant 0 : i32
        %dma_start3A_169 = arith.constant 0 : i32
        %dma_start3A_170 = tpu.memref_slice %arg9[%dma_start3A_167, %dma_start3A_168, %dma_start3A_169] : memref<4x64x128xf32, #tpu.memory_space<vmem>> -> memref<1x64x128xf32, #tpu.memory_space<vmem>>
        %dma_start3A_171 = tpu.memref_squeeze %dma_start3A_170 : memref<1x64x128xf32, #tpu.memory_space<vmem>> -> memref<64x128xf32, #tpu.memory_space<vmem>>
        %dma_start3A_172 = arith.constant 0 : i32
        %dma_start3A_173 = tpu.memref_slice %arg8[%add3A_155, %dma_start3A_172] : memref<40x64xi32, #tpu.memory_space<vmem>> -> memref<1x64xi32, #tpu.memory_space<vmem>>
        %dma_start3A_174 = tpu.memref_squeeze %dma_start3A_173 : memref<1x64xi32, #tpu.memory_space<vmem>> -> memref<64xi32, #tpu.memory_space<vmem>>
        %dma_start3A_175 = arith.constant 0 : i32
        %dma_start3A_176 = arith.constant 0 : i32
        %dma_start3A_177 = tpu.memref_slice %arg10[%dma_start3A_175, %dma_start3A_176] : memref<10240x128xf32, #tpu.memory_space<vmem_shared>> -> memref<10240x128xf32, #tpu.memory_space<vmem_shared>>
        tpu.enqueue_indirect_dma source(%dma_start3A_171 : memref<64x128xf32, #tpu.memory_space<vmem>>) target(%dma_start3A_177 : memref<10240x128xf32, #tpu.memory_space<vmem_shared>>) offsets(%dma_start3A_174 : memref<64xi32, #tpu.memory_space<vmem>>) semaphore(%arg16 : memref<!tpu.dma_semaphore, #tpu.memory_space<semaphore_mem>>) {add = true}
        %mul3A_178 = arith.constant 4 : i32
        %mul3A_179 = arith.muli %add3A_125, %mul3A_178 : i32
        %add3A_180 = arith.constant 2 : i32
        %add3A_181 = arith.addi %mul3A_179, %add3A_180 : i32
        %dma_wait3A_182 = arith.constant 2 : i32
        %dma_wait3A_183 = arith.constant 0 : i32
        %dma_wait3A_184 = arith.constant 0 : i32
        %dma_wait3A_185 = tpu.memref_slice %arg9[%dma_wait3A_182, %dma_wait3A_183, %dma_wait3A_184] : memref<4x64x128xf32, #tpu.memory_space<vmem>> -> memref<1x64x128xf32, #tpu.memory_space<vmem>>
        %dma_wait3A_186 = tpu.memref_squeeze %dma_wait3A_185 : memref<1x64x128xf32, #tpu.memory_space<vmem>> -> memref<64x128xf32, #tpu.memory_space<vmem>>
        %dma_wait3A_187 = arith.constant 0 : i32
        %dma_wait3A_188 = tpu.memref_slice %arg7[%add3A_181, %dma_wait3A_187] : memref<40x64xi32, #tpu.memory_space<vmem>> -> memref<1x64xi32, #tpu.memory_space<vmem>>
        %dma_wait3A_189 = tpu.memref_squeeze %dma_wait3A_188 : memref<1x64xi32, #tpu.memory_space<vmem>> -> memref<64xi32, #tpu.memory_space<vmem>>
        %dma_wait3A_190 = arith.constant 0 : i32
        %dma_wait3A_191 = arith.constant 0 : i32
        %dma_wait3A_192 = tpu.memref_slice %arg2[%dma_wait3A_190, %dma_wait3A_191] : memref<10240x128xf32, #tpu.memory_space<hbm>> -> memref<10240x128xf32, #tpu.memory_space<hbm>>
        tpu.wait_indirect_dma semaphore(%arg13 : memref<!tpu.dma_semaphore, #tpu.memory_space<semaphore_mem>>) src(%dma_wait3A_192 : memref<10240x128xf32, #tpu.memory_space<hbm>>) dst(%dma_wait3A_186 : memref<64x128xf32, #tpu.memory_space<vmem>>)
        %dma_start3A_193 = arith.constant 2 : i32
        %dma_start3A_194 = arith.constant 0 : i32
        %dma_start3A_195 = arith.constant 0 : i32
        %dma_start3A_196 = tpu.memref_slice %arg9[%dma_start3A_193, %dma_start3A_194, %dma_start3A_195] : memref<4x64x128xf32, #tpu.memory_space<vmem>> -> memref<1x64x128xf32, #tpu.memory_space<vmem>>
        %dma_start3A_197 = tpu.memref_squeeze %dma_start3A_196 : memref<1x64x128xf32, #tpu.memory_space<vmem>> -> memref<64x128xf32, #tpu.memory_space<vmem>>
        %dma_start3A_198 = arith.constant 0 : i32
        %dma_start3A_199 = tpu.memref_slice %arg8[%add3A_181, %dma_start3A_198] : memref<40x64xi32, #tpu.memory_space<vmem>> -> memref<1x64xi32, #tpu.memory_space<vmem>>
        %dma_start3A_200 = tpu.memref_squeeze %dma_start3A_199 : memref<1x64xi32, #tpu.memory_space<vmem>> -> memref<64xi32, #tpu.memory_space<vmem>>
        %dma_start3A_201 = arith.constant 0 : i32
        %dma_start3A_202 = arith.constant 0 : i32
        %dma_start3A_203 = tpu.memref_slice %arg10[%dma_start3A_201, %dma_start3A_202] : memref<10240x128xf32, #tpu.memory_space<vmem_shared>> -> memref<10240x128xf32, #tpu.memory_space<vmem_shared>>
        tpu.enqueue_indirect_dma source(%dma_start3A_197 : memref<64x128xf32, #tpu.memory_space<vmem>>) target(%dma_start3A_203 : memref<10240x128xf32, #tpu.memory_space<vmem_shared>>) offsets(%dma_start3A_200 : memref<64xi32, #tpu.memory_space<vmem>>) semaphore(%arg17 : memref<!tpu.dma_semaphore, #tpu.memory_space<semaphore_mem>>) {add = true}
        %mul3A_204 = arith.constant 4 : i32
        %mul3A_205 = arith.muli %add3A_125, %mul3A_204 : i32
        %add3A_206 = arith.constant 3 : i32
        %add3A_207 = arith.addi %mul3A_205, %add3A_206 : i32
        %dma_wait3A_208 = arith.constant 3 : i32
        %dma_wait3A_209 = arith.constant 0 : i32
        %dma_wait3A_210 = arith.constant 0 : i32
        %dma_wait3A_211 = tpu.memref_slice %arg9[%dma_wait3A_208, %dma_wait3A_209, %dma_wait3A_210] : memref<4x64x128xf32, #tpu.memory_space<vmem>> -> memref<1x64x128xf32, #tpu.memory_space<vmem>>
        %dma_wait3A_212 = tpu.memref_squeeze %dma_wait3A_211 : memref<1x64x128xf32, #tpu.memory_space<vmem>> -> memref<64x128xf32, #tpu.memory_space<vmem>>
        %dma_wait3A_213 = arith.constant 0 : i32
        %dma_wait3A_214 = tpu.memref_slice %arg7[%add3A_207, %dma_wait3A_213] : memref<40x64xi32, #tpu.memory_space<vmem>> -> memref<1x64xi32, #tpu.memory_space<vmem>>
        %dma_wait3A_215 = tpu.memref_squeeze %dma_wait3A_214 : memref<1x64xi32, #tpu.memory_space<vmem>> -> memref<64xi32, #tpu.memory_space<vmem>>
        %dma_wait3A_216 = arith.constant 0 : i32
        %dma_wait3A_217 = arith.constant 0 : i32
        %dma_wait3A_218 = tpu.memref_slice %arg2[%dma_wait3A_216, %dma_wait3A_217] : memref<10240x128xf32, #tpu.memory_space<hbm>> -> memref<10240x128xf32, #tpu.memory_space<hbm>>
        tpu.wait_indirect_dma semaphore(%arg14 : memref<!tpu.dma_semaphore, #tpu.memory_space<semaphore_mem>>) src(%dma_wait3A_218 : memref<10240x128xf32, #tpu.memory_space<hbm>>) dst(%dma_wait3A_212 : memref<64x128xf32, #tpu.memory_space<vmem>>)
        %dma_start3A_219 = arith.constant 3 : i32
        %dma_start3A_220 = arith.constant 0 : i32
        %dma_start3A_221 = arith.constant 0 : i32
        %dma_start3A_222 = tpu.memref_slice %arg9[%dma_start3A_219, %dma_start3A_220, %dma_start3A_221] : memref<4x64x128xf32, #tpu.memory_space<vmem>> -> memref<1x64x128xf32, #tpu.memory_space<vmem>>
        %dma_start3A_223 = tpu.memref_squeeze %dma_start3A_222 : memref<1x64x128xf32, #tpu.memory_space<vmem>> -> memref<64x128xf32, #tpu.memory_space<vmem>>
        %dma_start3A_224 = arith.constant 0 : i32
        %dma_start3A_225 = tpu.memref_slice %arg8[%add3A_207, %dma_start3A_224] : memref<40x64xi32, #tpu.memory_space<vmem>> -> memref<1x64xi32, #tpu.memory_space<vmem>>
        %dma_start3A_226 = tpu.memref_squeeze %dma_start3A_225 : memref<1x64xi32, #tpu.memory_space<vmem>> -> memref<64xi32, #tpu.memory_space<vmem>>
        %dma_start3A_227 = arith.constant 0 : i32
        %dma_start3A_228 = arith.constant 0 : i32
        %dma_start3A_229 = tpu.memref_slice %arg10[%dma_start3A_227, %dma_start3A_228] : memref<10240x128xf32, #tpu.memory_space<vmem_shared>> -> memref<10240x128xf32, #tpu.memory_space<vmem_shared>>
        tpu.enqueue_indirect_dma source(%dma_start3A_223 : memref<64x128xf32, #tpu.memory_space<vmem>>) target(%dma_start3A_229 : memref<10240x128xf32, #tpu.memory_space<vmem_shared>>) offsets(%dma_start3A_226 : memref<64xi32, #tpu.memory_space<vmem>>) semaphore(%arg18 : memref<!tpu.dma_semaphore, #tpu.memory_space<semaphore_mem>>) {add = true}
        %mul3A_230 = arith.constant 4 : i32
        %mul3A_231 = arith.muli %add3A_125, %mul3A_230 : i32
        %add3A_232 = arith.constant 0 : i32
        %add3A_233 = arith.addi %mul3A_231, %add3A_232 : i32
        %add3A_234 = arith.constant 1 : i32
        %add3A_235 = arith.addi %add3A_125, %add3A_234 : i32
        %lt3A = arith.constant 10 : i32
        %lt3A_236 = arith.cmpi slt, %add3A_235, %lt3A : i32
        %convert_element_type3A = arith.extui %lt3A_236 : i1 to i32
        %cond3A = arith.constant 0 : i32
        %cond3A_237 = arith.cmpi ne, %convert_element_type3A, %cond3A : i32
        scf.if %cond3A_237 {
          %dma_wait3A_271 = arith.constant 0 : i32
          %dma_wait3A_272 = arith.constant 0 : i32
          %dma_wait3A_273 = arith.constant 0 : i32
          %dma_wait3A_274 = tpu.memref_slice %arg9[%dma_wait3A_271, %dma_wait3A_272, %dma_wait3A_273] : memref<4x64x128xf32, #tpu.memory_space<vmem>> -> memref<1x64x128xf32, #tpu.memory_space<vmem>>
          %dma_wait3A_275 = tpu.memref_squeeze %dma_wait3A_274 : memref<1x64x128xf32, #tpu.memory_space<vmem>> -> memref<64x128xf32, #tpu.memory_space<vmem>>
          %dma_wait3A_276 = arith.constant 0 : i32
          %dma_wait3A_277 = tpu.memref_slice %arg8[%add3A_233, %dma_wait3A_276] : memref<40x64xi32, #tpu.memory_space<vmem>> -> memref<1x64xi32, #tpu.memory_space<vmem>>
          %dma_wait3A_278 = tpu.memref_squeeze %dma_wait3A_277 : memref<1x64xi32, #tpu.memory_space<vmem>> -> memref<64xi32, #tpu.memory_space<vmem>>
          %dma_wait3A_279 = arith.constant 0 : i32
          %dma_wait3A_280 = arith.constant 0 : i32
          %dma_wait3A_281 = tpu.memref_slice %arg10[%dma_wait3A_279, %dma_wait3A_280] : memref<10240x128xf32, #tpu.memory_space<vmem_shared>> -> memref<10240x128xf32, #tpu.memory_space<vmem_shared>>
          tpu.wait_indirect_dma semaphore(%arg15 : memref<!tpu.dma_semaphore, #tpu.memory_space<semaphore_mem>>) src(%dma_wait3A_275 : memref<64x128xf32, #tpu.memory_space<vmem>>) dst(%dma_wait3A_281 : memref<10240x128xf32, #tpu.memory_space<vmem_shared>>)
          %add3A_282 = arith.constant 4 : i32
          %add3A_283 = arith.addi %add3A_233, %add3A_282 : i32
          %dma_start3A_284 = arith.constant 0 : i32
          %dma_start3A_285 = arith.constant 0 : i32
          %dma_start3A_286 = arith.constant 0 : i32
          %dma_start3A_287 = tpu.memref_slice %arg9[%dma_start3A_284, %dma_start3A_285, %dma_start3A_286] : memref<4x64x128xf32, #tpu.memory_space<vmem>> -> memref<1x64x128xf32, #tpu.memory_space<vmem>>
          %dma_start3A_288 = tpu.memref_squeeze %dma_start3A_287 : memref<1x64x128xf32, #tpu.memory_space<vmem>> -> memref<64x128xf32, #tpu.memory_space<vmem>>
          %dma_start3A_289 = arith.constant 0 : i32
          %dma_start3A_290 = tpu.memref_slice %arg7[%add3A_283, %dma_start3A_289] : memref<40x64xi32, #tpu.memory_space<vmem>> -> memref<1x64xi32, #tpu.memory_space<vmem>>
          %dma_start3A_291 = tpu.memref_squeeze %dma_start3A_290 : memref<1x64xi32, #tpu.memory_space<vmem>> -> memref<64xi32, #tpu.memory_space<vmem>>
          %dma_start3A_292 = arith.constant 0 : i32
          %dma_start3A_293 = arith.constant 0 : i32
          %dma_start3A_294 = tpu.memref_slice %arg2[%dma_start3A_292, %dma_start3A_293] : memref<10240x128xf32, #tpu.memory_space<hbm>> -> memref<10240x128xf32, #tpu.memory_space<hbm>>
          tpu.enqueue_indirect_dma source(%dma_start3A_294 : memref<10240x128xf32, #tpu.memory_space<hbm>>) target(%dma_start3A_288 : memref<64x128xf32, #tpu.memory_space<vmem>>) offsets(%dma_start3A_291 : memref<64xi32, #tpu.memory_space<vmem>>) semaphore(%arg11 : memref<!tpu.dma_semaphore, #tpu.memory_space<semaphore_mem>>)
        } else {
        }
        %mul3A_238 = arith.constant 4 : i32
        %mul3A_239 = arith.muli %add3A_125, %mul3A_238 : i32
        %add3A_240 = arith.constant 1 : i32
        %add3A_241 = arith.addi %mul3A_239, %add3A_240 : i32
        %add3A_242 = arith.constant 1 : i32
        %add3A_243 = arith.addi %add3A_125, %add3A_242 : i32
        %lt3A_244 = arith.constant 10 : i32
        %lt3A_245 = arith.cmpi slt, %add3A_243, %lt3A_244 : i32
        %convert_element_type3A_246 = arith.extui %lt3A_245 : i1 to i32
        %cond3A_247 = arith.constant 0 : i32
        %cond3A_248 = arith.cmpi ne, %convert_element_type3A_246, %cond3A_247 : i32
        scf.if %cond3A_248 {
          %dma_wait3A_271 = arith.constant 1 : i32
          %dma_wait3A_272 = arith.constant 0 : i32
          %dma_wait3A_273 = arith.constant 0 : i32
          %dma_wait3A_274 = tpu.memref_slice %arg9[%dma_wait3A_271, %dma_wait3A_272, %dma_wait3A_273] : memref<4x64x128xf32, #tpu.memory_space<vmem>> -> memref<1x64x128xf32, #tpu.memory_space<vmem>>
          %dma_wait3A_275 = tpu.memref_squeeze %dma_wait3A_274 : memref<1x64x128xf32, #tpu.memory_space<vmem>> -> memref<64x128xf32, #tpu.memory_space<vmem>>
          %dma_wait3A_276 = arith.constant 0 : i32
          %dma_wait3A_277 = tpu.memref_slice %arg8[%add3A_241, %dma_wait3A_276] : memref<40x64xi32, #tpu.memory_space<vmem>> -> memref<1x64xi32, #tpu.memory_space<vmem>>
          %dma_wait3A_278 = tpu.memref_squeeze %dma_wait3A_277 : memref<1x64xi32, #tpu.memory_space<vmem>> -> memref<64xi32, #tpu.memory_space<vmem>>
          %dma_wait3A_279 = arith.constant 0 : i32
          %dma_wait3A_280 = arith.constant 0 : i32
          %dma_wait3A_281 = tpu.memref_slice %arg10[%dma_wait3A_279, %dma_wait3A_280] : memref<10240x128xf32, #tpu.memory_space<vmem_shared>> -> memref<10240x128xf32, #tpu.memory_space<vmem_shared>>
          tpu.wait_indirect_dma semaphore(%arg16 : memref<!tpu.dma_semaphore, #tpu.memory_space<semaphore_mem>>) src(%dma_wait3A_275 : memref<64x128xf32, #tpu.memory_space<vmem>>) dst(%dma_wait3A_281 : memref<10240x128xf32, #tpu.memory_space<vmem_shared>>)
          %add3A_282 = arith.constant 4 : i32
          %add3A_283 = arith.addi %add3A_241, %add3A_282 : i32
          %dma_start3A_284 = arith.constant 1 : i32
          %dma_start3A_285 = arith.constant 0 : i32
          %dma_start3A_286 = arith.constant 0 : i32
          %dma_start3A_287 = tpu.memref_slice %arg9[%dma_start3A_284, %dma_start3A_285, %dma_start3A_286] : memref<4x64x128xf32, #tpu.memory_space<vmem>> -> memref<1x64x128xf32, #tpu.memory_space<vmem>>
          %dma_start3A_288 = tpu.memref_squeeze %dma_start3A_287 : memref<1x64x128xf32, #tpu.memory_space<vmem>> -> memref<64x128xf32, #tpu.memory_space<vmem>>
          %dma_start3A_289 = arith.constant 0 : i32
          %dma_start3A_290 = tpu.memref_slice %arg7[%add3A_283, %dma_start3A_289] : memref<40x64xi32, #tpu.memory_space<vmem>> -> memref<1x64xi32, #tpu.memory_space<vmem>>
          %dma_start3A_291 = tpu.memref_squeeze %dma_start3A_290 : memref<1x64xi32, #tpu.memory_space<vmem>> -> memref<64xi32, #tpu.memory_space<vmem>>
          %dma_start3A_292 = arith.constant 0 : i32
          %dma_start3A_293 = arith.constant 0 : i32
          %dma_start3A_294 = tpu.memref_slice %arg2[%dma_start3A_292, %dma_start3A_293] : memref<10240x128xf32, #tpu.memory_space<hbm>> -> memref<10240x128xf32, #tpu.memory_space<hbm>>
          tpu.enqueue_indirect_dma source(%dma_start3A_294 : memref<10240x128xf32, #tpu.memory_space<hbm>>) target(%dma_start3A_288 : memref<64x128xf32, #tpu.memory_space<vmem>>) offsets(%dma_start3A_291 : memref<64xi32, #tpu.memory_space<vmem>>) semaphore(%arg12 : memref<!tpu.dma_semaphore, #tpu.memory_space<semaphore_mem>>)
        } else {
        }
        %mul3A_249 = arith.constant 4 : i32
        %mul3A_250 = arith.muli %add3A_125, %mul3A_249 : i32
        %add3A_251 = arith.constant 2 : i32
        %add3A_252 = arith.addi %mul3A_250, %add3A_251 : i32
        %add3A_253 = arith.constant 1 : i32
        %add3A_254 = arith.addi %add3A_125, %add3A_253 : i32
        %lt3A_255 = arith.constant 10 : i32
        %lt3A_256 = arith.cmpi slt, %add3A_254, %lt3A_255 : i32
        %convert_element_type3A_257 = arith.extui %lt3A_256 : i1 to i32
        %cond3A_258 = arith.constant 0 : i32
        %cond3A_259 = arith.cmpi ne, %convert_element_type3A_257, %cond3A_258 : i32
        scf.if %cond3A_259 {
          %dma_wait3A_271 = arith.constant 2 : i32
          %dma_wait3A_272 = arith.constant 0 : i32
          %dma_wait3A_273 = arith.constant 0 : i32
          %dma_wait3A_274 = tpu.memref_slice %arg9[%dma_wait3A_271, %dma_wait3A_272, %dma_wait3A_273] : memref<4x64x128xf32, #tpu.memory_space<vmem>> -> memref<1x64x128xf32, #tpu.memory_space<vmem>>
          %dma_wait3A_275 = tpu.memref_squeeze %dma_wait3A_274 : memref<1x64x128xf32, #tpu.memory_space<vmem>> -> memref<64x128xf32, #tpu.memory_space<vmem>>
          %dma_wait3A_276 = arith.constant 0 : i32
          %dma_wait3A_277 = tpu.memref_slice %arg8[%add3A_252, %dma_wait3A_276] : memref<40x64xi32, #tpu.memory_space<vmem>> -> memref<1x64xi32, #tpu.memory_space<vmem>>
          %dma_wait3A_278 = tpu.memref_squeeze %dma_wait3A_277 : memref<1x64xi32, #tpu.memory_space<vmem>> -> memref<64xi32, #tpu.memory_space<vmem>>
          %dma_wait3A_279 = arith.constant 0 : i32
          %dma_wait3A_280 = arith.constant 0 : i32
          %dma_wait3A_281 = tpu.memref_slice %arg10[%dma_wait3A_279, %dma_wait3A_280] : memref<10240x128xf32, #tpu.memory_space<vmem_shared>> -> memref<10240x128xf32, #tpu.memory_space<vmem_shared>>
          tpu.wait_indirect_dma semaphore(%arg17 : memref<!tpu.dma_semaphore, #tpu.memory_space<semaphore_mem>>) src(%dma_wait3A_275 : memref<64x128xf32, #tpu.memory_space<vmem>>) dst(%dma_wait3A_281 : memref<10240x128xf32, #tpu.memory_space<vmem_shared>>)
          %add3A_282 = arith.constant 4 : i32
          %add3A_283 = arith.addi %add3A_252, %add3A_282 : i32
          %dma_start3A_284 = arith.constant 2 : i32
          %dma_start3A_285 = arith.constant 0 : i32
          %dma_start3A_286 = arith.constant 0 : i32
          %dma_start3A_287 = tpu.memref_slice %arg9[%dma_start3A_284, %dma_start3A_285, %dma_start3A_286] : memref<4x64x128xf32, #tpu.memory_space<vmem>> -> memref<1x64x128xf32, #tpu.memory_space<vmem>>
          %dma_start3A_288 = tpu.memref_squeeze %dma_start3A_287 : memref<1x64x128xf32, #tpu.memory_space<vmem>> -> memref<64x128xf32, #tpu.memory_space<vmem>>
          %dma_start3A_289 = arith.constant 0 : i32
          %dma_start3A_290 = tpu.memref_slice %arg7[%add3A_283, %dma_start3A_289] : memref<40x64xi32, #tpu.memory_space<vmem>> -> memref<1x64xi32, #tpu.memory_space<vmem>>
          %dma_start3A_291 = tpu.memref_squeeze %dma_start3A_290 : memref<1x64xi32, #tpu.memory_space<vmem>> -> memref<64xi32, #tpu.memory_space<vmem>>
          %dma_start3A_292 = arith.constant 0 : i32
          %dma_start3A_293 = arith.constant 0 : i32
          %dma_start3A_294 = tpu.memref_slice %arg2[%dma_start3A_292, %dma_start3A_293] : memref<10240x128xf32, #tpu.memory_space<hbm>> -> memref<10240x128xf32, #tpu.memory_space<hbm>>
          tpu.enqueue_indirect_dma source(%dma_start3A_294 : memref<10240x128xf32, #tpu.memory_space<hbm>>) target(%dma_start3A_288 : memref<64x128xf32, #tpu.memory_space<vmem>>) offsets(%dma_start3A_291 : memref<64xi32, #tpu.memory_space<vmem>>) semaphore(%arg13 : memref<!tpu.dma_semaphore, #tpu.memory_space<semaphore_mem>>)
        } else {
        }
        %mul3A_260 = arith.constant 4 : i32
        %mul3A_261 = arith.muli %add3A_125, %mul3A_260 : i32
        %add3A_262 = arith.constant 3 : i32
        %add3A_263 = arith.addi %mul3A_261, %add3A_262 : i32
        %add3A_264 = arith.constant 1 : i32
        %add3A_265 = arith.addi %add3A_125, %add3A_264 : i32
        %lt3A_266 = arith.constant 10 : i32
        %lt3A_267 = arith.cmpi slt, %add3A_265, %lt3A_266 : i32
        %convert_element_type3A_268 = arith.extui %lt3A_267 : i1 to i32
        %cond3A_269 = arith.constant 0 : i32
        %cond3A_270 = arith.cmpi ne, %convert_element_type3A_268, %cond3A_269 : i32
        scf.if %cond3A_270 {
          %dma_wait3A_271 = arith.constant 3 : i32
          %dma_wait3A_272 = arith.constant 0 : i32
          %dma_wait3A_273 = arith.constant 0 : i32
          %dma_wait3A_274 = tpu.memref_slice %arg9[%dma_wait3A_271, %dma_wait3A_272, %dma_wait3A_273] : memref<4x64x128xf32, #tpu.memory_space<vmem>> -> memref<1x64x128xf32, #tpu.memory_space<vmem>>
          %dma_wait3A_275 = tpu.memref_squeeze %dma_wait3A_274 : memref<1x64x128xf32, #tpu.memory_space<vmem>> -> memref<64x128xf32, #tpu.memory_space<vmem>>
          %dma_wait3A_276 = arith.constant 0 : i32
          %dma_wait3A_277 = tpu.memref_slice %arg8[%add3A_263, %dma_wait3A_276] : memref<40x64xi32, #tpu.memory_space<vmem>> -> memref<1x64xi32, #tpu.memory_space<vmem>>
          %dma_wait3A_278 = tpu.memref_squeeze %dma_wait3A_277 : memref<1x64xi32, #tpu.memory_space<vmem>> -> memref<64xi32, #tpu.memory_space<vmem>>
          %dma_wait3A_279 = arith.constant 0 : i32
          %dma_wait3A_280 = arith.constant 0 : i32
          %dma_wait3A_281 = tpu.memref_slice %arg10[%dma_wait3A_279, %dma_wait3A_280] : memref<10240x128xf32, #tpu.memory_space<vmem_shared>> -> memref<10240x128xf32, #tpu.memory_space<vmem_shared>>
          tpu.wait_indirect_dma semaphore(%arg18 : memref<!tpu.dma_semaphore, #tpu.memory_space<semaphore_mem>>) src(%dma_wait3A_275 : memref<64x128xf32, #tpu.memory_space<vmem>>) dst(%dma_wait3A_281 : memref<10240x128xf32, #tpu.memory_space<vmem_shared>>)
          %add3A_282 = arith.constant 4 : i32
          %add3A_283 = arith.addi %add3A_263, %add3A_282 : i32
          %dma_start3A_284 = arith.constant 3 : i32
          %dma_start3A_285 = arith.constant 0 : i32
          %dma_start3A_286 = arith.constant 0 : i32
          %dma_start3A_287 = tpu.memref_slice %arg9[%dma_start3A_284, %dma_start3A_285, %dma_start3A_286] : memref<4x64x128xf32, #tpu.memory_space<vmem>> -> memref<1x64x128xf32, #tpu.memory_space<vmem>>
          %dma_start3A_288 = tpu.memref_squeeze %dma_start3A_287 : memref<1x64x128xf32, #tpu.memory_space<vmem>> -> memref<64x128xf32, #tpu.memory_space<vmem>>
          %dma_start3A_289 = arith.constant 0 : i32
          %dma_start3A_290 = tpu.memref_slice %arg7[%add3A_283, %dma_start3A_289] : memref<40x64xi32, #tpu.memory_space<vmem>> -> memref<1x64xi32, #tpu.memory_space<vmem>>
          %dma_start3A_291 = tpu.memref_squeeze %dma_start3A_290 : memref<1x64xi32, #tpu.memory_space<vmem>> -> memref<64xi32, #tpu.memory_space<vmem>>
          %dma_start3A_292 = arith.constant 0 : i32
          %dma_start3A_293 = arith.constant 0 : i32
          %dma_start3A_294 = tpu.memref_slice %arg2[%dma_start3A_292, %dma_start3A_293] : memref<10240x128xf32, #tpu.memory_space<hbm>> -> memref<10240x128xf32, #tpu.memory_space<hbm>>
          tpu.enqueue_indirect_dma source(%dma_start3A_294 : memref<10240x128xf32, #tpu.memory_space<hbm>>) target(%dma_start3A_288 : memref<64x128xf32, #tpu.memory_space<vmem>>) offsets(%dma_start3A_291 : memref<64xi32, #tpu.memory_space<vmem>>) semaphore(%arg14 : memref<!tpu.dma_semaphore, #tpu.memory_space<semaphore_mem>>)
        } else {
        }
      }
      %scan3A_73 = arith.constant 10 : i32
      %dma_wait3A = arith.constant 0 : i32
      %dma_wait3A_74 = arith.constant 36 : i32
      %dma_wait3A_75 = arith.constant 0 : i32
      %dma_wait3A_76 = arith.constant 0 : i32
      %dma_wait3A_77 = tpu.memref_slice %arg9[%dma_wait3A, %dma_wait3A_75, %dma_wait3A_76] : memref<4x64x128xf32, #tpu.memory_space<vmem>> -> memref<1x64x128xf32, #tpu.memory_space<vmem>>
      %dma_wait3A_78 = tpu.memref_squeeze %dma_wait3A_77 : memref<1x64x128xf32, #tpu.memory_space<vmem>> -> memref<64x128xf32, #tpu.memory_space<vmem>>
      %dma_wait3A_79 = arith.constant 0 : i32
      %dma_wait3A_80 = tpu.memref_slice %arg8[%dma_wait3A_74, %dma_wait3A_79] : memref<40x64xi32, #tpu.memory_space<vmem>> -> memref<1x64xi32, #tpu.memory_space<vmem>>
      %dma_wait3A_81 = tpu.memref_squeeze %dma_wait3A_80 : memref<1x64xi32, #tpu.memory_space<vmem>> -> memref<64xi32, #tpu.memory_space<vmem>>
      %dma_wait3A_82 = arith.constant 0 : i32
      %dma_wait3A_83 = arith.constant 0 : i32
      %dma_wait3A_84 = tpu.memref_slice %arg10[%dma_wait3A_82, %dma_wait3A_83] : memref<10240x128xf32, #tpu.memory_space<vmem_shared>> -> memref<10240x128xf32, #tpu.memory_space<vmem_shared>>
      tpu.wait_indirect_dma semaphore(%arg15 : memref<!tpu.dma_semaphore, #tpu.memory_space<semaphore_mem>>) src(%dma_wait3A_78 : memref<64x128xf32, #tpu.memory_space<vmem>>) dst(%dma_wait3A_84 : memref<10240x128xf32, #tpu.memory_space<vmem_shared>>)
      %dma_wait3A_85 = arith.constant 1 : i32
      %dma_wait3A_86 = arith.constant 37 : i32
      %dma_wait3A_87 = arith.constant 0 : i32
      %dma_wait3A_88 = arith.constant 0 : i32
      %dma_wait3A_89 = tpu.memref_slice %arg9[%dma_wait3A_85, %dma_wait3A_87, %dma_wait3A_88] : memref<4x64x128xf32, #tpu.memory_space<vmem>> -> memref<1x64x128xf32, #tpu.memory_space<vmem>>
      %dma_wait3A_90 = tpu.memref_squeeze %dma_wait3A_89 : memref<1x64x128xf32, #tpu.memory_space<vmem>> -> memref<64x128xf32, #tpu.memory_space<vmem>>
      %dma_wait3A_91 = arith.constant 0 : i32
      %dma_wait3A_92 = tpu.memref_slice %arg8[%dma_wait3A_86, %dma_wait3A_91] : memref<40x64xi32, #tpu.memory_space<vmem>> -> memref<1x64xi32, #tpu.memory_space<vmem>>
      %dma_wait3A_93 = tpu.memref_squeeze %dma_wait3A_92 : memref<1x64xi32, #tpu.memory_space<vmem>> -> memref<64xi32, #tpu.memory_space<vmem>>
      %dma_wait3A_94 = arith.constant 0 : i32
      %dma_wait3A_95 = arith.constant 0 : i32
      %dma_wait3A_96 = tpu.memref_slice %arg10[%dma_wait3A_94, %dma_wait3A_95] : memref<10240x128xf32, #tpu.memory_space<vmem_shared>> -> memref<10240x128xf32, #tpu.memory_space<vmem_shared>>
      tpu.wait_indirect_dma semaphore(%arg16 : memref<!tpu.dma_semaphore, #tpu.memory_space<semaphore_mem>>) src(%dma_wait3A_90 : memref<64x128xf32, #tpu.memory_space<vmem>>) dst(%dma_wait3A_96 : memref<10240x128xf32, #tpu.memory_space<vmem_shared>>)
      %dma_wait3A_97 = arith.constant 2 : i32
      %dma_wait3A_98 = arith.constant 38 : i32
      %dma_wait3A_99 = arith.constant 0 : i32
      %dma_wait3A_100 = arith.constant 0 : i32
      %dma_wait3A_101 = tpu.memref_slice %arg9[%dma_wait3A_97, %dma_wait3A_99, %dma_wait3A_100] : memref<4x64x128xf32, #tpu.memory_space<vmem>> -> memref<1x64x128xf32, #tpu.memory_space<vmem>>
      %dma_wait3A_102 = tpu.memref_squeeze %dma_wait3A_101 : memref<1x64x128xf32, #tpu.memory_space<vmem>> -> memref<64x128xf32, #tpu.memory_space<vmem>>
      %dma_wait3A_103 = arith.constant 0 : i32
      %dma_wait3A_104 = tpu.memref_slice %arg8[%dma_wait3A_98, %dma_wait3A_103] : memref<40x64xi32, #tpu.memory_space<vmem>> -> memref<1x64xi32, #tpu.memory_space<vmem>>
      %dma_wait3A_105 = tpu.memref_squeeze %dma_wait3A_104 : memref<1x64xi32, #tpu.memory_space<vmem>> -> memref<64xi32, #tpu.memory_space<vmem>>
      %dma_wait3A_106 = arith.constant 0 : i32
      %dma_wait3A_107 = arith.constant 0 : i32
      %dma_wait3A_108 = tpu.memref_slice %arg10[%dma_wait3A_106, %dma_wait3A_107] : memref<10240x128xf32, #tpu.memory_space<vmem_shared>> -> memref<10240x128xf32, #tpu.memory_space<vmem_shared>>
      tpu.wait_indirect_dma semaphore(%arg17 : memref<!tpu.dma_semaphore, #tpu.memory_space<semaphore_mem>>) src(%dma_wait3A_102 : memref<64x128xf32, #tpu.memory_space<vmem>>) dst(%dma_wait3A_108 : memref<10240x128xf32, #tpu.memory_space<vmem_shared>>)
      %dma_wait3A_109 = arith.constant 3 : i32
      %dma_wait3A_110 = arith.constant 39 : i32
      %dma_wait3A_111 = arith.constant 0 : i32
      %dma_wait3A_112 = arith.constant 0 : i32
      %dma_wait3A_113 = tpu.memref_slice %arg9[%dma_wait3A_109, %dma_wait3A_111, %dma_wait3A_112] : memref<4x64x128xf32, #tpu.memory_space<vmem>> -> memref<1x64x128xf32, #tpu.memory_space<vmem>>
      %dma_wait3A_114 = tpu.memref_squeeze %dma_wait3A_113 : memref<1x64x128xf32, #tpu.memory_space<vmem>> -> memref<64x128xf32, #tpu.memory_space<vmem>>
      %dma_wait3A_115 = arith.constant 0 : i32
      %dma_wait3A_116 = tpu.memref_slice %arg8[%dma_wait3A_110, %dma_wait3A_115] : memref<40x64xi32, #tpu.memory_space<vmem>> -> memref<1x64xi32, #tpu.memory_space<vmem>>
      %dma_wait3A_117 = tpu.memref_squeeze %dma_wait3A_116 : memref<1x64xi32, #tpu.memory_space<vmem>> -> memref<64xi32, #tpu.memory_space<vmem>>
      %dma_wait3A_118 = arith.constant 0 : i32
      %dma_wait3A_119 = arith.constant 0 : i32
      %dma_wait3A_120 = tpu.memref_slice %arg10[%dma_wait3A_118, %dma_wait3A_119] : memref<10240x128xf32, #tpu.memory_space<vmem_shared>> -> memref<10240x128xf32, #tpu.memory_space<vmem_shared>>
      tpu.wait_indirect_dma semaphore(%arg18 : memref<!tpu.dma_semaphore, #tpu.memory_space<semaphore_mem>>) src(%dma_wait3A_114 : memref<64x128xf32, #tpu.memory_space<vmem>>) dst(%dma_wait3A_120 : memref<10240x128xf32, #tpu.memory_space<vmem_shared>>)
    }
    %scan3A_8 = arith.constant 4 : i32
    %barrier3A_9 = arith.constant 0 : index
    tpu.barrier barrier_id(%barrier3A_9)
    %mul3A_10 = arith.constant 640 : i32
    %mul3A_11 = arith.muli %arg1, %mul3A_10 : i32
    %mul3A_12 = arith.constant 640 : i32
    %mul3A_13 = arith.muli %arg1, %mul3A_12 : i32
    "tpu.region"() ({
      %run_scoped3A = tpu.sem_alloc : memref<!tpu.dma_semaphore, #tpu.memory_space<semaphore_mem>>
      %dma_start3A = arith.constant 0 : i32
      %dma_start3A_14 = tpu.memref_slice %arg6[%arg0, %mul3A_13, %dma_start3A] : memref<2x10240x128xf32, #tpu.memory_space<hbm>> -> memref<1x640x128xf32, #tpu.memory_space<hbm>>
      %dma_start3A_15 = tpu.memref_squeeze %dma_start3A_14 : memref<1x640x128xf32, #tpu.memory_space<hbm>> -> memref<640x128xf32, #tpu.memory_space<hbm>>
      %dma_start3A_16 = arith.constant 0 : i32
      %dma_start3A_17 = tpu.memref_slice %arg10[%mul3A_11, %dma_start3A_16] : memref<10240x128xf32, #tpu.memory_space<vmem_shared>> -> memref<640x128xf32, #tpu.memory_space<vmem_shared>>
      tpu.enqueue_dma source(%dma_start3A_17 : memref<640x128xf32, #tpu.memory_space<vmem_shared>>) target(%dma_start3A_15 : memref<640x128xf32, #tpu.memory_space<hbm>>) target_semaphore(%run_scoped3A : memref<!tpu.dma_semaphore, #tpu.memory_space<semaphore_mem>>)
      %dma_wait3A = arith.constant 0 : i32
      %dma_wait3A_18 = tpu.memref_slice %arg6[%arg0, %mul3A_13, %dma_wait3A] : memref<2x10240x128xf32, #tpu.memory_space<hbm>> -> memref<1x640x128xf32, #tpu.memory_space<hbm>>
      %dma_wait3A_19 = tpu.memref_squeeze %dma_wait3A_18 : memref<1x640x128xf32, #tpu.memory_space<hbm>> -> memref<640x128xf32, #tpu.memory_space<hbm>>
      %dma_wait3A_20 = arith.constant 0 : i32
      %dma_wait3A_21 = tpu.memref_slice %arg10[%mul3A_11, %dma_wait3A_20] : memref<10240x128xf32, #tpu.memory_space<vmem_shared>> -> memref<640x128xf32, #tpu.memory_space<vmem_shared>>
      tpu.wait_dma2 semaphore(%run_scoped3A : memref<!tpu.dma_semaphore, #tpu.memory_space<semaphore_mem>>) src(%dma_wait3A_21 : memref<640x128xf32, #tpu.memory_space<vmem_shared>>) dst(%dma_wait3A_19 : memref<640x128xf32, #tpu.memory_space<hbm>>)
      tpu.yield
    }) : () -> ()
    return
  }
}

#map = affine_map<(d0, d1) -> (0, 0)>
#map1 = affine_map<(d0, d1) -> (0, 0, 0)>
module attributes {stable_mosaic.version = 14 : i64} {
  func.func @agg_kernel(%arg0: i32, %arg1: i32, %arg2: memref<10240x128xf32, #tpu.memory_space<hbm>>, %arg3: memref<5120x64xi32, #tpu.memory_space<hbm>>, %arg4: memref<5120x64xi32, #tpu.memory_space<hbm>>, %arg5: memref<640x128xf32, #tpu.memory_space<hbm>>, %arg6: memref<2x10240x128xf32, #tpu.memory_space<hbm>>, %arg7: memref<40x64xi32, #tpu.memory_space<vmem>>, %arg8: memref<40x64xi32, #tpu.memory_space<vmem>>, %arg9: memref<4x64x128xf32, #tpu.memory_space<vmem>>, %arg10: memref<10240x128xf32, #tpu.memory_space<vmem_shared>>, %arg11: memref<!tpu.dma_semaphore, #tpu.memory_space<semaphore_mem>>, %arg12: memref<!tpu.dma_semaphore, #tpu.memory_space<semaphore_mem>>, %arg13: memref<!tpu.dma_semaphore, #tpu.memory_space<semaphore_mem>>, %arg14: memref<!tpu.dma_semaphore, #tpu.memory_space<semaphore_mem>>, %arg15: memref<!tpu.dma_semaphore, #tpu.memory_space<semaphore_mem>>, %arg16: memref<!tpu.dma_semaphore, #tpu.memory_space<semaphore_mem>>, %arg17: memref<!tpu.dma_semaphore, #tpu.memory_space<semaphore_mem>>, %arg18: memref<!tpu.dma_semaphore, #tpu.memory_space<semaphore_mem>>) attributes {dimension_semantics = [#tpu.dimension_semantics<core_parallel>, #tpu.dimension_semantics<subcore_parallel>], iteration_bounds = array<i64: 2, 16>, scalar_prefetch = 0 : i64, scratch_operands = 12 : i64, tpu.core_type = #tpu.core_type<sc_vector_subcore>, window_params = [{transform_indices = #map}, {transform_indices = #map}, {transform_indices = #map}, {transform_indices = #map}, {transform_indices = #map1}]} {
    %mul3A = arith.constant 16 : i32
    %mul3A_0 = arith.muli %arg0, %mul3A : i32
    %add3A = arith.addi %mul3A_0, %arg1 : i32
    %mul3A_1 = arith.constant 640 : i32
    %mul3A_2 = arith.muli %arg1, %mul3A_1 : i32
    "tpu.region"() ({
      %run_scoped3A = tpu.sem_alloc : memref<!tpu.dma_semaphore, #tpu.memory_space<semaphore_mem>>
      %dma_start3A = arith.constant 0 : i32
      %dma_start3A_14 = tpu.memref_slice %arg10[%mul3A_2, %dma_start3A] : memref<10240x128xf32, #tpu.memory_space<vmem_shared>> -> memref<640x128xf32, #tpu.memory_space<vmem_shared>>
      tpu.enqueue_dma source(%arg5 : memref<640x128xf32, #tpu.memory_space<hbm>>) target(%dma_start3A_14 : memref<640x128xf32, #tpu.memory_space<vmem_shared>>) target_semaphore(%run_scoped3A : memref<!tpu.dma_semaphore, #tpu.memory_space<semaphore_mem>>)
      %dma_wait3A = arith.constant 0 : i32
      %dma_wait3A_15 = tpu.memref_slice %arg10[%mul3A_2, %dma_wait3A] : memref<10240x128xf32, #tpu.memory_space<vmem_shared>> -> memref<640x128xf32, #tpu.memory_space<vmem_shared>>
      tpu.wait_dma2 semaphore(%run_scoped3A : memref<!tpu.dma_semaphore, #tpu.memory_space<semaphore_mem>>) src(%arg5 : memref<640x128xf32, #tpu.memory_space<hbm>>) dst(%dma_wait3A_15 : memref<640x128xf32, #tpu.memory_space<vmem_shared>>)
      tpu.yield
    }) : () -> ()
    %barrier3A = arith.constant 0 : index
    tpu.barrier barrier_id(%barrier3A)
    %mul3A_3 = arith.constant 160 : i32
    %mul3A_4 = arith.muli %add3A, %mul3A_3 : i32
    %scan3A = arith.constant 0 : i32
    %scan3A_5 = arith.constant 4 : i32
    %scan3A_6 = arith.addi %scan3A, %scan3A_5 : i32
    %scan3A_7 = arith.constant 1 : i32
    scf.for %scan3A_14 = %scan3A to %scan3A_6 step %scan3A_7  : i32 {
      %mul3A_15 = arith.constant 1 : i32
      %mul3A_16 = arith.muli %scan3A_14, %mul3A_15 : i32
      %add3A_17 = arith.constant 0 : i32
      %add3A_18 = arith.addi %add3A_17, %mul3A_16 : i32
      %mul3A_19 = arith.constant 40 : i32
      %mul3A_20 = arith.muli %add3A_18, %mul3A_19 : i32
      %add3A_21 = arith.addi %mul3A_4, %mul3A_20 : i32
      "tpu.region"() ({
        %run_scoped3A = tpu.sem_alloc : memref<!tpu.dma_semaphore, #tpu.memory_space<semaphore_mem>>
        %dma_start3A_121 = arith.constant 0 : i32
        %dma_start3A_122 = tpu.memref_slice %arg3[%add3A_21, %dma_start3A_121] : memref<5120x64xi32, #tpu.memory_space<hbm>> -> memref<40x64xi32, #tpu.memory_space<hbm>>
        %dma_start3A_123 = arith.constant 0 : i32
        %dma_start3A_124 = tpu.memref_slice %arg3[%add3A_21, %dma_start3A_123] : memref<5120x64xi32, #tpu.memory_space<hbm>> -> memref<40x64xi32, #tpu.memory_space<hbm>>
        tpu.enqueue_dma source(%dma_start3A_124 : memref<40x64xi32, #tpu.memory_space<hbm>>) target(%arg7 : memref<40x64xi32, #tpu.memory_space<vmem>>) target_semaphore(%run_scoped3A : memref<!tpu.dma_semaphore, #tpu.memory_space<semaphore_mem>>)
        %dma_wait3A_125 = arith.constant 0 : i32
        %dma_wait3A_126 = tpu.memref_slice %arg3[%add3A_21, %dma_wait3A_125] : memref<5120x64xi32, #tpu.memory_space<hbm>> -> memref<40x64xi32, #tpu.memory_space<hbm>>
        %dma_wait3A_127 = arith.constant 0 : i32
        %dma_wait3A_128 = tpu.memref_slice %arg3[%add3A_21, %dma_wait3A_127] : memref<5120x64xi32, #tpu.memory_space<hbm>> -> memref<40x64xi32, #tpu.memory_space<hbm>>
        tpu.wait_dma2 semaphore(%run_scoped3A : memref<!tpu.dma_semaphore, #tpu.memory_space<semaphore_mem>>) src(%dma_wait3A_128 : memref<40x64xi32, #tpu.memory_space<hbm>>) dst(%arg7 : memref<40x64xi32, #tpu.memory_space<vmem>>)
        tpu.yield
      }) : () -> ()
      "tpu.region"() ({
        %run_scoped3A = tpu.sem_alloc : memref<!tpu.dma_semaphore, #tpu.memory_space<semaphore_mem>>
        %dma_start3A_121 = arith.constant 0 : i32
        %dma_start3A_122 = tpu.memref_slice %arg4[%add3A_21, %dma_start3A_121] : memref<5120x64xi32, #tpu.memory_space<hbm>> -> memref<40x64xi32, #tpu.memory_space<hbm>>
        %dma_start3A_123 = arith.constant 0 : i32
        %dma_start3A_124 = tpu.memref_slice %arg4[%add3A_21, %dma_start3A_123] : memref<5120x64xi32, #tpu.memory_space<hbm>> -> memref<40x64xi32, #tpu.memory_space<hbm>>
        tpu.enqueue_dma source(%dma_start3A_124 : memref<40x64xi32, #tpu.memory_space<hbm>>) target(%arg8 : memref<40x64xi32, #tpu.memory_space<vmem>>) target_semaphore(%run_scoped3A : memref<!tpu.dma_semaphore, #tpu.memory_space<semaphore_mem>>)
        %dma_wait3A_125 = arith.constant 0 : i32
        %dma_wait3A_126 = tpu.memref_slice %arg4[%add3A_21, %dma_wait3A_125] : memref<5120x64xi32, #tpu.memory_space<hbm>> -> memref<40x64xi32, #tpu.memory_space<hbm>>
        %dma_wait3A_127 = arith.constant 0 : i32
        %dma_wait3A_128 = tpu.memref_slice %arg4[%add3A_21, %dma_wait3A_127] : memref<5120x64xi32, #tpu.memory_space<hbm>> -> memref<40x64xi32, #tpu.memory_space<hbm>>
        tpu.wait_dma2 semaphore(%run_scoped3A : memref<!tpu.dma_semaphore, #tpu.memory_space<semaphore_mem>>) src(%dma_wait3A_128 : memref<40x64xi32, #tpu.memory_space<hbm>>) dst(%arg8 : memref<40x64xi32, #tpu.memory_space<vmem>>)
        tpu.yield
      }) : () -> ()
      %dma_start3A = arith.constant 0 : i32
      %dma_start3A_22 = arith.constant 0 : i32
      %dma_start3A_23 = arith.constant 0 : i32
      %dma_start3A_24 = arith.constant 0 : i32
      %dma_start3A_25 = tpu.memref_slice %arg9[%dma_start3A_22, %dma_start3A_23, %dma_start3A_24] : memref<4x64x128xf32, #tpu.memory_space<vmem>> -> memref<1x64x128xf32, #tpu.memory_space<vmem>>
      %dma_start3A_26 = tpu.memref_squeeze %dma_start3A_25 : memref<1x64x128xf32, #tpu.memory_space<vmem>> -> memref<64x128xf32, #tpu.memory_space<vmem>>
      %dma_start3A_27 = arith.constant 0 : i32
      %dma_start3A_28 = tpu.memref_slice %arg7[%dma_start3A, %dma_start3A_27] : memref<40x64xi32, #tpu.memory_space<vmem>> -> memref<1x64xi32, #tpu.memory_space<vmem>>
      %dma_start3A_29 = tpu.memref_squeeze %dma_start3A_28 : memref<1x64xi32, #tpu.memory_space<vmem>> -> memref<64xi32, #tpu.memory_space<vmem>>
      %dma_start3A_30 = arith.constant 0 : i32
      %dma_start3A_31 = arith.constant 0 : i32
      %dma_start3A_32 = tpu.memref_slice %arg2[%dma_start3A_30, %dma_start3A_31] : memref<10240x128xf32, #tpu.memory_space<hbm>> -> memref<10240x128xf32, #tpu.memory_space<hbm>>
      tpu.enqueue_indirect_dma source(%dma_start3A_32 : memref<10240x128xf32, #tpu.memory_space<hbm>>) target(%dma_start3A_26 : memref<64x128xf32, #tpu.memory_space<vmem>>) offsets(%dma_start3A_29 : memref<64xi32, #tpu.memory_space<vmem>>) semaphore(%arg11 : memref<!tpu.dma_semaphore, #tpu.memory_space<semaphore_mem>>)
      %dma_start3A_33 = arith.constant 1 : i32
      %dma_start3A_34 = arith.constant 1 : i32
      %dma_start3A_35 = arith.constant 0 : i32
      %dma_start3A_36 = arith.constant 0 : i32
      %dma_start3A_37 = tpu.memref_slice %arg9[%dma_start3A_34, %dma_start3A_35, %dma_start3A_36] : memref<4x64x128xf32, #tpu.memory_space<vmem>> -> memref<1x64x128xf32, #tpu.memory_space<vmem>>
      %dma_start3A_38 = tpu.memref_squeeze %dma_start3A_37 : memref<1x64x128xf32, #tpu.memory_space<vmem>> -> memref<64x128xf32, #tpu.memory_space<vmem>>
      %dma_start3A_39 = arith.constant 0 : i32
      %dma_start3A_40 = tpu.memref_slice %arg7[%dma_start3A_33, %dma_start3A_39] : memref<40x64xi32, #tpu.memory_space<vmem>> -> memref<1x64xi32, #tpu.memory_space<vmem>>
      %dma_start3A_41 = tpu.memref_squeeze %dma_start3A_40 : memref<1x64xi32, #tpu.memory_space<vmem>> -> memref<64xi32, #tpu.memory_space<vmem>>
      %dma_start3A_42 = arith.constant 0 : i32
      %dma_start3A_43 = arith.constant 0 : i32
      %dma_start3A_44 = tpu.memref_slice %arg2[%dma_start3A_42, %dma_start3A_43] : memref<10240x128xf32, #tpu.memory_space<hbm>> -> memref<10240x128xf32, #tpu.memory_space<hbm>>
      tpu.enqueue_indirect_dma source(%dma_start3A_44 : memref<10240x128xf32, #tpu.memory_space<hbm>>) target(%dma_start3A_38 : memref<64x128xf32, #tpu.memory_space<vmem>>) offsets(%dma_start3A_41 : memref<64xi32, #tpu.memory_space<vmem>>) semaphore(%arg12 : memref<!tpu.dma_semaphore, #tpu.memory_space<semaphore_mem>>)
      %dma_start3A_45 = arith.constant 2 : i32
      %dma_start3A_46 = arith.constant 2 : i32
      %dma_start3A_47 = arith.constant 0 : i32
      %dma_start3A_48 = arith.constant 0 : i32
      %dma_start3A_49 = tpu.memref_slice %arg9[%dma_start3A_46, %dma_start3A_47, %dma_start3A_48] : memref<4x64x128xf32, #tpu.memory_space<vmem>> -> memref<1x64x128xf32, #tpu.memory_space<vmem>>
      %dma_start3A_50 = tpu.memref_squeeze %dma_start3A_49 : memref<1x64x128xf32, #tpu.memory_space<vmem>> -> memref<64x128xf32, #tpu.memory_space<vmem>>
      %dma_start3A_51 = arith.constant 0 : i32
      %dma_start3A_52 = tpu.memref_slice %arg7[%dma_start3A_45, %dma_start3A_51] : memref<40x64xi32, #tpu.memory_space<vmem>> -> memref<1x64xi32, #tpu.memory_space<vmem>>
      %dma_start3A_53 = tpu.memref_squeeze %dma_start3A_52 : memref<1x64xi32, #tpu.memory_space<vmem>> -> memref<64xi32, #tpu.memory_space<vmem>>
      %dma_start3A_54 = arith.constant 0 : i32
      %dma_start3A_55 = arith.constant 0 : i32
      %dma_start3A_56 = tpu.memref_slice %arg2[%dma_start3A_54, %dma_start3A_55] : memref<10240x128xf32, #tpu.memory_space<hbm>> -> memref<10240x128xf32, #tpu.memory_space<hbm>>
      tpu.enqueue_indirect_dma source(%dma_start3A_56 : memref<10240x128xf32, #tpu.memory_space<hbm>>) target(%dma_start3A_50 : memref<64x128xf32, #tpu.memory_space<vmem>>) offsets(%dma_start3A_53 : memref<64xi32, #tpu.memory_space<vmem>>) semaphore(%arg13 : memref<!tpu.dma_semaphore, #tpu.memory_space<semaphore_mem>>)
      %dma_start3A_57 = arith.constant 3 : i32
      %dma_start3A_58 = arith.constant 3 : i32
      %dma_start3A_59 = arith.constant 0 : i32
      %dma_start3A_60 = arith.constant 0 : i32
      %dma_start3A_61 = tpu.memref_slice %arg9[%dma_start3A_58, %dma_start3A_59, %dma_start3A_60] : memref<4x64x128xf32, #tpu.memory_space<vmem>> -> memref<1x64x128xf32, #tpu.memory_space<vmem>>
      %dma_start3A_62 = tpu.memref_squeeze %dma_start3A_61 : memref<1x64x128xf32, #tpu.memory_space<vmem>> -> memref<64x128xf32, #tpu.memory_space<vmem>>
      %dma_start3A_63 = arith.constant 0 : i32
      %dma_start3A_64 = tpu.memref_slice %arg7[%dma_start3A_57, %dma_start3A_63] : memref<40x64xi32, #tpu.memory_space<vmem>> -> memref<1x64xi32, #tpu.memory_space<vmem>>
      %dma_start3A_65 = tpu.memref_squeeze %dma_start3A_64 : memref<1x64xi32, #tpu.memory_space<vmem>> -> memref<64xi32, #tpu.memory_space<vmem>>
      %dma_start3A_66 = arith.constant 0 : i32
      %dma_start3A_67 = arith.constant 0 : i32
      %dma_start3A_68 = tpu.memref_slice %arg2[%dma_start3A_66, %dma_start3A_67] : memref<10240x128xf32, #tpu.memory_space<hbm>> -> memref<10240x128xf32, #tpu.memory_space<hbm>>
      tpu.enqueue_indirect_dma source(%dma_start3A_68 : memref<10240x128xf32, #tpu.memory_space<hbm>>) target(%dma_start3A_62 : memref<64x128xf32, #tpu.memory_space<vmem>>) offsets(%dma_start3A_65 : memref<64xi32, #tpu.memory_space<vmem>>) semaphore(%arg14 : memref<!tpu.dma_semaphore, #tpu.memory_space<semaphore_mem>>)
      %scan3A_69 = arith.constant 0 : i32
      %scan3A_70 = arith.constant 10 : i32
      %scan3A_71 = arith.addi %scan3A_69, %scan3A_70 : i32
      %scan3A_72 = arith.constant 1 : i32
      scf.for %scan3A_121 = %scan3A_69 to %scan3A_71 step %scan3A_72  : i32 {
        %mul3A_122 = arith.constant 1 : i32
        %mul3A_123 = arith.muli %scan3A_121, %mul3A_122 : i32
        %add3A_124 = arith.constant 0 : i32
        %add3A_125 = arith.addi %add3A_124, %mul3A_123 : i32
        %mul3A_126 = arith.constant 4 : i32
        %mul3A_127 = arith.muli %add3A_125, %mul3A_126 : i32
        %add3A_128 = arith.constant 0 : i32
        %add3A_129 = arith.addi %mul3A_127, %add3A_128 : i32
        %dma_wait3A_130 = arith.constant 0 : i32
        %dma_wait3A_131 = arith.constant 0 : i32
        %dma_wait3A_132 = arith.constant 0 : i32
        %dma_wait3A_133 = tpu.memref_slice %arg9[%dma_wait3A_130, %dma_wait3A_131, %dma_wait3A_132] : memref<4x64x128xf32, #tpu.memory_space<vmem>> -> memref<1x64x128xf32, #tpu.memory_space<vmem>>
        %dma_wait3A_134 = tpu.memref_squeeze %dma_wait3A_133 : memref<1x64x128xf32, #tpu.memory_space<vmem>> -> memref<64x128xf32, #tpu.memory_space<vmem>>
        %dma_wait3A_135 = arith.constant 0 : i32
        %dma_wait3A_136 = tpu.memref_slice %arg7[%add3A_129, %dma_wait3A_135] : memref<40x64xi32, #tpu.memory_space<vmem>> -> memref<1x64xi32, #tpu.memory_space<vmem>>
        %dma_wait3A_137 = tpu.memref_squeeze %dma_wait3A_136 : memref<1x64xi32, #tpu.memory_space<vmem>> -> memref<64xi32, #tpu.memory_space<vmem>>
        %dma_wait3A_138 = arith.constant 0 : i32
        %dma_wait3A_139 = arith.constant 0 : i32
        %dma_wait3A_140 = tpu.memref_slice %arg2[%dma_wait3A_138, %dma_wait3A_139] : memref<10240x128xf32, #tpu.memory_space<hbm>> -> memref<10240x128xf32, #tpu.memory_space<hbm>>
        tpu.wait_indirect_dma semaphore(%arg11 : memref<!tpu.dma_semaphore, #tpu.memory_space<semaphore_mem>>) src(%dma_wait3A_140 : memref<10240x128xf32, #tpu.memory_space<hbm>>) dst(%dma_wait3A_134 : memref<64x128xf32, #tpu.memory_space<vmem>>)
        %dma_start3A_141 = arith.constant 0 : i32
        %dma_start3A_142 = arith.constant 0 : i32
        %dma_start3A_143 = arith.constant 0 : i32
        %dma_start3A_144 = tpu.memref_slice %arg9[%dma_start3A_141, %dma_start3A_142, %dma_start3A_143] : memref<4x64x128xf32, #tpu.memory_space<vmem>> -> memref<1x64x128xf32, #tpu.memory_space<vmem>>
        %dma_start3A_145 = tpu.memref_squeeze %dma_start3A_144 : memref<1x64x128xf32, #tpu.memory_space<vmem>> -> memref<64x128xf32, #tpu.memory_space<vmem>>
        %dma_start3A_146 = arith.constant 0 : i32
        %dma_start3A_147 = tpu.memref_slice %arg8[%add3A_129, %dma_start3A_146] : memref<40x64xi32, #tpu.memory_space<vmem>> -> memref<1x64xi32, #tpu.memory_space<vmem>>
        %dma_start3A_148 = tpu.memref_squeeze %dma_start3A_147 : memref<1x64xi32, #tpu.memory_space<vmem>> -> memref<64xi32, #tpu.memory_space<vmem>>
        %dma_start3A_149 = arith.constant 0 : i32
        %dma_start3A_150 = arith.constant 0 : i32
        %dma_start3A_151 = tpu.memref_slice %arg10[%dma_start3A_149, %dma_start3A_150] : memref<10240x128xf32, #tpu.memory_space<vmem_shared>> -> memref<10240x128xf32, #tpu.memory_space<vmem_shared>>
        tpu.enqueue_indirect_dma source(%dma_start3A_145 : memref<64x128xf32, #tpu.memory_space<vmem>>) target(%dma_start3A_151 : memref<10240x128xf32, #tpu.memory_space<vmem_shared>>) offsets(%dma_start3A_148 : memref<64xi32, #tpu.memory_space<vmem>>) semaphore(%arg15 : memref<!tpu.dma_semaphore, #tpu.memory_space<semaphore_mem>>) {add = true}
        %mul3A_152 = arith.constant 4 : i32
        %mul3A_153 = arith.muli %add3A_125, %mul3A_152 : i32
        %add3A_154 = arith.constant 1 : i32
        %add3A_155 = arith.addi %mul3A_153, %add3A_154 : i32
        %dma_wait3A_156 = arith.constant 1 : i32
        %dma_wait3A_157 = arith.constant 0 : i32
        %dma_wait3A_158 = arith.constant 0 : i32
        %dma_wait3A_159 = tpu.memref_slice %arg9[%dma_wait3A_156, %dma_wait3A_157, %dma_wait3A_158] : memref<4x64x128xf32, #tpu.memory_space<vmem>> -> memref<1x64x128xf32, #tpu.memory_space<vmem>>
        %dma_wait3A_160 = tpu.memref_squeeze %dma_wait3A_159 : memref<1x64x128xf32, #tpu.memory_space<vmem>> -> memref<64x128xf32, #tpu.memory_space<vmem>>
        %dma_wait3A_161 = arith.constant 0 : i32
        %dma_wait3A_162 = tpu.memref_slice %arg7[%add3A_155, %dma_wait3A_161] : memref<40x64xi32, #tpu.memory_space<vmem>> -> memref<1x64xi32, #tpu.memory_space<vmem>>
        %dma_wait3A_163 = tpu.memref_squeeze %dma_wait3A_162 : memref<1x64xi32, #tpu.memory_space<vmem>> -> memref<64xi32, #tpu.memory_space<vmem>>
        %dma_wait3A_164 = arith.constant 0 : i32
        %dma_wait3A_165 = arith.constant 0 : i32
        %dma_wait3A_166 = tpu.memref_slice %arg2[%dma_wait3A_164, %dma_wait3A_165] : memref<10240x128xf32, #tpu.memory_space<hbm>> -> memref<10240x128xf32, #tpu.memory_space<hbm>>
        tpu.wait_indirect_dma semaphore(%arg12 : memref<!tpu.dma_semaphore, #tpu.memory_space<semaphore_mem>>) src(%dma_wait3A_166 : memref<10240x128xf32, #tpu.memory_space<hbm>>) dst(%dma_wait3A_160 : memref<64x128xf32, #tpu.memory_space<vmem>>)
        %dma_start3A_167 = arith.constant 1 : i32
        %dma_start3A_168 = arith.constant 0 : i32
        %dma_start3A_169 = arith.constant 0 : i32
        %dma_start3A_170 = tpu.memref_slice %arg9[%dma_start3A_167, %dma_start3A_168, %dma_start3A_169] : memref<4x64x128xf32, #tpu.memory_space<vmem>> -> memref<1x64x128xf32, #tpu.memory_space<vmem>>
        %dma_start3A_171 = tpu.memref_squeeze %dma_start3A_170 : memref<1x64x128xf32, #tpu.memory_space<vmem>> -> memref<64x128xf32, #tpu.memory_space<vmem>>
        %dma_start3A_172 = arith.constant 0 : i32
        %dma_start3A_173 = tpu.memref_slice %arg8[%add3A_155, %dma_start3A_172] : memref<40x64xi32, #tpu.memory_space<vmem>> -> memref<1x64xi32, #tpu.memory_space<vmem>>
        %dma_start3A_174 = tpu.memref_squeeze %dma_start3A_173 : memref<1x64xi32, #tpu.memory_space<vmem>> -> memref<64xi32, #tpu.memory_space<vmem>>
        %dma_start3A_175 = arith.constant 0 : i32
        %dma_start3A_176 = arith.constant 0 : i32
        %dma_start3A_177 = tpu.memref_slice %arg10[%dma_start3A_175, %dma_start3A_176] : memref<10240x128xf32, #tpu.memory_space<vmem_shared>> -> memref<10240x128xf32, #tpu.memory_space<vmem_shared>>
        tpu.enqueue_indirect_dma source(%dma_start3A_171 : memref<64x128xf32, #tpu.memory_space<vmem>>) target(%dma_start3A_177 : memref<10240x128xf32, #tpu.memory_space<vmem_shared>>) offsets(%dma_start3A_174 : memref<64xi32, #tpu.memory_space<vmem>>) semaphore(%arg16 : memref<!tpu.dma_semaphore, #tpu.memory_space<semaphore_mem>>) {add = true}
        %mul3A_178 = arith.constant 4 : i32
        %mul3A_179 = arith.muli %add3A_125, %mul3A_178 : i32
        %add3A_180 = arith.constant 2 : i32
        %add3A_181 = arith.addi %mul3A_179, %add3A_180 : i32
        %dma_wait3A_182 = arith.constant 2 : i32
        %dma_wait3A_183 = arith.constant 0 : i32
        %dma_wait3A_184 = arith.constant 0 : i32
        %dma_wait3A_185 = tpu.memref_slice %arg9[%dma_wait3A_182, %dma_wait3A_183, %dma_wait3A_184] : memref<4x64x128xf32, #tpu.memory_space<vmem>> -> memref<1x64x128xf32, #tpu.memory_space<vmem>>
        %dma_wait3A_186 = tpu.memref_squeeze %dma_wait3A_185 : memref<1x64x128xf32, #tpu.memory_space<vmem>> -> memref<64x128xf32, #tpu.memory_space<vmem>>
        %dma_wait3A_187 = arith.constant 0 : i32
        %dma_wait3A_188 = tpu.memref_slice %arg7[%add3A_181, %dma_wait3A_187] : memref<40x64xi32, #tpu.memory_space<vmem>> -> memref<1x64xi32, #tpu.memory_space<vmem>>
        %dma_wait3A_189 = tpu.memref_squeeze %dma_wait3A_188 : memref<1x64xi32, #tpu.memory_space<vmem>> -> memref<64xi32, #tpu.memory_space<vmem>>
        %dma_wait3A_190 = arith.constant 0 : i32
        %dma_wait3A_191 = arith.constant 0 : i32
        %dma_wait3A_192 = tpu.memref_slice %arg2[%dma_wait3A_190, %dma_wait3A_191] : memref<10240x128xf32, #tpu.memory_space<hbm>> -> memref<10240x128xf32, #tpu.memory_space<hbm>>
        tpu.wait_indirect_dma semaphore(%arg13 : memref<!tpu.dma_semaphore, #tpu.memory_space<semaphore_mem>>) src(%dma_wait3A_192 : memref<10240x128xf32, #tpu.memory_space<hbm>>) dst(%dma_wait3A_186 : memref<64x128xf32, #tpu.memory_space<vmem>>)
        %dma_start3A_193 = arith.constant 2 : i32
        %dma_start3A_194 = arith.constant 0 : i32
        %dma_start3A_195 = arith.constant 0 : i32
        %dma_start3A_196 = tpu.memref_slice %arg9[%dma_start3A_193, %dma_start3A_194, %dma_start3A_195] : memref<4x64x128xf32, #tpu.memory_space<vmem>> -> memref<1x64x128xf32, #tpu.memory_space<vmem>>
        %dma_start3A_197 = tpu.memref_squeeze %dma_start3A_196 : memref<1x64x128xf32, #tpu.memory_space<vmem>> -> memref<64x128xf32, #tpu.memory_space<vmem>>
        %dma_start3A_198 = arith.constant 0 : i32
        %dma_start3A_199 = tpu.memref_slice %arg8[%add3A_181, %dma_start3A_198] : memref<40x64xi32, #tpu.memory_space<vmem>> -> memref<1x64xi32, #tpu.memory_space<vmem>>
        %dma_start3A_200 = tpu.memref_squeeze %dma_start3A_199 : memref<1x64xi32, #tpu.memory_space<vmem>> -> memref<64xi32, #tpu.memory_space<vmem>>
        %dma_start3A_201 = arith.constant 0 : i32
        %dma_start3A_202 = arith.constant 0 : i32
        %dma_start3A_203 = tpu.memref_slice %arg10[%dma_start3A_201, %dma_start3A_202] : memref<10240x128xf32, #tpu.memory_space<vmem_shared>> -> memref<10240x128xf32, #tpu.memory_space<vmem_shared>>
        tpu.enqueue_indirect_dma source(%dma_start3A_197 : memref<64x128xf32, #tpu.memory_space<vmem>>) target(%dma_start3A_203 : memref<10240x128xf32, #tpu.memory_space<vmem_shared>>) offsets(%dma_start3A_200 : memref<64xi32, #tpu.memory_space<vmem>>) semaphore(%arg17 : memref<!tpu.dma_semaphore, #tpu.memory_space<semaphore_mem>>) {add = true}
        %mul3A_204 = arith.constant 4 : i32
        %mul3A_205 = arith.muli %add3A_125, %mul3A_204 : i32
        %add3A_206 = arith.constant 3 : i32
        %add3A_207 = arith.addi %mul3A_205, %add3A_206 : i32
        %dma_wait3A_208 = arith.constant 3 : i32
        %dma_wait3A_209 = arith.constant 0 : i32
        %dma_wait3A_210 = arith.constant 0 : i32
        %dma_wait3A_211 = tpu.memref_slice %arg9[%dma_wait3A_208, %dma_wait3A_209, %dma_wait3A_210] : memref<4x64x128xf32, #tpu.memory_space<vmem>> -> memref<1x64x128xf32, #tpu.memory_space<vmem>>
        %dma_wait3A_212 = tpu.memref_squeeze %dma_wait3A_211 : memref<1x64x128xf32, #tpu.memory_space<vmem>> -> memref<64x128xf32, #tpu.memory_space<vmem>>
        %dma_wait3A_213 = arith.constant 0 : i32
        %dma_wait3A_214 = tpu.memref_slice %arg7[%add3A_207, %dma_wait3A_213] : memref<40x64xi32, #tpu.memory_space<vmem>> -> memref<1x64xi32, #tpu.memory_space<vmem>>
        %dma_wait3A_215 = tpu.memref_squeeze %dma_wait3A_214 : memref<1x64xi32, #tpu.memory_space<vmem>> -> memref<64xi32, #tpu.memory_space<vmem>>
        %dma_wait3A_216 = arith.constant 0 : i32
        %dma_wait3A_217 = arith.constant 0 : i32
        %dma_wait3A_218 = tpu.memref_slice %arg2[%dma_wait3A_216, %dma_wait3A_217] : memref<10240x128xf32, #tpu.memory_space<hbm>> -> memref<10240x128xf32, #tpu.memory_space<hbm>>
        tpu.wait_indirect_dma semaphore(%arg14 : memref<!tpu.dma_semaphore, #tpu.memory_space<semaphore_mem>>) src(%dma_wait3A_218 : memref<10240x128xf32, #tpu.memory_space<hbm>>) dst(%dma_wait3A_212 : memref<64x128xf32, #tpu.memory_space<vmem>>)
        %dma_start3A_219 = arith.constant 3 : i32
        %dma_start3A_220 = arith.constant 0 : i32
        %dma_start3A_221 = arith.constant 0 : i32
        %dma_start3A_222 = tpu.memref_slice %arg9[%dma_start3A_219, %dma_start3A_220, %dma_start3A_221] : memref<4x64x128xf32, #tpu.memory_space<vmem>> -> memref<1x64x128xf32, #tpu.memory_space<vmem>>
        %dma_start3A_223 = tpu.memref_squeeze %dma_start3A_222 : memref<1x64x128xf32, #tpu.memory_space<vmem>> -> memref<64x128xf32, #tpu.memory_space<vmem>>
        %dma_start3A_224 = arith.constant 0 : i32
        %dma_start3A_225 = tpu.memref_slice %arg8[%add3A_207, %dma_start3A_224] : memref<40x64xi32, #tpu.memory_space<vmem>> -> memref<1x64xi32, #tpu.memory_space<vmem>>
        %dma_start3A_226 = tpu.memref_squeeze %dma_start3A_225 : memref<1x64xi32, #tpu.memory_space<vmem>> -> memref<64xi32, #tpu.memory_space<vmem>>
        %dma_start3A_227 = arith.constant 0 : i32
        %dma_start3A_228 = arith.constant 0 : i32
        %dma_start3A_229 = tpu.memref_slice %arg10[%dma_start3A_227, %dma_start3A_228] : memref<10240x128xf32, #tpu.memory_space<vmem_shared>> -> memref<10240x128xf32, #tpu.memory_space<vmem_shared>>
        tpu.enqueue_indirect_dma source(%dma_start3A_223 : memref<64x128xf32, #tpu.memory_space<vmem>>) target(%dma_start3A_229 : memref<10240x128xf32, #tpu.memory_space<vmem_shared>>) offsets(%dma_start3A_226 : memref<64xi32, #tpu.memory_space<vmem>>) semaphore(%arg18 : memref<!tpu.dma_semaphore, #tpu.memory_space<semaphore_mem>>) {add = true}
        %mul3A_230 = arith.constant 4 : i32
        %mul3A_231 = arith.muli %add3A_125, %mul3A_230 : i32
        %add3A_232 = arith.constant 0 : i32
        %add3A_233 = arith.addi %mul3A_231, %add3A_232 : i32
        %add3A_234 = arith.constant 1 : i32
        %add3A_235 = arith.addi %add3A_125, %add3A_234 : i32
        %lt3A = arith.constant 10 : i32
        %lt3A_236 = arith.cmpi slt, %add3A_235, %lt3A : i32
        %convert_element_type3A = arith.extui %lt3A_236 : i1 to i32
        %cond3A = arith.constant 0 : i32
        %cond3A_237 = arith.cmpi ne, %convert_element_type3A, %cond3A : i32
        scf.if %cond3A_237 {
          %dma_wait3A_271 = arith.constant 0 : i32
          %dma_wait3A_272 = arith.constant 0 : i32
          %dma_wait3A_273 = arith.constant 0 : i32
          %dma_wait3A_274 = tpu.memref_slice %arg9[%dma_wait3A_271, %dma_wait3A_272, %dma_wait3A_273] : memref<4x64x128xf32, #tpu.memory_space<vmem>> -> memref<1x64x128xf32, #tpu.memory_space<vmem>>
          %dma_wait3A_275 = tpu.memref_squeeze %dma_wait3A_274 : memref<1x64x128xf32, #tpu.memory_space<vmem>> -> memref<64x128xf32, #tpu.memory_space<vmem>>
          %dma_wait3A_276 = arith.constant 0 : i32
          %dma_wait3A_277 = tpu.memref_slice %arg8[%add3A_233, %dma_wait3A_276] : memref<40x64xi32, #tpu.memory_space<vmem>> -> memref<1x64xi32, #tpu.memory_space<vmem>>
          %dma_wait3A_278 = tpu.memref_squeeze %dma_wait3A_277 : memref<1x64xi32, #tpu.memory_space<vmem>> -> memref<64xi32, #tpu.memory_space<vmem>>
          %dma_wait3A_279 = arith.constant 0 : i32
          %dma_wait3A_280 = arith.constant 0 : i32
          %dma_wait3A_281 = tpu.memref_slice %arg10[%dma_wait3A_279, %dma_wait3A_280] : memref<10240x128xf32, #tpu.memory_space<vmem_shared>> -> memref<10240x128xf32, #tpu.memory_space<vmem_shared>>
          tpu.wait_indirect_dma semaphore(%arg15 : memref<!tpu.dma_semaphore, #tpu.memory_space<semaphore_mem>>) src(%dma_wait3A_275 : memref<64x128xf32, #tpu.memory_space<vmem>>) dst(%dma_wait3A_281 : memref<10240x128xf32, #tpu.memory_space<vmem_shared>>)
          %add3A_282 = arith.constant 4 : i32
          %add3A_283 = arith.addi %add3A_233, %add3A_282 : i32
          %dma_start3A_284 = arith.constant 0 : i32
          %dma_start3A_285 = arith.constant 0 : i32
          %dma_start3A_286 = arith.constant 0 : i32
          %dma_start3A_287 = tpu.memref_slice %arg9[%dma_start3A_284, %dma_start3A_285, %dma_start3A_286] : memref<4x64x128xf32, #tpu.memory_space<vmem>> -> memref<1x64x128xf32, #tpu.memory_space<vmem>>
          %dma_start3A_288 = tpu.memref_squeeze %dma_start3A_287 : memref<1x64x128xf32, #tpu.memory_space<vmem>> -> memref<64x128xf32, #tpu.memory_space<vmem>>
          %dma_start3A_289 = arith.constant 0 : i32
          %dma_start3A_290 = tpu.memref_slice %arg7[%add3A_283, %dma_start3A_289] : memref<40x64xi32, #tpu.memory_space<vmem>> -> memref<1x64xi32, #tpu.memory_space<vmem>>
          %dma_start3A_291 = tpu.memref_squeeze %dma_start3A_290 : memref<1x64xi32, #tpu.memory_space<vmem>> -> memref<64xi32, #tpu.memory_space<vmem>>
          %dma_start3A_292 = arith.constant 0 : i32
          %dma_start3A_293 = arith.constant 0 : i32
          %dma_start3A_294 = tpu.memref_slice %arg2[%dma_start3A_292, %dma_start3A_293] : memref<10240x128xf32, #tpu.memory_space<hbm>> -> memref<10240x128xf32, #tpu.memory_space<hbm>>
          tpu.enqueue_indirect_dma source(%dma_start3A_294 : memref<10240x128xf32, #tpu.memory_space<hbm>>) target(%dma_start3A_288 : memref<64x128xf32, #tpu.memory_space<vmem>>) offsets(%dma_start3A_291 : memref<64xi32, #tpu.memory_space<vmem>>) semaphore(%arg11 : memref<!tpu.dma_semaphore, #tpu.memory_space<semaphore_mem>>)
        } else {
        }
        %mul3A_238 = arith.constant 4 : i32
        %mul3A_239 = arith.muli %add3A_125, %mul3A_238 : i32
        %add3A_240 = arith.constant 1 : i32
        %add3A_241 = arith.addi %mul3A_239, %add3A_240 : i32
        %add3A_242 = arith.constant 1 : i32
        %add3A_243 = arith.addi %add3A_125, %add3A_242 : i32
        %lt3A_244 = arith.constant 10 : i32
        %lt3A_245 = arith.cmpi slt, %add3A_243, %lt3A_244 : i32
        %convert_element_type3A_246 = arith.extui %lt3A_245 : i1 to i32
        %cond3A_247 = arith.constant 0 : i32
        %cond3A_248 = arith.cmpi ne, %convert_element_type3A_246, %cond3A_247 : i32
        scf.if %cond3A_248 {
          %dma_wait3A_271 = arith.constant 1 : i32
          %dma_wait3A_272 = arith.constant 0 : i32
          %dma_wait3A_273 = arith.constant 0 : i32
          %dma_wait3A_274 = tpu.memref_slice %arg9[%dma_wait3A_271, %dma_wait3A_272, %dma_wait3A_273] : memref<4x64x128xf32, #tpu.memory_space<vmem>> -> memref<1x64x128xf32, #tpu.memory_space<vmem>>
          %dma_wait3A_275 = tpu.memref_squeeze %dma_wait3A_274 : memref<1x64x128xf32, #tpu.memory_space<vmem>> -> memref<64x128xf32, #tpu.memory_space<vmem>>
          %dma_wait3A_276 = arith.constant 0 : i32
          %dma_wait3A_277 = tpu.memref_slice %arg8[%add3A_241, %dma_wait3A_276] : memref<40x64xi32, #tpu.memory_space<vmem>> -> memref<1x64xi32, #tpu.memory_space<vmem>>
          %dma_wait3A_278 = tpu.memref_squeeze %dma_wait3A_277 : memref<1x64xi32, #tpu.memory_space<vmem>> -> memref<64xi32, #tpu.memory_space<vmem>>
          %dma_wait3A_279 = arith.constant 0 : i32
          %dma_wait3A_280 = arith.constant 0 : i32
          %dma_wait3A_281 = tpu.memref_slice %arg10[%dma_wait3A_279, %dma_wait3A_280] : memref<10240x128xf32, #tpu.memory_space<vmem_shared>> -> memref<10240x128xf32, #tpu.memory_space<vmem_shared>>
          tpu.wait_indirect_dma semaphore(%arg16 : memref<!tpu.dma_semaphore, #tpu.memory_space<semaphore_mem>>) src(%dma_wait3A_275 : memref<64x128xf32, #tpu.memory_space<vmem>>) dst(%dma_wait3A_281 : memref<10240x128xf32, #tpu.memory_space<vmem_shared>>)
          %add3A_282 = arith.constant 4 : i32
          %add3A_283 = arith.addi %add3A_241, %add3A_282 : i32
          %dma_start3A_284 = arith.constant 1 : i32
          %dma_start3A_285 = arith.constant 0 : i32
          %dma_start3A_286 = arith.constant 0 : i32
          %dma_start3A_287 = tpu.memref_slice %arg9[%dma_start3A_284, %dma_start3A_285, %dma_start3A_286] : memref<4x64x128xf32, #tpu.memory_space<vmem>> -> memref<1x64x128xf32, #tpu.memory_space<vmem>>
          %dma_start3A_288 = tpu.memref_squeeze %dma_start3A_287 : memref<1x64x128xf32, #tpu.memory_space<vmem>> -> memref<64x128xf32, #tpu.memory_space<vmem>>
          %dma_start3A_289 = arith.constant 0 : i32
          %dma_start3A_290 = tpu.memref_slice %arg7[%add3A_283, %dma_start3A_289] : memref<40x64xi32, #tpu.memory_space<vmem>> -> memref<1x64xi32, #tpu.memory_space<vmem>>
          %dma_start3A_291 = tpu.memref_squeeze %dma_start3A_290 : memref<1x64xi32, #tpu.memory_space<vmem>> -> memref<64xi32, #tpu.memory_space<vmem>>
          %dma_start3A_292 = arith.constant 0 : i32
          %dma_start3A_293 = arith.constant 0 : i32
          %dma_start3A_294 = tpu.memref_slice %arg2[%dma_start3A_292, %dma_start3A_293] : memref<10240x128xf32, #tpu.memory_space<hbm>> -> memref<10240x128xf32, #tpu.memory_space<hbm>>
          tpu.enqueue_indirect_dma source(%dma_start3A_294 : memref<10240x128xf32, #tpu.memory_space<hbm>>) target(%dma_start3A_288 : memref<64x128xf32, #tpu.memory_space<vmem>>) offsets(%dma_start3A_291 : memref<64xi32, #tpu.memory_space<vmem>>) semaphore(%arg12 : memref<!tpu.dma_semaphore, #tpu.memory_space<semaphore_mem>>)
        } else {
        }
        %mul3A_249 = arith.constant 4 : i32
        %mul3A_250 = arith.muli %add3A_125, %mul3A_249 : i32
        %add3A_251 = arith.constant 2 : i32
        %add3A_252 = arith.addi %mul3A_250, %add3A_251 : i32
        %add3A_253 = arith.constant 1 : i32
        %add3A_254 = arith.addi %add3A_125, %add3A_253 : i32
        %lt3A_255 = arith.constant 10 : i32
        %lt3A_256 = arith.cmpi slt, %add3A_254, %lt3A_255 : i32
        %convert_element_type3A_257 = arith.extui %lt3A_256 : i1 to i32
        %cond3A_258 = arith.constant 0 : i32
        %cond3A_259 = arith.cmpi ne, %convert_element_type3A_257, %cond3A_258 : i32
        scf.if %cond3A_259 {
          %dma_wait3A_271 = arith.constant 2 : i32
          %dma_wait3A_272 = arith.constant 0 : i32
          %dma_wait3A_273 = arith.constant 0 : i32
          %dma_wait3A_274 = tpu.memref_slice %arg9[%dma_wait3A_271, %dma_wait3A_272, %dma_wait3A_273] : memref<4x64x128xf32, #tpu.memory_space<vmem>> -> memref<1x64x128xf32, #tpu.memory_space<vmem>>
          %dma_wait3A_275 = tpu.memref_squeeze %dma_wait3A_274 : memref<1x64x128xf32, #tpu.memory_space<vmem>> -> memref<64x128xf32, #tpu.memory_space<vmem>>
          %dma_wait3A_276 = arith.constant 0 : i32
          %dma_wait3A_277 = tpu.memref_slice %arg8[%add3A_252, %dma_wait3A_276] : memref<40x64xi32, #tpu.memory_space<vmem>> -> memref<1x64xi32, #tpu.memory_space<vmem>>
          %dma_wait3A_278 = tpu.memref_squeeze %dma_wait3A_277 : memref<1x64xi32, #tpu.memory_space<vmem>> -> memref<64xi32, #tpu.memory_space<vmem>>
          %dma_wait3A_279 = arith.constant 0 : i32
          %dma_wait3A_280 = arith.constant 0 : i32
          %dma_wait3A_281 = tpu.memref_slice %arg10[%dma_wait3A_279, %dma_wait3A_280] : memref<10240x128xf32, #tpu.memory_space<vmem_shared>> -> memref<10240x128xf32, #tpu.memory_space<vmem_shared>>
          tpu.wait_indirect_dma semaphore(%arg17 : memref<!tpu.dma_semaphore, #tpu.memory_space<semaphore_mem>>) src(%dma_wait3A_275 : memref<64x128xf32, #tpu.memory_space<vmem>>) dst(%dma_wait3A_281 : memref<10240x128xf32, #tpu.memory_space<vmem_shared>>)
          %add3A_282 = arith.constant 4 : i32
          %add3A_283 = arith.addi %add3A_252, %add3A_282 : i32
          %dma_start3A_284 = arith.constant 2 : i32
          %dma_start3A_285 = arith.constant 0 : i32
          %dma_start3A_286 = arith.constant 0 : i32
          %dma_start3A_287 = tpu.memref_slice %arg9[%dma_start3A_284, %dma_start3A_285, %dma_start3A_286] : memref<4x64x128xf32, #tpu.memory_space<vmem>> -> memref<1x64x128xf32, #tpu.memory_space<vmem>>
          %dma_start3A_288 = tpu.memref_squeeze %dma_start3A_287 : memref<1x64x128xf32, #tpu.memory_space<vmem>> -> memref<64x128xf32, #tpu.memory_space<vmem>>
          %dma_start3A_289 = arith.constant 0 : i32
          %dma_start3A_290 = tpu.memref_slice %arg7[%add3A_283, %dma_start3A_289] : memref<40x64xi32, #tpu.memory_space<vmem>> -> memref<1x64xi32, #tpu.memory_space<vmem>>
          %dma_start3A_291 = tpu.memref_squeeze %dma_start3A_290 : memref<1x64xi32, #tpu.memory_space<vmem>> -> memref<64xi32, #tpu.memory_space<vmem>>
          %dma_start3A_292 = arith.constant 0 : i32
          %dma_start3A_293 = arith.constant 0 : i32
          %dma_start3A_294 = tpu.memref_slice %arg2[%dma_start3A_292, %dma_start3A_293] : memref<10240x128xf32, #tpu.memory_space<hbm>> -> memref<10240x128xf32, #tpu.memory_space<hbm>>
          tpu.enqueue_indirect_dma source(%dma_start3A_294 : memref<10240x128xf32, #tpu.memory_space<hbm>>) target(%dma_start3A_288 : memref<64x128xf32, #tpu.memory_space<vmem>>) offsets(%dma_start3A_291 : memref<64xi32, #tpu.memory_space<vmem>>) semaphore(%arg13 : memref<!tpu.dma_semaphore, #tpu.memory_space<semaphore_mem>>)
        } else {
        }
        %mul3A_260 = arith.constant 4 : i32
        %mul3A_261 = arith.muli %add3A_125, %mul3A_260 : i32
        %add3A_262 = arith.constant 3 : i32
        %add3A_263 = arith.addi %mul3A_261, %add3A_262 : i32
        %add3A_264 = arith.constant 1 : i32
        %add3A_265 = arith.addi %add3A_125, %add3A_264 : i32
        %lt3A_266 = arith.constant 10 : i32
        %lt3A_267 = arith.cmpi slt, %add3A_265, %lt3A_266 : i32
        %convert_element_type3A_268 = arith.extui %lt3A_267 : i1 to i32
        %cond3A_269 = arith.constant 0 : i32
        %cond3A_270 = arith.cmpi ne, %convert_element_type3A_268, %cond3A_269 : i32
        scf.if %cond3A_270 {
          %dma_wait3A_271 = arith.constant 3 : i32
          %dma_wait3A_272 = arith.constant 0 : i32
          %dma_wait3A_273 = arith.constant 0 : i32
          %dma_wait3A_274 = tpu.memref_slice %arg9[%dma_wait3A_271, %dma_wait3A_272, %dma_wait3A_273] : memref<4x64x128xf32, #tpu.memory_space<vmem>> -> memref<1x64x128xf32, #tpu.memory_space<vmem>>
          %dma_wait3A_275 = tpu.memref_squeeze %dma_wait3A_274 : memref<1x64x128xf32, #tpu.memory_space<vmem>> -> memref<64x128xf32, #tpu.memory_space<vmem>>
          %dma_wait3A_276 = arith.constant 0 : i32
          %dma_wait3A_277 = tpu.memref_slice %arg8[%add3A_263, %dma_wait3A_276] : memref<40x64xi32, #tpu.memory_space<vmem>> -> memref<1x64xi32, #tpu.memory_space<vmem>>
          %dma_wait3A_278 = tpu.memref_squeeze %dma_wait3A_277 : memref<1x64xi32, #tpu.memory_space<vmem>> -> memref<64xi32, #tpu.memory_space<vmem>>
          %dma_wait3A_279 = arith.constant 0 : i32
          %dma_wait3A_280 = arith.constant 0 : i32
          %dma_wait3A_281 = tpu.memref_slice %arg10[%dma_wait3A_279, %dma_wait3A_280] : memref<10240x128xf32, #tpu.memory_space<vmem_shared>> -> memref<10240x128xf32, #tpu.memory_space<vmem_shared>>
          tpu.wait_indirect_dma semaphore(%arg18 : memref<!tpu.dma_semaphore, #tpu.memory_space<semaphore_mem>>) src(%dma_wait3A_275 : memref<64x128xf32, #tpu.memory_space<vmem>>) dst(%dma_wait3A_281 : memref<10240x128xf32, #tpu.memory_space<vmem_shared>>)
          %add3A_282 = arith.constant 4 : i32
          %add3A_283 = arith.addi %add3A_263, %add3A_282 : i32
          %dma_start3A_284 = arith.constant 3 : i32
          %dma_start3A_285 = arith.constant 0 : i32
          %dma_start3A_286 = arith.constant 0 : i32
          %dma_start3A_287 = tpu.memref_slice %arg9[%dma_start3A_284, %dma_start3A_285, %dma_start3A_286] : memref<4x64x128xf32, #tpu.memory_space<vmem>> -> memref<1x64x128xf32, #tpu.memory_space<vmem>>
          %dma_start3A_288 = tpu.memref_squeeze %dma_start3A_287 : memref<1x64x128xf32, #tpu.memory_space<vmem>> -> memref<64x128xf32, #tpu.memory_space<vmem>>
          %dma_start3A_289 = arith.constant 0 : i32
          %dma_start3A_290 = tpu.memref_slice %arg7[%add3A_283, %dma_start3A_289] : memref<40x64xi32, #tpu.memory_space<vmem>> -> memref<1x64xi32, #tpu.memory_space<vmem>>
          %dma_start3A_291 = tpu.memref_squeeze %dma_start3A_290 : memref<1x64xi32, #tpu.memory_space<vmem>> -> memref<64xi32, #tpu.memory_space<vmem>>
          %dma_start3A_292 = arith.constant 0 : i32
          %dma_start3A_293 = arith.constant 0 : i32
          %dma_start3A_294 = tpu.memref_slice %arg2[%dma_start3A_292, %dma_start3A_293] : memref<10240x128xf32, #tpu.memory_space<hbm>> -> memref<10240x128xf32, #tpu.memory_space<hbm>>
          tpu.enqueue_indirect_dma source(%dma_start3A_294 : memref<10240x128xf32, #tpu.memory_space<hbm>>) target(%dma_start3A_288 : memref<64x128xf32, #tpu.memory_space<vmem>>) offsets(%dma_start3A_291 : memref<64xi32, #tpu.memory_space<vmem>>) semaphore(%arg14 : memref<!tpu.dma_semaphore, #tpu.memory_space<semaphore_mem>>)
        } else {
        }
      }
      %scan3A_73 = arith.constant 10 : i32
      %dma_wait3A = arith.constant 0 : i32
      %dma_wait3A_74 = arith.constant 36 : i32
      %dma_wait3A_75 = arith.constant 0 : i32
      %dma_wait3A_76 = arith.constant 0 : i32
      %dma_wait3A_77 = tpu.memref_slice %arg9[%dma_wait3A, %dma_wait3A_75, %dma_wait3A_76] : memref<4x64x128xf32, #tpu.memory_space<vmem>> -> memref<1x64x128xf32, #tpu.memory_space<vmem>>
      %dma_wait3A_78 = tpu.memref_squeeze %dma_wait3A_77 : memref<1x64x128xf32, #tpu.memory_space<vmem>> -> memref<64x128xf32, #tpu.memory_space<vmem>>
      %dma_wait3A_79 = arith.constant 0 : i32
      %dma_wait3A_80 = tpu.memref_slice %arg8[%dma_wait3A_74, %dma_wait3A_79] : memref<40x64xi32, #tpu.memory_space<vmem>> -> memref<1x64xi32, #tpu.memory_space<vmem>>
      %dma_wait3A_81 = tpu.memref_squeeze %dma_wait3A_80 : memref<1x64xi32, #tpu.memory_space<vmem>> -> memref<64xi32, #tpu.memory_space<vmem>>
      %dma_wait3A_82 = arith.constant 0 : i32
      %dma_wait3A_83 = arith.constant 0 : i32
      %dma_wait3A_84 = tpu.memref_slice %arg10[%dma_wait3A_82, %dma_wait3A_83] : memref<10240x128xf32, #tpu.memory_space<vmem_shared>> -> memref<10240x128xf32, #tpu.memory_space<vmem_shared>>
      tpu.wait_indirect_dma semaphore(%arg15 : memref<!tpu.dma_semaphore, #tpu.memory_space<semaphore_mem>>) src(%dma_wait3A_78 : memref<64x128xf32, #tpu.memory_space<vmem>>) dst(%dma_wait3A_84 : memref<10240x128xf32, #tpu.memory_space<vmem_shared>>)
      %dma_wait3A_85 = arith.constant 1 : i32
      %dma_wait3A_86 = arith.constant 37 : i32
      %dma_wait3A_87 = arith.constant 0 : i32
      %dma_wait3A_88 = arith.constant 0 : i32
      %dma_wait3A_89 = tpu.memref_slice %arg9[%dma_wait3A_85, %dma_wait3A_87, %dma_wait3A_88] : memref<4x64x128xf32, #tpu.memory_space<vmem>> -> memref<1x64x128xf32, #tpu.memory_space<vmem>>
      %dma_wait3A_90 = tpu.memref_squeeze %dma_wait3A_89 : memref<1x64x128xf32, #tpu.memory_space<vmem>> -> memref<64x128xf32, #tpu.memory_space<vmem>>
      %dma_wait3A_91 = arith.constant 0 : i32
      %dma_wait3A_92 = tpu.memref_slice %arg8[%dma_wait3A_86, %dma_wait3A_91] : memref<40x64xi32, #tpu.memory_space<vmem>> -> memref<1x64xi32, #tpu.memory_space<vmem>>
      %dma_wait3A_93 = tpu.memref_squeeze %dma_wait3A_92 : memref<1x64xi32, #tpu.memory_space<vmem>> -> memref<64xi32, #tpu.memory_space<vmem>>
      %dma_wait3A_94 = arith.constant 0 : i32
      %dma_wait3A_95 = arith.constant 0 : i32
      %dma_wait3A_96 = tpu.memref_slice %arg10[%dma_wait3A_94, %dma_wait3A_95] : memref<10240x128xf32, #tpu.memory_space<vmem_shared>> -> memref<10240x128xf32, #tpu.memory_space<vmem_shared>>
      tpu.wait_indirect_dma semaphore(%arg16 : memref<!tpu.dma_semaphore, #tpu.memory_space<semaphore_mem>>) src(%dma_wait3A_90 : memref<64x128xf32, #tpu.memory_space<vmem>>) dst(%dma_wait3A_96 : memref<10240x128xf32, #tpu.memory_space<vmem_shared>>)
      %dma_wait3A_97 = arith.constant 2 : i32
      %dma_wait3A_98 = arith.constant 38 : i32
      %dma_wait3A_99 = arith.constant 0 : i32
      %dma_wait3A_100 = arith.constant 0 : i32
      %dma_wait3A_101 = tpu.memref_slice %arg9[%dma_wait3A_97, %dma_wait3A_99, %dma_wait3A_100] : memref<4x64x128xf32, #tpu.memory_space<vmem>> -> memref<1x64x128xf32, #tpu.memory_space<vmem>>
      %dma_wait3A_102 = tpu.memref_squeeze %dma_wait3A_101 : memref<1x64x128xf32, #tpu.memory_space<vmem>> -> memref<64x128xf32, #tpu.memory_space<vmem>>
      %dma_wait3A_103 = arith.constant 0 : i32
      %dma_wait3A_104 = tpu.memref_slice %arg8[%dma_wait3A_98, %dma_wait3A_103] : memref<40x64xi32, #tpu.memory_space<vmem>> -> memref<1x64xi32, #tpu.memory_space<vmem>>
      %dma_wait3A_105 = tpu.memref_squeeze %dma_wait3A_104 : memref<1x64xi32, #tpu.memory_space<vmem>> -> memref<64xi32, #tpu.memory_space<vmem>>
      %dma_wait3A_106 = arith.constant 0 : i32
      %dma_wait3A_107 = arith.constant 0 : i32
      %dma_wait3A_108 = tpu.memref_slice %arg10[%dma_wait3A_106, %dma_wait3A_107] : memref<10240x128xf32, #tpu.memory_space<vmem_shared>> -> memref<10240x128xf32, #tpu.memory_space<vmem_shared>>
      tpu.wait_indirect_dma semaphore(%arg17 : memref<!tpu.dma_semaphore, #tpu.memory_space<semaphore_mem>>) src(%dma_wait3A_102 : memref<64x128xf32, #tpu.memory_space<vmem>>) dst(%dma_wait3A_108 : memref<10240x128xf32, #tpu.memory_space<vmem_shared>>)
      %dma_wait3A_109 = arith.constant 3 : i32
      %dma_wait3A_110 = arith.constant 39 : i32
      %dma_wait3A_111 = arith.constant 0 : i32
      %dma_wait3A_112 = arith.constant 0 : i32
      %dma_wait3A_113 = tpu.memref_slice %arg9[%dma_wait3A_109, %dma_wait3A_111, %dma_wait3A_112] : memref<4x64x128xf32, #tpu.memory_space<vmem>> -> memref<1x64x128xf32, #tpu.memory_space<vmem>>
      %dma_wait3A_114 = tpu.memref_squeeze %dma_wait3A_113 : memref<1x64x128xf32, #tpu.memory_space<vmem>> -> memref<64x128xf32, #tpu.memory_space<vmem>>
      %dma_wait3A_115 = arith.constant 0 : i32
      %dma_wait3A_116 = tpu.memref_slice %arg8[%dma_wait3A_110, %dma_wait3A_115] : memref<40x64xi32, #tpu.memory_space<vmem>> -> memref<1x64xi32, #tpu.memory_space<vmem>>
      %dma_wait3A_117 = tpu.memref_squeeze %dma_wait3A_116 : memref<1x64xi32, #tpu.memory_space<vmem>> -> memref<64xi32, #tpu.memory_space<vmem>>
      %dma_wait3A_118 = arith.constant 0 : i32
      %dma_wait3A_119 = arith.constant 0 : i32
      %dma_wait3A_120 = tpu.memref_slice %arg10[%dma_wait3A_118, %dma_wait3A_119] : memref<10240x128xf32, #tpu.memory_space<vmem_shared>> -> memref<10240x128xf32, #tpu.memory_space<vmem_shared>>
      tpu.wait_indirect_dma semaphore(%arg18 : memref<!tpu.dma_semaphore, #tpu.memory_space<semaphore_mem>>) src(%dma_wait3A_114 : memref<64x128xf32, #tpu.memory_space<vmem>>) dst(%dma_wait3A_120 : memref<10240x128xf32, #tpu.memory_space<vmem_shared>>)
    }
    %scan3A_8 = arith.constant 4 : i32
    %barrier3A_9 = arith.constant 0 : index
    tpu.barrier barrier_id(%barrier3A_9)
    %mul3A_10 = arith.constant 640 : i32
    %mul3A_11 = arith.muli %arg1, %mul3A_10 : i32
    %mul3A_12 = arith.constant 640 : i32
    %mul3A_13 = arith.muli %arg1, %mul3A_12 : i32
    "tpu.region"() ({
      %run_scoped3A = tpu.sem_alloc : memref<!tpu.dma_semaphore, #tpu.memory_space<semaphore_mem>>
      %dma_start3A = arith.constant 0 : i32
      %dma_start3A_14 = tpu.memref_slice %arg6[%arg0, %mul3A_13, %dma_start3A] : memref<2x10240x128xf32, #tpu.memory_space<hbm>> -> memref<1x640x128xf32, #tpu.memory_space<hbm>>
      %dma_start3A_15 = tpu.memref_squeeze %dma_start3A_14 : memref<1x640x128xf32, #tpu.memory_space<hbm>> -> memref<640x128xf32, #tpu.memory_space<hbm>>
      %dma_start3A_16 = arith.constant 0 : i32
      %dma_start3A_17 = tpu.memref_slice %arg10[%mul3A_11, %dma_start3A_16] : memref<10240x128xf32, #tpu.memory_space<vmem_shared>> -> memref<640x128xf32, #tpu.memory_space<vmem_shared>>
      tpu.enqueue_dma source(%dma_start3A_17 : memref<640x128xf32, #tpu.memory_space<vmem_shared>>) target(%dma_start3A_15 : memref<640x128xf32, #tpu.memory_space<hbm>>) target_semaphore(%run_scoped3A : memref<!tpu.dma_semaphore, #tpu.memory_space<semaphore_mem>>)
      %dma_wait3A = arith.constant 0 : i32
      %dma_wait3A_18 = tpu.memref_slice %arg6[%arg0, %mul3A_13, %dma_wait3A] : memref<2x10240x128xf32, #tpu.memory_space<hbm>> -> memref<1x640x128xf32, #tpu.memory_space<hbm>>
      %dma_wait3A_19 = tpu.memref_squeeze %dma_wait3A_18 : memref<1x640x128xf32, #tpu.memory_space<hbm>> -> memref<640x128xf32, #tpu.memory_space<hbm>>
      %dma_wait3A_20 = arith.constant 0 : i32
      %dma_wait3A_21 = tpu.memref_slice %arg10[%mul3A_11, %dma_wait3A_20] : memref<10240x128xf32, #tpu.memory_space<vmem_shared>> -> memref<640x128xf32, #tpu.memory_space<vmem_shared>>
      tpu.wait_dma2 semaphore(%run_scoped3A : memref<!tpu.dma_semaphore, #tpu.memory_space<semaphore_mem>>) src(%dma_wait3A_21 : memref<640x128xf32, #tpu.memory_space<vmem_shared>>) dst(%dma_wait3A_19 : memref<640x128xf32, #tpu.memory_space<hbm>>)
      tpu.yield
    }) : () -> ()
    return
  }
}

#map = affine_map<(d0, d1) -> (0, 0)>
#map1 = affine_map<(d0, d1) -> (0, 0, 0)>
module attributes {stable_mosaic.version = 14 : i64} {
  func.func @deg_kernel(%arg0: i32, %arg1: i32, %arg2: memref<5120x64xi32, #tpu.memory_space<hbm>>, %arg3: memref<64x128xf32, #tpu.memory_space<hbm>>, %arg4: memref<640x128xf32, #tpu.memory_space<hbm>>, %arg5: memref<2x10240x128xf32, #tpu.memory_space<hbm>>, %arg6: memref<160x64xi32, #tpu.memory_space<vmem>>, %arg7: memref<64x128xf32, #tpu.memory_space<vmem>>, %arg8: memref<10240x128xf32, #tpu.memory_space<vmem_shared>>, %arg9: memref<!tpu.dma_semaphore, #tpu.memory_space<semaphore_mem>>, %arg10: memref<!tpu.dma_semaphore, #tpu.memory_space<semaphore_mem>>, %arg11: memref<!tpu.dma_semaphore, #tpu.memory_space<semaphore_mem>>, %arg12: memref<!tpu.dma_semaphore, #tpu.memory_space<semaphore_mem>>) attributes {dimension_semantics = [#tpu.dimension_semantics<core_parallel>, #tpu.dimension_semantics<subcore_parallel>], iteration_bounds = array<i64: 2, 16>, scalar_prefetch = 0 : i64, scratch_operands = 7 : i64, tpu.core_type = #tpu.core_type<sc_vector_subcore>, window_params = [{transform_indices = #map}, {transform_indices = #map}, {transform_indices = #map}, {transform_indices = #map1}]} {
    %mul3A = arith.constant 16 : i32
    %mul3A_0 = arith.muli %arg0, %mul3A : i32
    %add3A = arith.addi %mul3A_0, %arg1 : i32
    %mul3A_1 = arith.constant 160 : i32
    %mul3A_2 = arith.muli %add3A, %mul3A_1 : i32
    "tpu.region"() ({
      %run_scoped3A = tpu.sem_alloc : memref<!tpu.dma_semaphore, #tpu.memory_space<semaphore_mem>>
      %dma_start3A_68 = arith.constant 0 : i32
      %dma_start3A_69 = tpu.memref_slice %arg2[%mul3A_2, %dma_start3A_68] : memref<5120x64xi32, #tpu.memory_space<hbm>> -> memref<160x64xi32, #tpu.memory_space<hbm>>
      %dma_start3A_70 = arith.constant 0 : i32
      %dma_start3A_71 = tpu.memref_slice %arg2[%mul3A_2, %dma_start3A_70] : memref<5120x64xi32, #tpu.memory_space<hbm>> -> memref<160x64xi32, #tpu.memory_space<hbm>>
      tpu.enqueue_dma source(%dma_start3A_71 : memref<160x64xi32, #tpu.memory_space<hbm>>) target(%arg6 : memref<160x64xi32, #tpu.memory_space<vmem>>) target_semaphore(%run_scoped3A : memref<!tpu.dma_semaphore, #tpu.memory_space<semaphore_mem>>)
      %dma_wait3A_72 = arith.constant 0 : i32
      %dma_wait3A_73 = tpu.memref_slice %arg2[%mul3A_2, %dma_wait3A_72] : memref<5120x64xi32, #tpu.memory_space<hbm>> -> memref<160x64xi32, #tpu.memory_space<hbm>>
      %dma_wait3A_74 = arith.constant 0 : i32
      %dma_wait3A_75 = tpu.memref_slice %arg2[%mul3A_2, %dma_wait3A_74] : memref<5120x64xi32, #tpu.memory_space<hbm>> -> memref<160x64xi32, #tpu.memory_space<hbm>>
      tpu.wait_dma2 semaphore(%run_scoped3A : memref<!tpu.dma_semaphore, #tpu.memory_space<semaphore_mem>>) src(%dma_wait3A_75 : memref<160x64xi32, #tpu.memory_space<hbm>>) dst(%arg6 : memref<160x64xi32, #tpu.memory_space<vmem>>)
      tpu.yield
    }) : () -> ()
    "tpu.region"() ({
      %run_scoped3A = tpu.sem_alloc : memref<!tpu.dma_semaphore, #tpu.memory_space<semaphore_mem>>
      tpu.enqueue_dma source(%arg3 : memref<64x128xf32, #tpu.memory_space<hbm>>) target(%arg7 : memref<64x128xf32, #tpu.memory_space<vmem>>) target_semaphore(%run_scoped3A : memref<!tpu.dma_semaphore, #tpu.memory_space<semaphore_mem>>)
      tpu.wait_dma2 semaphore(%run_scoped3A : memref<!tpu.dma_semaphore, #tpu.memory_space<semaphore_mem>>) src(%arg3 : memref<64x128xf32, #tpu.memory_space<hbm>>) dst(%arg7 : memref<64x128xf32, #tpu.memory_space<vmem>>)
      tpu.yield
    }) : () -> ()
    %mul3A_3 = arith.constant 640 : i32
    %mul3A_4 = arith.muli %arg1, %mul3A_3 : i32
    "tpu.region"() ({
      %run_scoped3A = tpu.sem_alloc : memref<!tpu.dma_semaphore, #tpu.memory_space<semaphore_mem>>
      %dma_start3A_68 = arith.constant 0 : i32
      %dma_start3A_69 = tpu.memref_slice %arg8[%mul3A_4, %dma_start3A_68] : memref<10240x128xf32, #tpu.memory_space<vmem_shared>> -> memref<640x128xf32, #tpu.memory_space<vmem_shared>>
      tpu.enqueue_dma source(%arg4 : memref<640x128xf32, #tpu.memory_space<hbm>>) target(%dma_start3A_69 : memref<640x128xf32, #tpu.memory_space<vmem_shared>>) target_semaphore(%run_scoped3A : memref<!tpu.dma_semaphore, #tpu.memory_space<semaphore_mem>>)
      %dma_wait3A_70 = arith.constant 0 : i32
      %dma_wait3A_71 = tpu.memref_slice %arg8[%mul3A_4, %dma_wait3A_70] : memref<10240x128xf32, #tpu.memory_space<vmem_shared>> -> memref<640x128xf32, #tpu.memory_space<vmem_shared>>
      tpu.wait_dma2 semaphore(%run_scoped3A : memref<!tpu.dma_semaphore, #tpu.memory_space<semaphore_mem>>) src(%arg4 : memref<640x128xf32, #tpu.memory_space<hbm>>) dst(%dma_wait3A_71 : memref<640x128xf32, #tpu.memory_space<vmem_shared>>)
      tpu.yield
    }) : () -> ()
    %barrier3A = arith.constant 0 : index
    tpu.barrier barrier_id(%barrier3A)
    %dma_start3A = arith.constant 0 : i32
    %dma_start3A_5 = arith.constant 0 : i32
    %dma_start3A_6 = tpu.memref_slice %arg6[%dma_start3A, %dma_start3A_5] : memref<160x64xi32, #tpu.memory_space<vmem>> -> memref<1x64xi32, #tpu.memory_space<vmem>>
    %dma_start3A_7 = tpu.memref_squeeze %dma_start3A_6 : memref<1x64xi32, #tpu.memory_space<vmem>> -> memref<64xi32, #tpu.memory_space<vmem>>
    %dma_start3A_8 = arith.constant 0 : i32
    %dma_start3A_9 = arith.constant 0 : i32
    %dma_start3A_10 = tpu.memref_slice %arg8[%dma_start3A_8, %dma_start3A_9] : memref<10240x128xf32, #tpu.memory_space<vmem_shared>> -> memref<10240x128xf32, #tpu.memory_space<vmem_shared>>
    tpu.enqueue_indirect_dma source(%arg7 : memref<64x128xf32, #tpu.memory_space<vmem>>) target(%dma_start3A_10 : memref<10240x128xf32, #tpu.memory_space<vmem_shared>>) offsets(%dma_start3A_7 : memref<64xi32, #tpu.memory_space<vmem>>) semaphore(%arg9 : memref<!tpu.dma_semaphore, #tpu.memory_space<semaphore_mem>>) {add = true}
    %dma_start3A_11 = arith.constant 1 : i32
    %dma_start3A_12 = arith.constant 0 : i32
    %dma_start3A_13 = tpu.memref_slice %arg6[%dma_start3A_11, %dma_start3A_12] : memref<160x64xi32, #tpu.memory_space<vmem>> -> memref<1x64xi32, #tpu.memory_space<vmem>>
    %dma_start3A_14 = tpu.memref_squeeze %dma_start3A_13 : memref<1x64xi32, #tpu.memory_space<vmem>> -> memref<64xi32, #tpu.memory_space<vmem>>
    %dma_start3A_15 = arith.constant 0 : i32
    %dma_start3A_16 = arith.constant 0 : i32
    %dma_start3A_17 = tpu.memref_slice %arg8[%dma_start3A_15, %dma_start3A_16] : memref<10240x128xf32, #tpu.memory_space<vmem_shared>> -> memref<10240x128xf32, #tpu.memory_space<vmem_shared>>
    tpu.enqueue_indirect_dma source(%arg7 : memref<64x128xf32, #tpu.memory_space<vmem>>) target(%dma_start3A_17 : memref<10240x128xf32, #tpu.memory_space<vmem_shared>>) offsets(%dma_start3A_14 : memref<64xi32, #tpu.memory_space<vmem>>) semaphore(%arg10 : memref<!tpu.dma_semaphore, #tpu.memory_space<semaphore_mem>>) {add = true}
    %dma_start3A_18 = arith.constant 2 : i32
    %dma_start3A_19 = arith.constant 0 : i32
    %dma_start3A_20 = tpu.memref_slice %arg6[%dma_start3A_18, %dma_start3A_19] : memref<160x64xi32, #tpu.memory_space<vmem>> -> memref<1x64xi32, #tpu.memory_space<vmem>>
    %dma_start3A_21 = tpu.memref_squeeze %dma_start3A_20 : memref<1x64xi32, #tpu.memory_space<vmem>> -> memref<64xi32, #tpu.memory_space<vmem>>
    %dma_start3A_22 = arith.constant 0 : i32
    %dma_start3A_23 = arith.constant 0 : i32
    %dma_start3A_24 = tpu.memref_slice %arg8[%dma_start3A_22, %dma_start3A_23] : memref<10240x128xf32, #tpu.memory_space<vmem_shared>> -> memref<10240x128xf32, #tpu.memory_space<vmem_shared>>
    tpu.enqueue_indirect_dma source(%arg7 : memref<64x128xf32, #tpu.memory_space<vmem>>) target(%dma_start3A_24 : memref<10240x128xf32, #tpu.memory_space<vmem_shared>>) offsets(%dma_start3A_21 : memref<64xi32, #tpu.memory_space<vmem>>) semaphore(%arg11 : memref<!tpu.dma_semaphore, #tpu.memory_space<semaphore_mem>>) {add = true}
    %dma_start3A_25 = arith.constant 3 : i32
    %dma_start3A_26 = arith.constant 0 : i32
    %dma_start3A_27 = tpu.memref_slice %arg6[%dma_start3A_25, %dma_start3A_26] : memref<160x64xi32, #tpu.memory_space<vmem>> -> memref<1x64xi32, #tpu.memory_space<vmem>>
    %dma_start3A_28 = tpu.memref_squeeze %dma_start3A_27 : memref<1x64xi32, #tpu.memory_space<vmem>> -> memref<64xi32, #tpu.memory_space<vmem>>
    %dma_start3A_29 = arith.constant 0 : i32
    %dma_start3A_30 = arith.constant 0 : i32
    %dma_start3A_31 = tpu.memref_slice %arg8[%dma_start3A_29, %dma_start3A_30] : memref<10240x128xf32, #tpu.memory_space<vmem_shared>> -> memref<10240x128xf32, #tpu.memory_space<vmem_shared>>
    tpu.enqueue_indirect_dma source(%arg7 : memref<64x128xf32, #tpu.memory_space<vmem>>) target(%dma_start3A_31 : memref<10240x128xf32, #tpu.memory_space<vmem_shared>>) offsets(%dma_start3A_28 : memref<64xi32, #tpu.memory_space<vmem>>) semaphore(%arg12 : memref<!tpu.dma_semaphore, #tpu.memory_space<semaphore_mem>>) {add = true}
    %scan3A = arith.constant 0 : i32
    %scan3A_32 = arith.constant 39 : i32
    %scan3A_33 = arith.addi %scan3A, %scan3A_32 : i32
    %scan3A_34 = arith.constant 1 : i32
    scf.for %scan3A_68 = %scan3A to %scan3A_33 step %scan3A_34  : i32 {
      %mul3A_69 = arith.constant 1 : i32
      %mul3A_70 = arith.muli %scan3A_68, %mul3A_69 : i32
      %add3A_71 = arith.constant 0 : i32
      %add3A_72 = arith.addi %add3A_71, %mul3A_70 : i32
      %mul3A_73 = arith.constant 4 : i32
      %mul3A_74 = arith.muli %add3A_72, %mul3A_73 : i32
      %add3A_75 = arith.constant 0 : i32
      %add3A_76 = arith.addi %mul3A_74, %add3A_75 : i32
      %dma_wait3A_77 = arith.constant 0 : i32
      %dma_wait3A_78 = tpu.memref_slice %arg6[%add3A_76, %dma_wait3A_77] : memref<160x64xi32, #tpu.memory_space<vmem>> -> memref<1x64xi32, #tpu.memory_space<vmem>>
      %dma_wait3A_79 = tpu.memref_squeeze %dma_wait3A_78 : memref<1x64xi32, #tpu.memory_space<vmem>> -> memref<64xi32, #tpu.memory_space<vmem>>
      %dma_wait3A_80 = arith.constant 0 : i32
      %dma_wait3A_81 = arith.constant 0 : i32
      %dma_wait3A_82 = tpu.memref_slice %arg8[%dma_wait3A_80, %dma_wait3A_81] : memref<10240x128xf32, #tpu.memory_space<vmem_shared>> -> memref<10240x128xf32, #tpu.memory_space<vmem_shared>>
      tpu.wait_indirect_dma semaphore(%arg9 : memref<!tpu.dma_semaphore, #tpu.memory_space<semaphore_mem>>) src(%arg7 : memref<64x128xf32, #tpu.memory_space<vmem>>) dst(%dma_wait3A_82 : memref<10240x128xf32, #tpu.memory_space<vmem_shared>>)
      %add3A_83 = arith.constant 4 : i32
      %add3A_84 = arith.addi %add3A_76, %add3A_83 : i32
      %dma_start3A_85 = arith.constant 0 : i32
      %dma_start3A_86 = tpu.memref_slice %arg6[%add3A_84, %dma_start3A_85] : memref<160x64xi32, #tpu.memory_space<vmem>> -> memref<1x64xi32, #tpu.memory_space<vmem>>
      %dma_start3A_87 = tpu.memref_squeeze %dma_start3A_86 : memref<1x64xi32, #tpu.memory_space<vmem>> -> memref<64xi32, #tpu.memory_space<vmem>>
      %dma_start3A_88 = arith.constant 0 : i32
      %dma_start3A_89 = arith.constant 0 : i32
      %dma_start3A_90 = tpu.memref_slice %arg8[%dma_start3A_88, %dma_start3A_89] : memref<10240x128xf32, #tpu.memory_space<vmem_shared>> -> memref<10240x128xf32, #tpu.memory_space<vmem_shared>>
      tpu.enqueue_indirect_dma source(%arg7 : memref<64x128xf32, #tpu.memory_space<vmem>>) target(%dma_start3A_90 : memref<10240x128xf32, #tpu.memory_space<vmem_shared>>) offsets(%dma_start3A_87 : memref<64xi32, #tpu.memory_space<vmem>>) semaphore(%arg9 : memref<!tpu.dma_semaphore, #tpu.memory_space<semaphore_mem>>) {add = true}
      %mul3A_91 = arith.constant 4 : i32
      %mul3A_92 = arith.muli %add3A_72, %mul3A_91 : i32
      %add3A_93 = arith.constant 1 : i32
      %add3A_94 = arith.addi %mul3A_92, %add3A_93 : i32
      %dma_wait3A_95 = arith.constant 0 : i32
      %dma_wait3A_96 = tpu.memref_slice %arg6[%add3A_94, %dma_wait3A_95] : memref<160x64xi32, #tpu.memory_space<vmem>> -> memref<1x64xi32, #tpu.memory_space<vmem>>
      %dma_wait3A_97 = tpu.memref_squeeze %dma_wait3A_96 : memref<1x64xi32, #tpu.memory_space<vmem>> -> memref<64xi32, #tpu.memory_space<vmem>>
      %dma_wait3A_98 = arith.constant 0 : i32
      %dma_wait3A_99 = arith.constant 0 : i32
      %dma_wait3A_100 = tpu.memref_slice %arg8[%dma_wait3A_98, %dma_wait3A_99] : memref<10240x128xf32, #tpu.memory_space<vmem_shared>> -> memref<10240x128xf32, #tpu.memory_space<vmem_shared>>
      tpu.wait_indirect_dma semaphore(%arg10 : memref<!tpu.dma_semaphore, #tpu.memory_space<semaphore_mem>>) src(%arg7 : memref<64x128xf32, #tpu.memory_space<vmem>>) dst(%dma_wait3A_100 : memref<10240x128xf32, #tpu.memory_space<vmem_shared>>)
      %add3A_101 = arith.constant 4 : i32
      %add3A_102 = arith.addi %add3A_94, %add3A_101 : i32
      %dma_start3A_103 = arith.constant 0 : i32
      %dma_start3A_104 = tpu.memref_slice %arg6[%add3A_102, %dma_start3A_103] : memref<160x64xi32, #tpu.memory_space<vmem>> -> memref<1x64xi32, #tpu.memory_space<vmem>>
      %dma_start3A_105 = tpu.memref_squeeze %dma_start3A_104 : memref<1x64xi32, #tpu.memory_space<vmem>> -> memref<64xi32, #tpu.memory_space<vmem>>
      %dma_start3A_106 = arith.constant 0 : i32
      %dma_start3A_107 = arith.constant 0 : i32
      %dma_start3A_108 = tpu.memref_slice %arg8[%dma_start3A_106, %dma_start3A_107] : memref<10240x128xf32, #tpu.memory_space<vmem_shared>> -> memref<10240x128xf32, #tpu.memory_space<vmem_shared>>
      tpu.enqueue_indirect_dma source(%arg7 : memref<64x128xf32, #tpu.memory_space<vmem>>) target(%dma_start3A_108 : memref<10240x128xf32, #tpu.memory_space<vmem_shared>>) offsets(%dma_start3A_105 : memref<64xi32, #tpu.memory_space<vmem>>) semaphore(%arg10 : memref<!tpu.dma_semaphore, #tpu.memory_space<semaphore_mem>>) {add = true}
      %mul3A_109 = arith.constant 4 : i32
      %mul3A_110 = arith.muli %add3A_72, %mul3A_109 : i32
      %add3A_111 = arith.constant 2 : i32
      %add3A_112 = arith.addi %mul3A_110, %add3A_111 : i32
      %dma_wait3A_113 = arith.constant 0 : i32
      %dma_wait3A_114 = tpu.memref_slice %arg6[%add3A_112, %dma_wait3A_113] : memref<160x64xi32, #tpu.memory_space<vmem>> -> memref<1x64xi32, #tpu.memory_space<vmem>>
      %dma_wait3A_115 = tpu.memref_squeeze %dma_wait3A_114 : memref<1x64xi32, #tpu.memory_space<vmem>> -> memref<64xi32, #tpu.memory_space<vmem>>
      %dma_wait3A_116 = arith.constant 0 : i32
      %dma_wait3A_117 = arith.constant 0 : i32
      %dma_wait3A_118 = tpu.memref_slice %arg8[%dma_wait3A_116, %dma_wait3A_117] : memref<10240x128xf32, #tpu.memory_space<vmem_shared>> -> memref<10240x128xf32, #tpu.memory_space<vmem_shared>>
      tpu.wait_indirect_dma semaphore(%arg11 : memref<!tpu.dma_semaphore, #tpu.memory_space<semaphore_mem>>) src(%arg7 : memref<64x128xf32, #tpu.memory_space<vmem>>) dst(%dma_wait3A_118 : memref<10240x128xf32, #tpu.memory_space<vmem_shared>>)
      %add3A_119 = arith.constant 4 : i32
      %add3A_120 = arith.addi %add3A_112, %add3A_119 : i32
      %dma_start3A_121 = arith.constant 0 : i32
      %dma_start3A_122 = tpu.memref_slice %arg6[%add3A_120, %dma_start3A_121] : memref<160x64xi32, #tpu.memory_space<vmem>> -> memref<1x64xi32, #tpu.memory_space<vmem>>
      %dma_start3A_123 = tpu.memref_squeeze %dma_start3A_122 : memref<1x64xi32, #tpu.memory_space<vmem>> -> memref<64xi32, #tpu.memory_space<vmem>>
      %dma_start3A_124 = arith.constant 0 : i32
      %dma_start3A_125 = arith.constant 0 : i32
      %dma_start3A_126 = tpu.memref_slice %arg8[%dma_start3A_124, %dma_start3A_125] : memref<10240x128xf32, #tpu.memory_space<vmem_shared>> -> memref<10240x128xf32, #tpu.memory_space<vmem_shared>>
      tpu.enqueue_indirect_dma source(%arg7 : memref<64x128xf32, #tpu.memory_space<vmem>>) target(%dma_start3A_126 : memref<10240x128xf32, #tpu.memory_space<vmem_shared>>) offsets(%dma_start3A_123 : memref<64xi32, #tpu.memory_space<vmem>>) semaphore(%arg11 : memref<!tpu.dma_semaphore, #tpu.memory_space<semaphore_mem>>) {add = true}
      %mul3A_127 = arith.constant 4 : i32
      %mul3A_128 = arith.muli %add3A_72, %mul3A_127 : i32
      %add3A_129 = arith.constant 3 : i32
      %add3A_130 = arith.addi %mul3A_128, %add3A_129 : i32
      %dma_wait3A_131 = arith.constant 0 : i32
      %dma_wait3A_132 = tpu.memref_slice %arg6[%add3A_130, %dma_wait3A_131] : memref<160x64xi32, #tpu.memory_space<vmem>> -> memref<1x64xi32, #tpu.memory_space<vmem>>
      %dma_wait3A_133 = tpu.memref_squeeze %dma_wait3A_132 : memref<1x64xi32, #tpu.memory_space<vmem>> -> memref<64xi32, #tpu.memory_space<vmem>>
      %dma_wait3A_134 = arith.constant 0 : i32
      %dma_wait3A_135 = arith.constant 0 : i32
      %dma_wait3A_136 = tpu.memref_slice %arg8[%dma_wait3A_134, %dma_wait3A_135] : memref<10240x128xf32, #tpu.memory_space<vmem_shared>> -> memref<10240x128xf32, #tpu.memory_space<vmem_shared>>
      tpu.wait_indirect_dma semaphore(%arg12 : memref<!tpu.dma_semaphore, #tpu.memory_space<semaphore_mem>>) src(%arg7 : memref<64x128xf32, #tpu.memory_space<vmem>>) dst(%dma_wait3A_136 : memref<10240x128xf32, #tpu.memory_space<vmem_shared>>)
      %add3A_137 = arith.constant 4 : i32
      %add3A_138 = arith.addi %add3A_130, %add3A_137 : i32
      %dma_start3A_139 = arith.constant 0 : i32
      %dma_start3A_140 = tpu.memref_slice %arg6[%add3A_138, %dma_start3A_139] : memref<160x64xi32, #tpu.memory_space<vmem>> -> memref<1x64xi32, #tpu.memory_space<vmem>>
      %dma_start3A_141 = tpu.memref_squeeze %dma_start3A_140 : memref<1x64xi32, #tpu.memory_space<vmem>> -> memref<64xi32, #tpu.memory_space<vmem>>
      %dma_start3A_142 = arith.constant 0 : i32
      %dma_start3A_143 = arith.constant 0 : i32
      %dma_start3A_144 = tpu.memref_slice %arg8[%dma_start3A_142, %dma_start3A_143] : memref<10240x128xf32, #tpu.memory_space<vmem_shared>> -> memref<10240x128xf32, #tpu.memory_space<vmem_shared>>
      tpu.enqueue_indirect_dma source(%arg7 : memref<64x128xf32, #tpu.memory_space<vmem>>) target(%dma_start3A_144 : memref<10240x128xf32, #tpu.memory_space<vmem_shared>>) offsets(%dma_start3A_141 : memref<64xi32, #tpu.memory_space<vmem>>) semaphore(%arg12 : memref<!tpu.dma_semaphore, #tpu.memory_space<semaphore_mem>>) {add = true}
    }
    %scan3A_35 = arith.constant 39 : i32
    %dma_wait3A = arith.constant 156 : i32
    %dma_wait3A_36 = arith.constant 0 : i32
    %dma_wait3A_37 = tpu.memref_slice %arg6[%dma_wait3A, %dma_wait3A_36] : memref<160x64xi32, #tpu.memory_space<vmem>> -> memref<1x64xi32, #tpu.memory_space<vmem>>
    %dma_wait3A_38 = tpu.memref_squeeze %dma_wait3A_37 : memref<1x64xi32, #tpu.memory_space<vmem>> -> memref<64xi32, #tpu.memory_space<vmem>>
    %dma_wait3A_39 = arith.constant 0 : i32
    %dma_wait3A_40 = arith.constant 0 : i32
    %dma_wait3A_41 = tpu.memref_slice %arg8[%dma_wait3A_39, %dma_wait3A_40] : memref<10240x128xf32, #tpu.memory_space<vmem_shared>> -> memref<10240x128xf32, #tpu.memory_space<vmem_shared>>
    tpu.wait_indirect_dma semaphore(%arg9 : memref<!tpu.dma_semaphore, #tpu.memory_space<semaphore_mem>>) src(%arg7 : memref<64x128xf32, #tpu.memory_space<vmem>>) dst(%dma_wait3A_41 : memref<10240x128xf32, #tpu.memory_space<vmem_shared>>)
    %dma_wait3A_42 = arith.constant 157 : i32
    %dma_wait3A_43 = arith.constant 0 : i32
    %dma_wait3A_44 = tpu.memref_slice %arg6[%dma_wait3A_42, %dma_wait3A_43] : memref<160x64xi32, #tpu.memory_space<vmem>> -> memref<1x64xi32, #tpu.memory_space<vmem>>
    %dma_wait3A_45 = tpu.memref_squeeze %dma_wait3A_44 : memref<1x64xi32, #tpu.memory_space<vmem>> -> memref<64xi32, #tpu.memory_space<vmem>>
    %dma_wait3A_46 = arith.constant 0 : i32
    %dma_wait3A_47 = arith.constant 0 : i32
    %dma_wait3A_48 = tpu.memref_slice %arg8[%dma_wait3A_46, %dma_wait3A_47] : memref<10240x128xf32, #tpu.memory_space<vmem_shared>> -> memref<10240x128xf32, #tpu.memory_space<vmem_shared>>
    tpu.wait_indirect_dma semaphore(%arg10 : memref<!tpu.dma_semaphore, #tpu.memory_space<semaphore_mem>>) src(%arg7 : memref<64x128xf32, #tpu.memory_space<vmem>>) dst(%dma_wait3A_48 : memref<10240x128xf32, #tpu.memory_space<vmem_shared>>)
    %dma_wait3A_49 = arith.constant 158 : i32
    %dma_wait3A_50 = arith.constant 0 : i32
    %dma_wait3A_51 = tpu.memref_slice %arg6[%dma_wait3A_49, %dma_wait3A_50] : memref<160x64xi32, #tpu.memory_space<vmem>> -> memref<1x64xi32, #tpu.memory_space<vmem>>
    %dma_wait3A_52 = tpu.memref_squeeze %dma_wait3A_51 : memref<1x64xi32, #tpu.memory_space<vmem>> -> memref<64xi32, #tpu.memory_space<vmem>>
    %dma_wait3A_53 = arith.constant 0 : i32
    %dma_wait3A_54 = arith.constant 0 : i32
    %dma_wait3A_55 = tpu.memref_slice %arg8[%dma_wait3A_53, %dma_wait3A_54] : memref<10240x128xf32, #tpu.memory_space<vmem_shared>> -> memref<10240x128xf32, #tpu.memory_space<vmem_shared>>
    tpu.wait_indirect_dma semaphore(%arg11 : memref<!tpu.dma_semaphore, #tpu.memory_space<semaphore_mem>>) src(%arg7 : memref<64x128xf32, #tpu.memory_space<vmem>>) dst(%dma_wait3A_55 : memref<10240x128xf32, #tpu.memory_space<vmem_shared>>)
    %dma_wait3A_56 = arith.constant 159 : i32
    %dma_wait3A_57 = arith.constant 0 : i32
    %dma_wait3A_58 = tpu.memref_slice %arg6[%dma_wait3A_56, %dma_wait3A_57] : memref<160x64xi32, #tpu.memory_space<vmem>> -> memref<1x64xi32, #tpu.memory_space<vmem>>
    %dma_wait3A_59 = tpu.memref_squeeze %dma_wait3A_58 : memref<1x64xi32, #tpu.memory_space<vmem>> -> memref<64xi32, #tpu.memory_space<vmem>>
    %dma_wait3A_60 = arith.constant 0 : i32
    %dma_wait3A_61 = arith.constant 0 : i32
    %dma_wait3A_62 = tpu.memref_slice %arg8[%dma_wait3A_60, %dma_wait3A_61] : memref<10240x128xf32, #tpu.memory_space<vmem_shared>> -> memref<10240x128xf32, #tpu.memory_space<vmem_shared>>
    tpu.wait_indirect_dma semaphore(%arg12 : memref<!tpu.dma_semaphore, #tpu.memory_space<semaphore_mem>>) src(%arg7 : memref<64x128xf32, #tpu.memory_space<vmem>>) dst(%dma_wait3A_62 : memref<10240x128xf32, #tpu.memory_space<vmem_shared>>)
    %barrier3A_63 = arith.constant 0 : index
    tpu.barrier barrier_id(%barrier3A_63)
    %mul3A_64 = arith.constant 640 : i32
    %mul3A_65 = arith.muli %arg1, %mul3A_64 : i32
    %mul3A_66 = arith.constant 640 : i32
    %mul3A_67 = arith.muli %arg1, %mul3A_66 : i32
    "tpu.region"() ({
      %run_scoped3A = tpu.sem_alloc : memref<!tpu.dma_semaphore, #tpu.memory_space<semaphore_mem>>
      %dma_start3A_68 = arith.constant 0 : i32
      %dma_start3A_69 = tpu.memref_slice %arg5[%arg0, %mul3A_67, %dma_start3A_68] : memref<2x10240x128xf32, #tpu.memory_space<hbm>> -> memref<1x640x128xf32, #tpu.memory_space<hbm>>
      %dma_start3A_70 = tpu.memref_squeeze %dma_start3A_69 : memref<1x640x128xf32, #tpu.memory_space<hbm>> -> memref<640x128xf32, #tpu.memory_space<hbm>>
      %dma_start3A_71 = arith.constant 0 : i32
      %dma_start3A_72 = tpu.memref_slice %arg8[%mul3A_65, %dma_start3A_71] : memref<10240x128xf32, #tpu.memory_space<vmem_shared>> -> memref<640x128xf32, #tpu.memory_space<vmem_shared>>
      tpu.enqueue_dma source(%dma_start3A_72 : memref<640x128xf32, #tpu.memory_space<vmem_shared>>) target(%dma_start3A_70 : memref<640x128xf32, #tpu.memory_space<hbm>>) target_semaphore(%run_scoped3A : memref<!tpu.dma_semaphore, #tpu.memory_space<semaphore_mem>>)
      %dma_wait3A_73 = arith.constant 0 : i32
      %dma_wait3A_74 = tpu.memref_slice %arg5[%arg0, %mul3A_67, %dma_wait3A_73] : memref<2x10240x128xf32, #tpu.memory_space<hbm>> -> memref<1x640x128xf32, #tpu.memory_space<hbm>>
      %dma_wait3A_75 = tpu.memref_squeeze %dma_wait3A_74 : memref<1x640x128xf32, #tpu.memory_space<hbm>> -> memref<640x128xf32, #tpu.memory_space<hbm>>
      %dma_wait3A_76 = arith.constant 0 : i32
      %dma_wait3A_77 = tpu.memref_slice %arg8[%mul3A_65, %dma_wait3A_76] : memref<10240x128xf32, #tpu.memory_space<vmem_shared>> -> memref<640x128xf32, #tpu.memory_space<vmem_shared>>
      tpu.wait_dma2 semaphore(%run_scoped3A : memref<!tpu.dma_semaphore, #tpu.memory_space<semaphore_mem>>) src(%dma_wait3A_77 : memref<640x128xf32, #tpu.memory_space<vmem_shared>>) dst(%dma_wait3A_75 : memref<640x128xf32, #tpu.memory_space<hbm>>)
      tpu.yield
    }) : () -> ()
    return
  }
}

module attributes {stable_mosaic.version = 14 : i64} {
  func.func @_tc1_body(%arg0: i32, %arg1: memref<1024x1xf32, #tpu.memory_space<vmem>>, %arg2: memref<1024x1xf32, #tpu.memory_space<vmem>>, %arg3: memref<1024x128xf32, #tpu.memory_space<vmem>>, %arg4: memref<128x128xf32, #tpu.memory_space<vmem>>, %arg5: memref<1024x128xf32, #tpu.memory_space<vmem>>) attributes {dimension_semantics = [#tpu.dimension_semantics<arbitrary>], iteration_bounds = array<i64: 10>, scalar_prefetch = 0 : i64, scratch_operands = 0 : i64, tpu.core_type = #tpu.core_type<tc>, window_params = [{transform_indices = @transform_0, window_bounds = array<i64: 1024, 1>}, {transform_indices = @transform_1, window_bounds = array<i64: 1024, 1>}, {transform_indices = @transform_2, window_bounds = array<i64: 1024, 128>}, {pipeline_mode = #tpu.pipeline_mode<synchronous>, transform_indices = @transform_3, window_bounds = array<i64: 128, 128>}, {transform_indices = @transform_4, window_bounds = array<i64: 1024, 128>}]} {
    %get3A = arith.constant 0 : index
    %get3A_0 = arith.constant 0 : index
    %get3A_1 = vector.load %arg1[%get3A, %get3A_0] : memref<1024x1xf32, #tpu.memory_space<vmem>>, vector<1024x1xf32>
    %get3A_2 = arith.constant 0 : index
    %get3A_3 = arith.constant 0 : index
    %get3A_4 = vector.load %arg2[%get3A_2, %get3A_3] : memref<1024x1xf32, #tpu.memory_space<vmem>>, vector<1024x1xf32>
    %add3A = arith.addf %get3A_1, %get3A_4 : vector<1024x1xf32>
    %add3A_5 = arith.constant 1.000000e+00 : f32
    %add3A_6 = vector.broadcast %add3A_5 : f32 to vector<1024x1xf32>
    %add3A_7 = arith.addf %add3A, %add3A_6 : vector<1024x1xf32>
    %rsqrt3A = math.rsqrt %add3A_7 : vector<1024x1xf32>
    %get3A_8 = arith.constant 0 : index
    %get3A_9 = arith.constant 0 : index
    %get3A_10 = vector.load %arg3[%get3A_8, %get3A_9] : memref<1024x128xf32, #tpu.memory_space<vmem>>, vector<1024x128xf32>
    %get3A_11 = arith.constant 0 : index
    %get3A_12 = arith.constant 0 : index
    %get3A_13 = vector.load %arg4[%get3A_11, %get3A_12] : memref<128x128xf32, #tpu.memory_space<vmem>>, vector<128x128xf32>
    %dot_general3A = arith.constant dense<0.000000e+00> : vector<1024x128xf32>
    %dot_general3A_14 = tpu.matmul %get3A_10, %get3A_13, %dot_general3A {dimension_numbers = #tpu.dot_dimension_numbers<[1], [0], [0], [1], [0, 0, 1, 1], [], []>, transpose_lhs_hint = false} : vector<1024x128xf32>, vector<128x128xf32>, vector<1024x128xf32> -> vector<1024x128xf32>
    %mul3A = vector.broadcast %rsqrt3A : vector<1024x1xf32> to vector<1024x128xf32>
    %mul3A_15 = arith.mulf %mul3A, %dot_general3A_14 : vector<1024x128xf32>
    %swap3A = arith.constant 0 : index
    %swap3A_16 = arith.constant 0 : index
    %swap3A_17 = vector.load %arg5[%swap3A, %swap3A_16] : memref<1024x128xf32, #tpu.memory_space<vmem>>, vector<1024x128xf32>
    tpu.vector_store %arg5[%swap3A, %swap3A_16], %mul3A_15 {strides = array<i32>} : memref<1024x128xf32, #tpu.memory_space<vmem>>, vector<1024x128xf32>,
    return
  }
  func.func @transform_0(%arg0: i32) -> (i32, i32) {
    %c0_i32 = arith.constant 0 : i32
    %c0_i32_0 = arith.constant 0 : i32
    return %arg0, %c0_i32 : i32, i32
  }
  func.func @transform_1(%arg0: i32) -> (i32, i32) {
    %c0_i32 = arith.constant 0 : i32
    %c0_i32_0 = arith.constant 0 : i32
    return %arg0, %c0_i32 : i32, i32
  }
  func.func @transform_2(%arg0: i32) -> (i32, i32) {
    %c0_i32 = arith.constant 0 : i32
    %c0_i32_0 = arith.constant 0 : i32
    return %arg0, %c0_i32 : i32, i32
  }
  func.func @transform_3(%arg0: i32) -> (i32, i32) {
    %c0_i32 = arith.constant 0 : i32
    %c0_i32_0 = arith.constant 0 : i32
    %c0_i32_1 = arith.constant 0 : i32
    return %c0_i32, %c0_i32_0 : i32, i32
  }
  func.func @transform_4(%arg0: i32) -> (i32, i32) {
    %c0_i32 = arith.constant 0 : i32
    %c0_i32_0 = arith.constant 0 : i32
    return %arg0, %c0_i32 : i32, i32
  }
}

module attributes {stable_mosaic.version = 14 : i64} {
  func.func @_tc2_body(%arg0: i32, %arg1: memref<1024x1xf32, #tpu.memory_space<vmem>>, %arg2: memref<1024x1xf32, #tpu.memory_space<vmem>>, %arg3: memref<1024x128xf32, #tpu.memory_space<vmem>>, %arg4: memref<1024x128xf32, #tpu.memory_space<vmem>>, %arg5: memref<1024x128xf32, #tpu.memory_space<vmem>>, %arg6: memref<1x128xf32, #tpu.memory_space<vmem>>, %arg7: memref<128x128xf32, #tpu.memory_space<vmem>>, %arg8: memref<1024x128xf32, #tpu.memory_space<vmem>>) attributes {dimension_semantics = [#tpu.dimension_semantics<arbitrary>], iteration_bounds = array<i64: 10>, scalar_prefetch = 0 : i64, scratch_operands = 0 : i64, tpu.core_type = #tpu.core_type<tc>, window_params = [{transform_indices = @transform_0, window_bounds = array<i64: 1024, 1>}, {transform_indices = @transform_1, window_bounds = array<i64: 1024, 1>}, {transform_indices = @transform_2, window_bounds = array<i64: 1024, 128>}, {transform_indices = @transform_3, window_bounds = array<i64: 1024, 128>}, {transform_indices = @transform_4, window_bounds = array<i64: 1024, 128>}, {pipeline_mode = #tpu.pipeline_mode<synchronous>, transform_indices = @transform_5, window_bounds = array<i64: 1, 128>}, {pipeline_mode = #tpu.pipeline_mode<synchronous>, transform_indices = @transform_6, window_bounds = array<i64: 128, 128>}, {transform_indices = @transform_7, window_bounds = array<i64: 1024, 128>}]} {
    %get3A = arith.constant 0 : index
    %get3A_0 = arith.constant 0 : index
    %get3A_1 = vector.load %arg1[%get3A, %get3A_0] : memref<1024x1xf32, #tpu.memory_space<vmem>>, vector<1024x1xf32>
    %get3A_2 = arith.constant 0 : index
    %get3A_3 = arith.constant 0 : index
    %get3A_4 = vector.load %arg2[%get3A_2, %get3A_3] : memref<1024x1xf32, #tpu.memory_space<vmem>>, vector<1024x1xf32>
    %add3A = arith.addf %get3A_1, %get3A_4 : vector<1024x1xf32>
    %add3A_5 = arith.constant 1.000000e+00 : f32
    %add3A_6 = vector.broadcast %add3A_5 : f32 to vector<1024x1xf32>
    %add3A_7 = arith.addf %add3A, %add3A_6 : vector<1024x1xf32>
    %rsqrt3A = math.rsqrt %add3A_7 : vector<1024x1xf32>
    %get3A_8 = arith.constant 0 : index
    %get3A_9 = arith.constant 0 : index
    %get3A_10 = vector.load %arg3[%get3A_8, %get3A_9] : memref<1024x128xf32, #tpu.memory_space<vmem>>, vector<1024x128xf32>
    %get3A_11 = arith.constant 0 : index
    %get3A_12 = arith.constant 0 : index
    %get3A_13 = vector.load %arg4[%get3A_11, %get3A_12] : memref<1024x128xf32, #tpu.memory_space<vmem>>, vector<1024x128xf32>
    %add3A_14 = arith.addf %get3A_10, %get3A_13 : vector<1024x128xf32>
    %get3A_15 = arith.constant 0 : index
    %get3A_16 = arith.constant 0 : index
    %get3A_17 = vector.load %arg5[%get3A_15, %get3A_16] : memref<1024x128xf32, #tpu.memory_space<vmem>>, vector<1024x128xf32>
    %add3A_18 = arith.addf %add3A_14, %get3A_17 : vector<1024x128xf32>
    %mul3A = vector.broadcast %rsqrt3A : vector<1024x1xf32> to vector<1024x128xf32>
    %mul3A_19 = arith.mulf %mul3A, %add3A_18 : vector<1024x128xf32>
    %get3A_20 = arith.constant 0 : index
    %get3A_21 = arith.constant 0 : index
    %get3A_22 = vector.load %arg6[%get3A_20, %get3A_21] : memref<1x128xf32, #tpu.memory_space<vmem>>, vector<1x128xf32>
    %add3A_23 = vector.broadcast %get3A_22 : vector<1x128xf32> to vector<1024x128xf32>
    %add3A_24 = arith.addf %mul3A_19, %add3A_23 : vector<1024x128xf32>
    %get3A_25 = arith.constant 0 : index
    %get3A_26 = arith.constant 0 : index
    %get3A_27 = vector.load %arg7[%get3A_25, %get3A_26] : memref<128x128xf32, #tpu.memory_space<vmem>>, vector<128x128xf32>
    %dot_general3A = arith.constant dense<0.000000e+00> : vector<1024x128xf32>
    %dot_general3A_28 = tpu.matmul %add3A_24, %get3A_27, %dot_general3A {dimension_numbers = #tpu.dot_dimension_numbers<[1], [0], [0], [1], [0, 0, 1, 1], [], []>, transpose_lhs_hint = false} : vector<1024x128xf32>, vector<128x128xf32>, vector<1024x128xf32> -> vector<1024x128xf32>
    %mul3A_29 = vector.broadcast %rsqrt3A : vector<1024x1xf32> to vector<1024x128xf32>
    %mul3A_30 = arith.mulf %mul3A_29, %dot_general3A_28 : vector<1024x128xf32>
    %swap3A = arith.constant 0 : index
    %swap3A_31 = arith.constant 0 : index
    %swap3A_32 = vector.load %arg8[%swap3A, %swap3A_31] : memref<1024x128xf32, #tpu.memory_space<vmem>>, vector<1024x128xf32>
    tpu.vector_store %arg8[%swap3A, %swap3A_31], %mul3A_30 {strides = array<i32>} : memref<1024x128xf32, #tpu.memory_space<vmem>>, vector<1024x128xf32>,
    return
  }
  func.func @transform_0(%arg0: i32) -> (i32, i32) {
    %c0_i32 = arith.constant 0 : i32
    %c0_i32_0 = arith.constant 0 : i32
    return %arg0, %c0_i32 : i32, i32
  }
  func.func @transform_1(%arg0: i32) -> (i32, i32) {
    %c0_i32 = arith.constant 0 : i32
    %c0_i32_0 = arith.constant 0 : i32
    return %arg0, %c0_i32 : i32, i32
  }
  func.func @transform_2(%arg0: i32) -> (i32, i32) {
    %c0_i32 = arith.constant 0 : i32
    %c0_i32_0 = arith.constant 0 : i32
    return %arg0, %c0_i32 : i32, i32
  }
  func.func @transform_3(%arg0: i32) -> (i32, i32) {
    %c0_i32 = arith.constant 0 : i32
    %c0_i32_0 = arith.constant 0 : i32
    return %arg0, %c0_i32 : i32, i32
  }
  func.func @transform_4(%arg0: i32) -> (i32, i32) {
    %c0_i32 = arith.constant 0 : i32
    %c0_i32_0 = arith.constant 0 : i32
    return %arg0, %c0_i32 : i32, i32
  }
  func.func @transform_5(%arg0: i32) -> (i32, i32) {
    %c0_i32 = arith.constant 0 : i32
    %c0_i32_0 = arith.constant 0 : i32
    %c0_i32_1 = arith.constant 0 : i32
    return %c0_i32, %c0_i32_0 : i32, i32
  }
  func.func @transform_6(%arg0: i32) -> (i32, i32) {
    %c0_i32 = arith.constant 0 : i32
    %c0_i32_0 = arith.constant 0 : i32
    %c0_i32_1 = arith.constant 0 : i32
    return %c0_i32, %c0_i32_0 : i32, i32
  }
  func.func @transform_7(%arg0: i32) -> (i32, i32) {
    %c0_i32 = arith.constant 0 : i32
    %c0_i32_0 = arith.constant 0 : i32
    return %arg0, %c0_i32 : i32, i32
  }
}

module attributes {stable_mosaic.version = 14 : i64} {
  func.func @_tc3_body(%arg0: i32, %arg1: memref<1000x1xf32, #tpu.memory_space<vmem>>, %arg2: memref<1000x1xf32, #tpu.memory_space<vmem>>, %arg3: memref<1000x128xf32, #tpu.memory_space<vmem>>, %arg4: memref<1000x128xf32, #tpu.memory_space<vmem>>, %arg5: memref<1000x128xf32, #tpu.memory_space<vmem>>, %arg6: memref<1x128xf32, #tpu.memory_space<vmem>>, %arg7: memref<1000x128xf32, #tpu.memory_space<vmem>>) attributes {dimension_semantics = [#tpu.dimension_semantics<arbitrary>], iteration_bounds = array<i64: 10>, scalar_prefetch = 0 : i64, scratch_operands = 0 : i64, tpu.core_type = #tpu.core_type<tc>, window_params = [{transform_indices = @transform_0, window_bounds = array<i64: 1000, 1>}, {transform_indices = @transform_1, window_bounds = array<i64: 1000, 1>}, {transform_indices = @transform_2, window_bounds = array<i64: 1000, 128>}, {transform_indices = @transform_3, window_bounds = array<i64: 1000, 128>}, {transform_indices = @transform_4, window_bounds = array<i64: 1000, 128>}, {pipeline_mode = #tpu.pipeline_mode<synchronous>, transform_indices = @transform_5, window_bounds = array<i64: 1, 128>}, {transform_indices = @transform_6, window_bounds = array<i64: 1000, 128>}]} {
    %get3A = arith.constant 0 : index
    %get3A_0 = arith.constant 0 : index
    %get3A_1 = vector.load %arg1[%get3A, %get3A_0] : memref<1000x1xf32, #tpu.memory_space<vmem>>, vector<1000x1xf32>
    %get3A_2 = arith.constant 0 : index
    %get3A_3 = arith.constant 0 : index
    %get3A_4 = vector.load %arg2[%get3A_2, %get3A_3] : memref<1000x1xf32, #tpu.memory_space<vmem>>, vector<1000x1xf32>
    %add3A = arith.addf %get3A_1, %get3A_4 : vector<1000x1xf32>
    %add3A_5 = arith.constant 1.000000e+00 : f32
    %add3A_6 = vector.broadcast %add3A_5 : f32 to vector<1000x1xf32>
    %add3A_7 = arith.addf %add3A, %add3A_6 : vector<1000x1xf32>
    %rsqrt3A = math.rsqrt %add3A_7 : vector<1000x1xf32>
    %get3A_8 = arith.constant 0 : index
    %get3A_9 = arith.constant 0 : index
    %get3A_10 = vector.load %arg3[%get3A_8, %get3A_9] : memref<1000x128xf32, #tpu.memory_space<vmem>>, vector<1000x128xf32>
    %get3A_11 = arith.constant 0 : index
    %get3A_12 = arith.constant 0 : index
    %get3A_13 = vector.load %arg4[%get3A_11, %get3A_12] : memref<1000x128xf32, #tpu.memory_space<vmem>>, vector<1000x128xf32>
    %add3A_14 = arith.addf %get3A_10, %get3A_13 : vector<1000x128xf32>
    %get3A_15 = arith.constant 0 : index
    %get3A_16 = arith.constant 0 : index
    %get3A_17 = vector.load %arg5[%get3A_15, %get3A_16] : memref<1000x128xf32, #tpu.memory_space<vmem>>, vector<1000x128xf32>
    %add3A_18 = arith.addf %add3A_14, %get3A_17 : vector<1000x128xf32>
    %mul3A = vector.broadcast %rsqrt3A : vector<1000x1xf32> to vector<1000x128xf32>
    %mul3A_19 = arith.mulf %mul3A, %add3A_18 : vector<1000x128xf32>
    %get3A_20 = arith.constant 0 : index
    %get3A_21 = arith.constant 0 : index
    %get3A_22 = vector.load %arg6[%get3A_20, %get3A_21] : memref<1x128xf32, #tpu.memory_space<vmem>>, vector<1x128xf32>
    %add3A_23 = vector.broadcast %get3A_22 : vector<1x128xf32> to vector<1000x128xf32>
    %add3A_24 = arith.addf %mul3A_19, %add3A_23 : vector<1000x128xf32>
    %swap3A = arith.constant 0 : index
    %swap3A_25 = arith.constant 0 : index
    %swap3A_26 = vector.load %arg7[%swap3A, %swap3A_25] : memref<1000x128xf32, #tpu.memory_space<vmem>>, vector<1000x128xf32>
    tpu.vector_store %arg7[%swap3A, %swap3A_25], %add3A_24 {strides = array<i32>} : memref<1000x128xf32, #tpu.memory_space<vmem>>, vector<1000x128xf32>,
    return
  }
  func.func @transform_0(%arg0: i32) -> (i32, i32) {
    %c0_i32 = arith.constant 0 : i32
    %c0_i32_0 = arith.constant 0 : i32
    return %arg0, %c0_i32 : i32, i32
  }
  func.func @transform_1(%arg0: i32) -> (i32, i32) {
    %c0_i32 = arith.constant 0 : i32
    %c0_i32_0 = arith.constant 0 : i32
    return %arg0, %c0_i32 : i32, i32
  }
  func.func @transform_2(%arg0: i32) -> (i32, i32) {
    %c0_i32 = arith.constant 0 : i32
    %c0_i32_0 = arith.constant 0 : i32
    return %arg0, %c0_i32 : i32, i32
  }
  func.func @transform_3(%arg0: i32) -> (i32, i32) {
    %c0_i32 = arith.constant 0 : i32
    %c0_i32_0 = arith.constant 0 : i32
    return %arg0, %c0_i32 : i32, i32
  }
  func.func @transform_4(%arg0: i32) -> (i32, i32) {
    %c0_i32 = arith.constant 0 : i32
    %c0_i32_0 = arith.constant 0 : i32
    return %arg0, %c0_i32 : i32, i32
  }
  func.func @transform_5(%arg0: i32) -> (i32, i32) {
    %c0_i32 = arith.constant 0 : i32
    %c0_i32_0 = arith.constant 0 : i32
    %c0_i32_1 = arith.constant 0 : i32
    return %c0_i32, %c0_i32_0 : i32, i32
  }
  func.func @transform_6(%arg0: i32) -> (i32, i32) {
    %c0_i32 = arith.constant 0 : i32
    %c0_i32_0 = arith.constant 0 : i32
    return %arg0, %c0_i32 : i32, i32
  }
}

</mosaic_0001>

<sc_bundles>
// kernel: kernel.11.cloned.1.call-start
scs
__scs_entry_jumppad:
0x0: {  	(pc) =	sbr.rel $0x88, $3  }
0x1: {  	(tag) =	ssettag $0x0;
	lr =	simm.s32 $0x1  }
0x2: {  	[smem:$0x3F9B] =	sst lr;
	_ =	strace $0xD0000000  }
0x3: {  	_ = 	snop  }
0x4: {  	_ = 	snop  }
0x5: {  	_ = 	snop  }
0x6: {  	_ = 	snop  }
0x7: {  	_ = 	snop  }
__scs_overlays_trampoline_lowered:
0x8: {  	[smem:$0x3FAA] =	sst s0  }
0x9: {  	[smem:$0x3FAB] =	sst s1  }
0xa: {  	[smem:$0x3FAC] =	sst s2  }
0xb: {  	[smem:$0x3FAD] =	sst s3  }
0xc: {  	[smem:$0x3FAE] =	sst s4  }
0xd: {  	[smem:$0x3FAF] =	sst s5  }
0xe: {  	[smem:$0x3FB0] =	sst s6  }
0xf: {  	[smem:$0x3FB1] =	sst s7  }
0x10: {  	[smem:$0x3FB2] =	sst s8  }
0x11: {  	[smem:$0x3FB3] =	sst s9;
	s0 =	simm.s32 @!p0 $0x0  }
0x12: {  	s1 =	sld [smem:$0x3F99];
	s0 =	simm.s32 @p0 $0x1  }
0x13: {  	[smem:$0x3FB4] =	sst s0;
	s0 =	simm.s32 @!p1 $0x0  }
0x14: {  	s2 =	sld [smem:$0x3F98];
	s0 =	simm.s32 @p1 $0x1  }
0x15: {  	[smem:$0x3FB5] =	sst s0;
	s0 =	simm.s32 @!p2 $0x0  }
0x16: {  	s3 =	sld [smem:$0x3FDB];
	s0 =	simm.s32 @p2 $0x1  }
0x17: {  	s4 =	simm.s32 $0x1BF5;
	[smem:$0x3FB7] =	sst s0  }
0x18: {  	s0 =	sld [smem:$0x3F9A];
	_ =	swait.ge [sflag:s4], $0x0  }
0x19: {  	s7 =	sld [smem:$0x3F9B]  }
0x1a: {  	s8 =	sadd.s32 $0xFFFFE003, lr  }
0x1b: {  	s9 =	sadd.s32 $0xFFFFFEF7, lr;
	s5 =	simm.s32 $0xFFFFFFFF;
	p2 =	slt.u32 s8, $0xFFFFF086  }
0x1c: {  	p1 =	slt.u32 s9, $0xF7A;
	s5 =	simm.s32 @!p2 $0x0  }
0x1d: {  	s5 =	simm.s32 @p1 $0x1;
	p0 =	seq.s32 s7, s2  }
0x1e: {  	s7 =	smul.u32 @!p0 $0xF7A, s2;
	p2 =	seq.s32 @!p0 s5, $0x0  }
0x1f: {  	s9 =	smul.u32 $0xF7A, s1;
	s8 =	simm.s32 @!p0 $0x1BF5;
	p2 =	por !p2, p0  }
0x20: {  	[sflag:s8] =	ssyncset.s32 @!p0 $0xFFFFF086;
	s6 =	sadd.s32 @!p0 s3, s7;
	s7 =	simm.s32 @!p0 $0x108  }
0x21: {  	s3 =	sadd.s32 s3, s9;
	s6 =	sadd.s32 @!p0 $0x88, s6;
	s7 =	simm.s32 @p2 $0x1082  }
0x22: {  	[simem:s7], [sflag:s8] =	dma.local @!p0 [hbm:s6], $0xF7A  }
0x23: {  	s9 =	sor.u32 $0xD0000000, s2;
	s6 =	simm.s32 $0x108;
	_ =	swait.ge @!p0 [sflag:s8], $0x0  }
0x24: {  	s3 =	sadd.s32 $0x88, s3;
	s6 =	simm.s32 @!p1 $0x1082;
	[sflag:s4] =	ssyncset.s32 $0xFFFFF086  }
0x25: {  	[simem:s6], [sflag:s4] =	dma.local [hbm:s3], $0xF7A  }
0x26: {  	[smem:$0x3F9B] =	sst s1;
	(tag) =	ssettag s2;
	_ =	strace s9  }
0x27: {  	s1 =	sld [smem:$0x3FAB]  }
0x28: {  	s2 =	sld [smem:$0x3FAC]  }
0x29: {  	s4 =	sld [smem:$0x3FAE]  }
0x2a: {  	p0 =	seq.s32 s5, $0x0;
	s5 =	sld [smem:$0x3FAF]  }
0x2b: {  	s6 =	sld [smem:$0x3FB0]  }
0x2c: {  	s7 =	sld [smem:$0x3FB1]  }
0x2d: {  	s3 =	simm.s32 $0x108;
	s8 =	sld [smem:$0x3FB2]  }
0x2e: {  	s3 =	simm.s32 @!p0 $0x1082;
	s9 =	sld [smem:$0x3FB3]  }
0x2f: {  	lr =	sadd.s32 s0, s3;
	s0 =	sld [smem:$0x3FAA]  }
0x30: {  	s3 =	sld [smem:$0x3FAD]  }
0x31: {  	[smem:$0x3FB6] =	sst s10  }
0x32: {  	s10 =	sld [smem:$0x3FB4];
	_ =	sdelay $0x3  }
0x33: {  	p0 =	seq.s32 s10, $0x1;
	s10 =	sld [smem:$0x3FB6];
	_ =	sdelay $0x3  }
0x34: {  	[smem:$0x3FB6] =	sst s10  }
0x35: {  	s10 =	sld [smem:$0x3FB5];
	_ =	sdelay $0x3  }
0x36: {  	p1 =	seq.s32 s10, $0x1;
	s10 =	sld [smem:$0x3FB6];
	_ =	sdelay $0x3  }
0x37: {  	[smem:$0x3FB6] =	sst s10  }
0x38: {  	s10 =	sld [smem:$0x3FB7]  }
0x39: {  	_ = 	snop;
	(pc) =	sbr.ind lr, $3  }
0x3a: {  	_ = 	snop  }
0x3b: {  	_ = 	snop  }
0x3c: {  	p2 =	seq.s32 s10, $0x1;
	s10 =	sld [smem:$0x3FB6]  }
0x3d: {  	_ =	shalt  }
0x3e: {  	_ =	shalt  }
0x3f: {  	_ =	shalt  }
0x40: {  	_ =	shalt  }
0x41: {  	_ =	shalt  }
0x42: {  	_ =	shalt  }
0x43: {  	_ =	shalt  }
0x44: {  	_ =	shalt  }
0x45: {  	_ =	shalt  }
0x46: {  	_ =	shalt  }
0x47: {  	_ =	shalt  }
0x48: {  	_ =	shalt  }
0x49: {  	_ =	shalt  }
0x4a: {  	_ =	shalt  }
0x4b: {  	_ =	shalt  }
0x4c: {  	_ =	shalt  }
0x4d: {  	_ =	shalt  }
0x4e: {  	_ =	shalt  }
0x4f: {  	_ =	shalt  }
0x50: {  	_ =	shalt  }
0x51: {  	_ =	shalt  }
0x52: {  	_ =	shalt  }
0x53: {  	_ =	shalt  }
0x54: {  	_ =	shalt  }
0x55: {  	_ =	shalt  }
0x56: {  	_ =	shalt  }
0x57: {  	_ =	shalt  }
0x58: {  	_ =	shalt  }
0x59: {  	_ =	shalt  }
0x5a: {  	_ =	shalt  }
0x5b: {  	_ =	shalt  }
0x5c: {  	_ =	shalt  }
0x5d: {  	_ =	shalt  }
0x5e: {  	_ =	shalt  }
0x5f: {  	_ =	shalt  }
0x60: {  	_ =	shalt  }
0x61: {  	_ =	shalt  }
0x62: {  	_ =	shalt  }
0x63: {  	_ =	shalt  }
0x64: {  	_ =	shalt  }
0x65: {  	_ =	shalt  }
0x66: {  	_ =	shalt  }
0x67: {  	_ =	shalt  }
0x68: {  	_ =	shalt  }
0x69: {  	_ =	shalt  }
0x6a: {  	_ =	shalt  }
0x6b: {  	_ =	shalt  }
0x6c: {  	_ =	shalt  }
0x6d: {  	_ =	shalt  }
0x6e: {  	_ =	shalt  }
0x6f: {  	_ =	shalt  }
0x70: {  	_ =	shalt  }
0x71: {  	_ =	shalt  }
0x72: {  	_ =	shalt  }
0x73: {  	_ =	shalt  }
0x74: {  	_ =	shalt  }
0x75: {  	_ =	shalt  }
0x76: {  	_ =	shalt  }
0x77: {  	_ =	shalt  }
0x78: {  	_ =	shalt  }
0x79: {  	_ =	shalt  }
0x7a: {  	_ =	shalt  }
0x7b: {  	_ =	shalt  }
0x7c: {  	_ =	shalt  }
0x7d: {  	_ =	shalt  }
0x7e: {  	_ =	shalt  }
0x7f: {  	_ =	shalt  }
0x80: {  	_ =	shalt  }
0x81: {  	_ =	shalt  }
0x82: {  	_ =	shalt  }
0x83: {  	_ =	shalt  }
0x84: {  	_ =	shalt  }
0x85: {  	_ =	shalt  }
0x86: {  	_ =	shalt  }
0x87: {  	_ =	shalt  }
.Lfunc_end0:
.L_simem_size_0:
called_computation.1_lowered:
.L_overlay_start_0:
0x88: {  	s2 =	sld [smem:$0x3FD9]  }
0x89: {  	s3 =	sld [smem:$0x3FFE];
	_ =	sdelay $0x1  }
0x8a: {  	s1 =	srdreg.scid  }
0x8b: {  	s0 =	sand.u32 $0x1, s1  }
0x8c: {  	s17 =	sshll.u32 s0, $0xA;
	s2 =	sadd.s32 s3, s2  }
0x8d: {  	s2 =	sadd.s32 s2, s17  }
0x8e: {  	[smem:$0x3FC2] =	sst s2  }
0x8f: {  	_ = 	snop  }
0x90: {  	s2 =	sld [smem:$0x3FD0];
	(tm) =	ssettm $0x1  }
0x91: {  	s18 =	sld [smem:$0x3FFB];
	_ =	sdelay $0x3  }
0x92: {  	_ =	strace s18  }
0x93: {  	s3 =	sld [smem:$0x3FFC];
	_ =	sdelay $0x3  }
0x94: {  	_ =	strace s3  }
0x95: {  	s3 =	sld [smem:$0x3FFD];
	_ =	sdelay $0x3  }
0x96: {  	_ =	strace s3  }
0x97: {  	_ =	strace $0x8FFFFFFF  }
0x98: {  	s19 =	sld [smem:$0x3FDB];
	_ =	sdelay $0x1  }
0x99: {  	s4 =	simm.s32 $_scs_section_size  }
0x9a: {  	s5 =	simm.s32 $_size__tile_overlayer_lowered;
	s6 =	simm.s32 $_tile_overlayer_lowered  }
0x9b: {  	s22 =	simm.s32 $0x1BFF;
	s21 =	sshll.u32 s6, $0x1;
	s3 =	sadd.s32 s4, s19  }
0x9c: {  	s7 =	simm.s32 $0x0;
	s20 =	sshll.u32 s5, $0x1;
	s5 =	sadd.s32 s21, s3  }
0x9d: {  	[timem:s7], [sflag:s22] =	dma.local [hbm:s5], s20  }
0x9e: {  	_ =	swait.ge [sflag:s22], s20  }
0x9f: {  	s4 =	ssub.s32 $0x0, s20;
	[sflag:s22] =	ssyncset.done $0x0  }
0xa0: {  	[sflag:s22] =	ssyncadd.s32 s4;
	_ =	sdelay $0x1  }
0xa1: {  	s23 =	simm.s32 $0x1B8B  }
0xa2: {  	_ =	swait.ge [sflag:s23], $0x1  }
0xa3: {  	[sflag:s23] =	ssyncset.done $0x0  }
0xa4: {  	s25 =	simm.s32 $0x1B8E;
	s24 =	sld [smem:$0x3FFE];
	[sflag:s23] =	ssyncadd.s32 $0xFFFFFFFF  }
0xa5: {  	s26 =	simm.s32 $execute0_lowered;
	[smem:$0x3FD2] =	sst s25  }
0xa6: {  	s5 =	sshll.u32 s26, $0x1;
	_ =	strace $0x80000049;
	[dreg:$0x1] =	wrdreg $0xFFFFFFFF  }
0xa7: {  	s28 =	simm.s32 $_size_execute0_lowered;
	s3 =	sadd.s32 s3, s5;
	[dreg:$0x0] =	wrdreg $0x0  }
0xa8: {  	s5 =	sshll.u32 s28, $0x1;
	[dreg:$0x2] =	wrdreg s3  }
0xa9: {  	[dreg:$0x3] =	wrdreg s5  }
0xaa: {  	[dreg:$0x4] =	wrdreg $0xC0  }
0xab: {  	_ =	task [dreg:s7], $0x5FFFF  }
0xac: {  	[dreg:$0x1] =	wrdreg $0xFFFFFFFF  }
0xad: {  	[dreg:$0x0] =	wrdreg $0x60  }
0xae: {  	[dreg:$0x2] =	wrdreg s24  }
0xaf: {  	[dreg:$0x3] =	wrdreg s2  }
0xb0: {  	[dreg:$0x4] =	wrdreg $0xA8000  }
0xb1: {  	[dreg:$0x5] =	wrdreg $0x9  }
0xb2: {  	_ =	task.clear_ibuf [dreg:s7], $0x6FFFF;
	_ =	strace $0x90000049  }
0xb3: {  	s29 =	simm.s32 $0x9;
	_ =	strace $0x8000004B  }
0xb4: {  	_ =	swait.ge [sflag:s29], $0x1  }
0xb5: {  	[sflag:s29] =	ssyncadd.s32 $0xFFFFFFFF  }
0xb6: {  	_ =	strace $0x9000004B  }
0xb7: {  	_ =	sfence  }
0xb8: {  	s30 =	sld [smem:$0x0];
	_ =	sdelay $0x2  }
0xb9: {  	s31 =	sshll.u32 s1, $0xD;
	s1 =	sshrl.u32 s1, $0x2  }
0xba: {  	s3 =	sand.u32 $0x4000, s31;
	s1 =	sadd.s32 s1, s30  }
0xbb: {  	s0 =	sor.u32 s3, s0;
	s1 =	sshll.u32 s1, $0x11  }
0xbc: {  	s0 =	sor.u32 s1, s0  }
0xbd: {  	s0 =	sadd.s32 $0x8F2B, s0  }
0xbe: {  	[sflag:s0] =	ssyncadd.remote.s32 $0x1  }
0xbf: {  	_ =	sfence.sel $0xFFFF  }
0xc0: {  	[dreg:$0x0] =	wrdreg $0xFFFFFFFF;
	(pc) =	sbr.abs _section_cstart, $3  }
0xc1: {  	[dreg:$0x1] =	wrdreg $0xFFFFFFFF  }
0xc2: {  	_ =	task.clear_ibuf [dreg:s7], $0x2FFFF;
	_ =	strace $0x9FFFFFFF  }
0xc3: {  	(tm) =	ssettm $0x7FFFFFFF  }
tec
execute0_lowered:
.L_overlay_start_1:
0x0: {  	(tag) =	ssettag $0x1  }
0x1: {  	s0 =	rddreg [dreg:$0x0]  }
0x2: {  	s1 =	rddreg [dreg:$0x1]  }
0x3: {  	s2 =	rddreg [dreg:$0x2];
	s3 =	srdreg.scid  }
0x4: {  	s11 =	simm.s32 $0x0;
	s4 =	stileid.u32;
	s13 =	simm.s32 $0x9  }
0x5: {  	s14 =	simm.s32 $0x1400;
	s15 =	simm.s32 $0x40;
	s16 =	simm.s32 $0x2800  }
0x6: {  	s17 =	simm.s32 $0x80;
	s18 =	simm.s32 $0x4800;
	s19 =	simm.s32 $0x100  }
0x7: {  	s20 =	simm.s32 $0x6800;
	s21 =	simm.s32 $0x180;
	s28 =	simm.s32 $0x5  }
0x8: {  	s29 =	simm.s32 $0x6;
	s30 =	simm.s32 $0x7;
	s31 =	simm.s32 $0x8  }
0x9: {  	s3 =	sand.u32 $0x1, s3;
	[smem:$0x7FF] =	sst s11;
	s8 =	smul.u32 $0x14000, s4  }
0xa: {  	s5 =	sadd.s32 $0x5400, s0;
	s6 =	sadd.s32 $0x55400, s0;
	s9 =	smul.u32 $0x50000, s4  }
0xb: {  	s10 =	sadd.s32 $0x2C00, s0;
	s25 =	sshll.u32 s4, $0x6;
	s7 =	smul.u32 $0x140000, s3  }
0xc: {  	_ =	strace $0x8000004A;
	s22 =	ssub.s32 $0x2, s3;
	[dreg:$0x5] =	wrdreg s10  }
0xd: {  	s3 =	sshll.u32 s3, $0x4;
	s12 =	sor.u32 $0x1C09, s25;
	s25 =	simm.s32 $0x3  }
0xe: {  	s10 =	simm.s32 $0x2780;
	s23 =	sshrl.u32 s22, $0x1;
	s24 =	sshrl.u32 s9, $0x2  }
0xf: {  	s3 =	sor.u32 s4, s3;
	[dreg:$0x6] =	wrdreg s12;
	s7 =	sadd.s32 s8, s7  }
0x10: {  	s8 =	sadd.s32 s24, s2;
	s9 =	smul.u32 $0xA0, s3;
	s24 =	simm.s32 $0x2  }
0x11: {  	s3 =	simm.s32 $0x2680;
	s7 =	sshrl.u32 s7, $0x3;
	s8 =	sshrl.u32 s8, $0x3  }
0x12: {  	s0 =	sadd.s32 s7, s0;
	s7 =	ssub.s32 s22, s23;
	s22 =	simm.s32 $0x8800  }
0x13: {  	s23 =	simm.s32 $0x1;
	[dreg:$0x9] =	wrdreg s8;
	s0 =	sadd.s32 $0x69400, s0  }
0x14: {  	s26 =	smax.u32 s7, $0x1;
	s7 =	simm.s32 $0x2700;
	[dreg:$0x7] =	wrdreg s0  }
0x15: {  	[dreg:$0x8] =	wrdreg s26;
	s26 =	simm.s32 $0x4;
	s0 =	simm.s32 $0x2600  }
.LBB2_1:
0x16: {  	[dreg:$0x4] =	wrdreg s11  }
0x17: {  	s4 =	rddreg [dreg:$0x5]  }
0x18: {  	[spmem:s8], [sflag:s12] =	dma.local [hbm:s4], $0x2800  }
0x19: {  	_ =	swait.ge [sflag:s13], $0x2800  }
0x1a: {  	[sflag:s13] =	ssyncset.done $0x0  }
0x1b: {  	[sflag:s13] =	ssyncadd.s32 $0xFFFFD800  }
0x1c: {  	s11 =	simm.s32 $0x0;
	[bflag:$0x0] =	sbarrier.arrive $0xFFFF  }
.LBB2_2:
0x1d: {  	s8 =	smul.u32 $0x28, s11;
	_ =	sdelay $0x1  }
0x1e: {  	s8 =	sadd.s32 s9, s8  }
0x1f: {  	s8 =	sshll.u32 s8, $0x4  }
0x20: {  	s4 =	simm.s32 $0x0;
	s12 =	sadd.s32 s6, s8  }
0x21: {  	[tilespmem:s4], [sflag:$0x9] =	stream.linear.gather [hbm4b:s12+s4], $0x1400, $0x38;
	[tilespmem:$0x1E800] =	vst v63  }
0x22: {  	_ =	swait.ge [sflag:s13], $0x1400  }
0x23: {  	[sflag:s13] =	ssyncset.done $0x0  }
0x24: {  	s8 =	sadd.s32 s1, s8;
	[sflag:s13] =	ssyncadd.s32 $0xFFFFEC00  }
0x25: {  	[tilespmem:s14], [sflag:$0x9] =	stream.linear.gather [hbm4b:s8+s4], $0x1400, $0x38;
	[tilespmem:$0x1E800] =	vst v63  }
0x26: {  	_ =	swait.ge [sflag:s13], $0x1400  }
0x27: {  	[sflag:s13] =	ssyncset.done $0x0  }
0x28: {  	[sflag:s13] =	ssyncadd.s32 $0xFFFFEC00  }
0x29: {  	[tilespmem:s16], [sflag:$0x1] =	stream.indirect.gather [hbm4b:s5+s15], $0x80, s4, s15, $0xb8;
	[tilespmem:$0x1E800] =	vst v63  }
0x2a: {  	_ = 	snop  }
0x2b: {  	[tilespmem:s18], [sflag:$0x2] =	stream.indirect.gather [hbm4b:s5+s15], $0x80, s17, s15, $0xb8;
	[tilespmem:$0x1E800] =	vst v63  }
0x2c: {  	_ = 	snop  }
0x2d: {  	[tilespmem:s20], [sflag:$0x3] =	stream.indirect.gather [hbm4b:s5+s15], $0x80, s19, s15, $0xb8;
	[tilespmem:$0x1E800] =	vst v63  }
0x2e: {  	_ = 	snop  }
0x2f: {  	[tilespmem:s22], [sflag:$0x4] =	stream.indirect.gather [hbm4b:s5+s15], $0x80, s21, s15, $0xb8;
	[tilespmem:$0x1E800] =	vst v63  }
0x30: {  	_ =	swait.ge [sflag:s23], $0x2000  }
0x31: {  	[sflag:s23] =	ssyncset.done $0x0  }
0x32: {  	s12 =	simm.s32 $0x1400;
	[sflag:s23] =	ssyncadd.s32 $0xFFFFE000  }
0x33: {  	[spmem:s2] =	stream.indirect.scatter.add.f32 [tilespmem:s16], [sflag:$0x5], $0x80, s12, s15, $0xb8;
	[tilespmem:$0x1E800] =	vst v63  }
0x34: {  	_ =	swait.ge [sflag:s24], $0x2000  }
0x35: {  	[sflag:s24] =	ssyncset.done $0x0  }
0x36: {  	s8 =	simm.s32 $0x1480;
	[sflag:s24] =	ssyncadd.s32 $0xFFFFE000  }
0x37: {  	[spmem:s2] =	stream.indirect.scatter.add.f32 [tilespmem:s18], [sflag:$0x6], $0x80, s8, s15, $0xb8;
	[tilespmem:$0x1E800] =	vst v63  }
0x38: {  	_ =	swait.ge [sflag:s25], $0x2000  }
0x39: {  	[sflag:s25] =	ssyncset.done $0x0  }
0x3a: {  	s12 =	simm.s32 $0x1500;
	[sflag:s25] =	ssyncadd.s32 $0xFFFFE000  }
0x3b: {  	[spmem:s2] =	stream.indirect.scatter.add.f32 [tilespmem:s20], [sflag:$0x7], $0x80, s12, s15, $0xb8;
	[tilespmem:$0x1E800] =	vst v63  }
0x3c: {  	_ =	swait.ge [sflag:s26], $0x2000  }
0x3d: {  	[sflag:s26] =	ssyncset.done $0x0  }
0x3e: {  	s8 =	simm.s32 $0x1580;
	[sflag:s26] =	ssyncadd.s32 $0xFFFFE000  }
0x3f: {  	[spmem:s2] =	stream.indirect.scatter.add.f32 [tilespmem:s22], [sflag:$0x8], $0x80, s8, s15, $0xb8;
	[tilespmem:$0x1E800] =	vst v63  }
0x40: {  	_ =	swait.ge [sflag:s28], $0x2000  }
0x41: {  	[sflag:s28] =	ssyncset.done $0x0  }
0x42: {  	s12 =	simm.s32 $0x200;
	[sflag:s28] =	ssyncadd.s32 $0xFFFFE000  }
0x43: {  	[tilespmem:s16], [sflag:$0x1] =	stream.indirect.gather [hbm4b:s5+s15], $0x80, s12, s15, $0xb8;
	[tilespmem:$0x1E800] =	vst v63  }
0x44: {  	_ =	swait.ge [sflag:s29], $0x2000  }
0x45: {  	[sflag:s29] =	ssyncset.done $0x0  }
0x46: {  	s8 =	simm.s32 $0x280;
	[sflag:s29] =	ssyncadd.s32 $0xFFFFE000  }
0x47: {  	[tilespmem:s18], [sflag:$0x2] =	stream.indirect.gather [hbm4b:s5+s15], $0x80, s8, s15, $0xb8;
	[tilespmem:$0x1E800] =	vst v63  }
0x48: {  	_ =	swait.ge [sflag:s30], $0x2000  }
0x49: {  	[sflag:s30] =	ssyncset.done $0x0  }
0x4a: {  	s12 =	simm.s32 $0x300;
	[sflag:s30] =	ssyncadd.s32 $0xFFFFE000  }
0x4b: {  	[tilespmem:s20], [sflag:$0x3] =	stream.indirect.gather [hbm4b:s5+s15], $0x80, s12, s15, $0xb8;
	[tilespmem:$0x1E800] =	vst v63  }
0x4c: {  	_ =	swait.ge [sflag:s31], $0x2000  }
0x4d: {  	[sflag:s31] =	ssyncset.done $0x0  }
0x4e: {  	s8 =	simm.s32 $0x800;
	s12 =	simm.s32 $0x380;
	[sflag:s31] =	ssyncadd.s32 $0xFFFFE000  }
.LBB2_3:
0x4f: {  	[tilespmem:s22], [sflag:$0x4] =	stream.indirect.gather [hbm4b:s5+s15], $0x80, s12, s15, $0xb8;
	[tilespmem:$0x1E800] =	vst v63  }
0x50: {  	s4 =	smov.u32 s8  }
0x51: {  	p0 =	sne.s32 s8, $0x4000;
	s8 =	sadd.s32 $0x800, s8;
	_ =	swait.ge [sflag:s23], $0x2000  }
0x52: {  	s12 =	sshra.s32 s4, $0x2;
	[sflag:s23] =	ssyncset.done $0x0  }
0x53: {  	s4 =	sadd.s32 $0x1400, s12;
	[sflag:s23] =	ssyncadd.s32 $0xFFFFE000  }
0x54: {  	[spmem:s2] =	stream.indirect.scatter.add.f32 [tilespmem:s16], [sflag:$0x5], $0x80, s4, s15, $0xb8;
	[tilespmem:$0x1E800] =	vst v63  }
0x55: {  	_ =	swait.ge [sflag:s24], $0x2000  }
0x56: {  	[sflag:s24] =	ssyncset.done $0x0  }
0x57: {  	s4 =	sadd.s32 $0x1480, s12;
	[sflag:s24] =	ssyncadd.s32 $0xFFFFE000  }
0x58: {  	[spmem:s2] =	stream.indirect.scatter.add.f32 [tilespmem:s18], [sflag:$0x6], $0x80, s4, s15, $0xb8;
	[tilespmem:$0x1E800] =	vst v63  }
0x59: {  	_ =	swait.ge [sflag:s25], $0x2000  }
0x5a: {  	[sflag:s25] =	ssyncset.done $0x0  }
0x5b: {  	s4 =	sadd.s32 $0x1500, s12;
	[sflag:s25] =	ssyncadd.s32 $0xFFFFE000  }
0x5c: {  	[spmem:s2] =	stream.indirect.scatter.add.f32 [tilespmem:s20], [sflag:$0x7], $0x80, s4, s15, $0xb8;
	[tilespmem:$0x1E800] =	vst v63  }
0x5d: {  	_ =	swait.ge [sflag:s26], $0x2000  }
0x5e: {  	[sflag:s26] =	ssyncset.done $0x0  }
0x5f: {  	s4 =	sadd.s32 $0x1580, s12;
	[sflag:s26] =	ssyncadd.s32 $0xFFFFE000  }
0x60: {  	[spmem:s2] =	stream.indirect.scatter.add.f32 [tilespmem:s22], [sflag:$0x8], $0x80, s4, s15, $0xb8;
	[tilespmem:$0x1E800] =	vst v63  }
0x61: {  	_ =	swait.ge [sflag:s28], $0x2000  }
0x62: {  	[sflag:s28] =	ssyncset.done $0x0  }
0x63: {  	s4 =	sadd.s32 $0x200, s12;
	[sflag:s28] =	ssyncadd.s32 $0xFFFFE000  }
0x64: {  	[tilespmem:s16], [sflag:$0x1] =	stream.indirect.gather [hbm4b:s5+s15], $0x80, s4, s15, $0xb8;
	[tilespmem:$0x1E800] =	vst v63  }
0x65: {  	_ =	swait.ge [sflag:s29], $0x2000  }
0x66: {  	[sflag:s29] =	ssyncset.done $0x0  }
0x67: {  	s4 =	sadd.s32 $0x280, s12;
	[sflag:s29] =	ssyncadd.s32 $0xFFFFE000  }
0x68: {  	[tilespmem:s18], [sflag:$0x2] =	stream.indirect.gather [hbm4b:s5+s15], $0x80, s4, s15, $0xb8;
	[tilespmem:$0x1E800] =	vst v63  }
0x69: {  	_ =	swait.ge [sflag:s30], $0x2000  }
0x6a: {  	[sflag:s30] =	ssyncset.done $0x0  }
.Ltmp0:
0x6b: {  	s4 =	sadd.s32 $0x300, s12;
	[sflag:s30] =	ssyncadd.s32 $0xFFFFE000;
	(pc) =	sbr.rel @p0 .LBB2_3-.Ltmp0, $4  }
0x6c: {  	[tilespmem:s20], [sflag:$0x3] =	stream.indirect.gather [hbm4b:s5+s15], $0x80, s4, s15, $0xb8;
	[tilespmem:$0x1E800] =	vst v63  }
0x6d: {  	_ =	swait.ge [sflag:s31], $0x2000  }
0x6e: {  	[sflag:s31] =	ssyncset.done $0x0  }
0x6f: {  	s12 =	sadd.s32 $0x380, s12;
	[sflag:s31] =	ssyncadd.s32 $0xFFFFE000  }
0x70: {  	[tilespmem:s22], [sflag:$0x4] =	stream.indirect.gather [hbm4b:s5+s15], $0x80, s12, s15, $0xb8;
	[tilespmem:$0x1E800] =	vst v63  }
0x71: {  	_ =	swait.ge [sflag:s23], $0x2000  }
0x72: {  	[sflag:s23] =	ssyncset.done $0x0  }
0x73: {  	[sflag:s23] =	ssyncadd.s32 $0xFFFFE000  }
0x74: {  	[spmem:s2] =	stream.indirect.scatter.add.f32 [tilespmem:s16], [sflag:$0x5], $0x80, s0, s15, $0xb8;
	[tilespmem:$0x1E800] =	vst v63  }
0x75: {  	_ =	swait.ge [sflag:s24], $0x2000  }
0x76: {  	[sflag:s24] =	ssyncset.done $0x0  }
0x77: {  	[sflag:s24] =	ssyncadd.s32 $0xFFFFE000  }
0x78: {  	[spmem:s2] =	stream.indirect.scatter.add.f32 [tilespmem:s18], [sflag:$0x6], $0x80, s3, s15, $0xb8;
	[tilespmem:$0x1E800] =	vst v63  }
0x79: {  	_ =	swait.ge [sflag:s25], $0x2000  }
0x7a: {  	[sflag:s25] =	ssyncset.done $0x0  }
0x7b: {  	[sflag:s25] =	ssyncadd.s32 $0xFFFFE000  }
0x7c: {  	[spmem:s2] =	stream.indirect.scatter.add.f32 [tilespmem:s20], [sflag:$0x7], $0x80, s7, s15, $0xb8;
	[tilespmem:$0x1E800] =	vst v63  }
0x7d: {  	_ =	swait.ge [sflag:s26], $0x2000  }
0x7e: {  	[sflag:s26] =	ssyncset.done $0x0  }
0x7f: {  	[sflag:s26] =	ssyncadd.s32 $0xFFFFE000  }
0x80: {  	[spmem:s2] =	stream.indirect.scatter.add.f32 [tilespmem:s22], [sflag:$0x8], $0x80, s10, s15, $0xb8;
	[tilespmem:$0x1E800] =	vst v63  }
0x81: {  	_ =	swait.ge [sflag:s28], $0x2000  }
0x82: {  	[sflag:s28] =	ssyncset.done $0x0  }
0x83: {  	[sflag:s28] =	ssyncadd.s32 $0xFFFFE000  }
0x84: {  	_ =	swait.ge [sflag:s29], $0x2000  }
0x85: {  	[sflag:s29] =	ssyncset.done $0x0  }
0x86: {  	s11 =	sadd.s32 $0x1, s11;
	[sflag:s29] =	ssyncadd.s32 $0xFFFFE000  }
0x87: {  	p0 =	sne.s32 s11, $0x4;
	_ =	swait.ge [sflag:s30], $0x2000  }
.Ltmp1:
0x88: {  	[sflag:s30] =	ssyncset.done $0x0;
	(pc) =	sbr.rel @p0 .LBB2_2-.Ltmp1, $4  }
0x89: {  	[sflag:s30] =	ssyncadd.s32 $0xFFFFE000  }
0x8a: {  	_ =	swait.ge [sflag:s31], $0x2000  }
0x8b: {  	[sflag:s31] =	ssyncset.done $0x0  }
0x8c: {  	[sflag:s31] =	ssyncadd.s32 $0xFFFFE000  }
0x8d: {  	[bflag:$0x0] =	sbarrier.arrive $0xFFFF  }
0x8e: {  	s12 =	rddreg [dreg:$0x6]  }
0x8f: {  	s4 =	rddreg [dreg:$0x7]  }
0x90: {  	s8 =	rddreg [dreg:$0x9]  }
0x91: {  	[hbm:s4], [sflag:s12] =	dma.local [spmem:s8], $0x2800  }
0x92: {  	_ =	swait.ge [sflag:s13], $0x2800  }
0x93: {  	s11 =	rddreg [dreg:$0x4]  }
0x94: {  	s4 =	rddreg [dreg:$0x8];
	s11 =	sadd.s32 $0x1, s11  }
0x95: {  	p0 =	sne.s32 s11, s4  }
.Ltmp2:
0x96: {  	_ = 	snop;
	(pc) =	sbr.rel @p0 .LBB2_1-.Ltmp2, $3  }
0x97: {  	_ =	sdelay $0x1  }
0x98: {  	[sflag:s13] =	ssyncset.done $0x0  }
0x99: {  	[sflag:s13] =	ssyncadd.s32 $0xFFFFD800  }
0x9a: {  	_ =	sfence.sel $0x180000  }
0x9b: {  	[bflag:$0x0] =	sbarrier.arrive $0xFFFF  }
0x9c: {  	_ =	strace $0x9000004A  }
0x9d: {  	s0 =	stileid.u32;
	[bflag:$0x2] =	sbarrier.arrive $0xFFFF  }
0x9e: {  	p0 =	sne.s32 s0, $0x0;
	s0 =	rddreg [dreg:$0x3]  }
0x9f: {  	s0 =	sadd.s32 @!p0 $0x100000, s0  }
0xa0: {  	[sflag:s0] =	ssyncadd.tile.s32 @!p0 $0x1;
	_ =	shalt  }
.Lfunc_end2:
_tile_overlayer_lowered:
.L_overlay_start_2:
0xa1: {  	(tag) =	ssettag $0x2  }
0xa2: {  	s0 =	rddreg [dreg:$0x0];
	s2 =	stileid.u32  }
0xa3: {  	s1 =	rddreg [dreg:$0x1];
	p0 =	sne.s32 s2, $0x0  }
0xa4: {  	s3 =	rddreg [dreg:$0x2];
	[bflag:$0x3] =	sbarrier.arrive $0xFFFF;
	s2 =	simm.s32 @!p0 $0x1C09  }
0xa5: {  	[timem:s3], [sflag:s2] =	dma.local @!p0 [hbm:s0], s1  }
0xa6: {  	s0 =	simm.s32 @!p0 $0x9  }
0xa7: {  	_ =	swait.ge @!p0 [sflag:s0], s1  }
0xa8: {  	s1 =	ssub.s32 @!p0 $0x0, s1;
	[sflag:s0] =	ssyncset.done @!p0 $0x0  }
0xa9: {  	[sflag:s0] =	ssyncadd.s32 @!p0 s1  }
0xaa: {  	[bflag:$0x3] =	sbarrier.arrive $0xFFFF  }
0xab: {  	_ =	shalt  }

// kernel: kernel.14.cloned.1.call-start
scs
__scs_entry_jumppad:
0x0: {  	(pc) =	sbr.rel $0x88, $3  }
0x1: {  	(tag) =	ssettag $0x0;
	lr =	simm.s32 $0x1  }
0x2: {  	[smem:$0x3F9B] =	sst lr;
	_ =	strace $0xD0000000  }
0x3: {  	_ = 	snop  }
0x4: {  	_ = 	snop  }
0x5: {  	_ = 	snop  }
0x6: {  	_ = 	snop  }
0x7: {  	_ = 	snop  }
__scs_overlays_trampoline_lowered:
0x8: {  	[smem:$0x3FAA] =	sst s0  }
0x9: {  	[smem:$0x3FAB] =	sst s1  }
0xa: {  	[smem:$0x3FAC] =	sst s2  }
0xb: {  	[smem:$0x3FAD] =	sst s3  }
0xc: {  	[smem:$0x3FAE] =	sst s4  }
0xd: {  	[smem:$0x3FAF] =	sst s5  }
0xe: {  	[smem:$0x3FB0] =	sst s6  }
0xf: {  	[smem:$0x3FB1] =	sst s7  }
0x10: {  	[smem:$0x3FB2] =	sst s8  }
0x11: {  	[smem:$0x3FB3] =	sst s9;
	s0 =	simm.s32 @!p0 $0x0  }
0x12: {  	s1 =	sld [smem:$0x3F99];
	s0 =	simm.s32 @p0 $0x1  }
0x13: {  	[smem:$0x3FB4] =	sst s0;
	s0 =	simm.s32 @!p1 $0x0  }
0x14: {  	s2 =	sld [smem:$0x3F98];
	s0 =	simm.s32 @p1 $0x1  }
0x15: {  	[smem:$0x3FB5] =	sst s0;
	s0 =	simm.s32 @!p2 $0x0  }
0x16: {  	s3 =	sld [smem:$0x3FDB];
	s0 =	simm.s32 @p2 $0x1  }
0x17: {  	s4 =	simm.s32 $0x1BF5;
	[smem:$0x3FB7] =	sst s0  }
0x18: {  	s0 =	sld [smem:$0x3F9A];
	_ =	swait.ge [sflag:s4], $0x0  }
0x19: {  	s7 =	sld [smem:$0x3F9B]  }
0x1a: {  	s8 =	sadd.s32 $0xFFFFE003, lr  }
0x1b: {  	s9 =	sadd.s32 $0xFFFFFEF7, lr;
	s5 =	simm.s32 $0xFFFFFFFF;
	p2 =	slt.u32 s8, $0xFFFFF086  }
0x1c: {  	p1 =	slt.u32 s9, $0xF7A;
	s5 =	simm.s32 @!p2 $0x0  }
0x1d: {  	s5 =	simm.s32 @p1 $0x1;
	p0 =	seq.s32 s7, s2  }
0x1e: {  	s7 =	smul.u32 @!p0 $0xF7A, s2;
	p2 =	seq.s32 @!p0 s5, $0x0  }
0x1f: {  	s9 =	smul.u32 $0xF7A, s1;
	s8 =	simm.s32 @!p0 $0x1BF5;
	p2 =	por !p2, p0  }
0x20: {  	[sflag:s8] =	ssyncset.s32 @!p0 $0xFFFFF086;
	s6 =	sadd.s32 @!p0 s3, s7;
	s7 =	simm.s32 @!p0 $0x108  }
0x21: {  	s3 =	sadd.s32 s3, s9;
	s6 =	sadd.s32 @!p0 $0x88, s6;
	s7 =	simm.s32 @p2 $0x1082  }
0x22: {  	[simem:s7], [sflag:s8] =	dma.local @!p0 [hbm:s6], $0xF7A  }
0x23: {  	s9 =	sor.u32 $0xD0000000, s2;
	s6 =	simm.s32 $0x108;
	_ =	swait.ge @!p0 [sflag:s8], $0x0  }
0x24: {  	s3 =	sadd.s32 $0x88, s3;
	s6 =	simm.s32 @!p1 $0x1082;
	[sflag:s4] =	ssyncset.s32 $0xFFFFF086  }
0x25: {  	[simem:s6], [sflag:s4] =	dma.local [hbm:s3], $0xF7A  }
0x26: {  	[smem:$0x3F9B] =	sst s1;
	(tag) =	ssettag s2;
	_ =	strace s9  }
0x27: {  	s1 =	sld [smem:$0x3FAB]  }
0x28: {  	s2 =	sld [smem:$0x3FAC]  }
0x29: {  	s4 =	sld [smem:$0x3FAE]  }
0x2a: {  	p0 =	seq.s32 s5, $0x0;
	s5 =	sld [smem:$0x3FAF]  }
0x2b: {  	s6 =	sld [smem:$0x3FB0]  }
0x2c: {  	s7 =	sld [smem:$0x3FB1]  }
0x2d: {  	s3 =	simm.s32 $0x108;
	s8 =	sld [smem:$0x3FB2]  }
0x2e: {  	s3 =	simm.s32 @!p0 $0x1082;
	s9 =	sld [smem:$0x3FB3]  }
0x2f: {  	lr =	sadd.s32 s0, s3;
	s0 =	sld [smem:$0x3FAA]  }
0x30: {  	s3 =	sld [smem:$0x3FAD]  }
0x31: {  	[smem:$0x3FB6] =	sst s10  }
0x32: {  	s10 =	sld [smem:$0x3FB4];
	_ =	sdelay $0x3  }
0x33: {  	p0 =	seq.s32 s10, $0x1;
	s10 =	sld [smem:$0x3FB6];
	_ =	sdelay $0x3  }
0x34: {  	[smem:$0x3FB6] =	sst s10  }
0x35: {  	s10 =	sld [smem:$0x3FB5];
	_ =	sdelay $0x3  }
0x36: {  	p1 =	seq.s32 s10, $0x1;
	s10 =	sld [smem:$0x3FB6];
	_ =	sdelay $0x3  }
0x37: {  	[smem:$0x3FB6] =	sst s10  }
0x38: {  	s10 =	sld [smem:$0x3FB7]  }
0x39: {  	_ = 	snop;
	(pc) =	sbr.ind lr, $3  }
0x3a: {  	_ = 	snop  }
0x3b: {  	_ = 	snop  }
0x3c: {  	p2 =	seq.s32 s10, $0x1;
	s10 =	sld [smem:$0x3FB6]  }
0x3d: {  	_ =	shalt  }
0x3e: {  	_ =	shalt  }
0x3f: {  	_ =	shalt  }
0x40: {  	_ =	shalt  }
0x41: {  	_ =	shalt  }
0x42: {  	_ =	shalt  }
0x43: {  	_ =	shalt  }
0x44: {  	_ =	shalt  }
0x45: {  	_ =	shalt  }
0x46: {  	_ =	shalt  }
0x47: {  	_ =	shalt  }
0x48: {  	_ =	shalt  }
0x49: {  	_ =	shalt  }
0x4a: {  	_ =	shalt  }
0x4b: {  	_ =	shalt  }
0x4c: {  	_ =	shalt  }
0x4d: {  	_ =	shalt  }
0x4e: {  	_ =	shalt  }
0x4f: {  	_ =	shalt  }
0x50: {  	_ =	shalt  }
0x51: {  	_ =	shalt  }
0x52: {  	_ =	shalt  }
0x53: {  	_ =	shalt  }
0x54: {  	_ =	shalt  }
0x55: {  	_ =	shalt  }
0x56: {  	_ =	shalt  }
0x57: {  	_ =	shalt  }
0x58: {  	_ =	shalt  }
0x59: {  	_ =	shalt  }
0x5a: {  	_ =	shalt  }
0x5b: {  	_ =	shalt  }
0x5c: {  	_ =	shalt  }
0x5d: {  	_ =	shalt  }
0x5e: {  	_ =	shalt  }
0x5f: {  	_ =	shalt  }
0x60: {  	_ =	shalt  }
0x61: {  	_ =	shalt  }
0x62: {  	_ =	shalt  }
0x63: {  	_ =	shalt  }
0x64: {  	_ =	shalt  }
0x65: {  	_ =	shalt  }
0x66: {  	_ =	shalt  }
0x67: {  	_ =	shalt  }
0x68: {  	_ =	shalt  }
0x69: {  	_ =	shalt  }
0x6a: {  	_ =	shalt  }
0x6b: {  	_ =	shalt  }
0x6c: {  	_ =	shalt  }
0x6d: {  	_ =	shalt  }
0x6e: {  	_ =	shalt  }
0x6f: {  	_ =	shalt  }
0x70: {  	_ =	shalt  }
0x71: {  	_ =	shalt  }
0x72: {  	_ =	shalt  }
0x73: {  	_ =	shalt  }
0x74: {  	_ =	shalt  }
0x75: {  	_ =	shalt  }
0x76: {  	_ =	shalt  }
0x77: {  	_ =	shalt  }
0x78: {  	_ =	shalt  }
0x79: {  	_ =	shalt  }
0x7a: {  	_ =	shalt  }
0x7b: {  	_ =	shalt  }
0x7c: {  	_ =	shalt  }
0x7d: {  	_ =	shalt  }
0x7e: {  	_ =	shalt  }
0x7f: {  	_ =	shalt  }
0x80: {  	_ =	shalt  }
0x81: {  	_ =	shalt  }
0x82: {  	_ =	shalt  }
0x83: {  	_ =	shalt  }
0x84: {  	_ =	shalt  }
0x85: {  	_ =	shalt  }
0x86: {  	_ =	shalt  }
0x87: {  	_ =	shalt  }
.Lfunc_end0:
.L_simem_size_0:
called_computation.2_lowered:
.L_overlay_start_0:
0x88: {  	s2 =	sld [smem:$0x3FD9]  }
0x89: {  	s3 =	sld [smem:$0x3FFE];
	_ =	sdelay $0x1  }
0x8a: {  	s1 =	srdreg.scid  }
0x8b: {  	s0 =	sand.u32 $0x1, s1  }
0x8c: {  	s17 =	sshll.u32 s0, $0xA;
	s2 =	sadd.s32 s3, s2  }
0x8d: {  	s2 =	sadd.s32 s2, s17  }
0x8e: {  	[smem:$0x3FC2] =	sst s2  }
0x8f: {  	_ = 	snop  }
0x90: {  	s2 =	sld [smem:$0x3FD0];
	(tm) =	ssettm $0x1  }
0x91: {  	s18 =	sld [smem:$0x3FFB];
	_ =	sdelay $0x3  }
0x92: {  	_ =	strace s18  }
0x93: {  	s3 =	sld [smem:$0x3FFC];
	_ =	sdelay $0x3  }
0x94: {  	_ =	strace s3  }
0x95: {  	s3 =	sld [smem:$0x3FFD];
	_ =	sdelay $0x3  }
0x96: {  	_ =	strace s3  }
0x97: {  	_ =	strace $0x8FFFFFFF  }
0x98: {  	s19 =	sld [smem:$0x3FDB];
	_ =	sdelay $0x1  }
0x99: {  	s4 =	simm.s32 $_scs_section_size  }
0x9a: {  	s5 =	simm.s32 $_size__tile_overlayer_lowered;
	s6 =	simm.s32 $_tile_overlayer_lowered  }
0x9b: {  	s22 =	simm.s32 $0x1BFF;
	s21 =	sshll.u32 s6, $0x1;
	s3 =	sadd.s32 s4, s19  }
0x9c: {  	s7 =	simm.s32 $0x0;
	s20 =	sshll.u32 s5, $0x1;
	s5 =	sadd.s32 s21, s3  }
0x9d: {  	[timem:s7], [sflag:s22] =	dma.local [hbm:s5], s20  }
0x9e: {  	_ =	swait.ge [sflag:s22], s20  }
0x9f: {  	s4 =	ssub.s32 $0x0, s20;
	[sflag:s22] =	ssyncset.done $0x0  }
0xa0: {  	[sflag:s22] =	ssyncadd.s32 s4;
	_ =	sdelay $0x1  }
0xa1: {  	s23 =	simm.s32 $0x1B8B  }
0xa2: {  	_ =	swait.ge [sflag:s23], $0x1  }
0xa3: {  	[sflag:s23] =	ssyncset.done $0x0  }
0xa4: {  	s25 =	simm.s32 $0x1B8E;
	s24 =	sld [smem:$0x3FFE];
	[sflag:s23] =	ssyncadd.s32 $0xFFFFFFFF  }
0xa5: {  	s26 =	simm.s32 $execute0_lowered;
	[smem:$0x3FD2] =	sst s25  }
0xa6: {  	s5 =	sshll.u32 s26, $0x1;
	_ =	strace $0x8000004C;
	[dreg:$0x1] =	wrdreg $0xFFFFFFFF  }
0xa7: {  	s28 =	simm.s32 $_size_execute0_lowered;
	s3 =	sadd.s32 s3, s5;
	[dreg:$0x0] =	wrdreg $0x0  }
0xa8: {  	s5 =	sshll.u32 s28, $0x1;
	[dreg:$0x2] =	wrdreg s3  }
0xa9: {  	[dreg:$0x3] =	wrdreg s5  }
0xaa: {  	[dreg:$0x4] =	wrdreg $0xC0  }
0xab: {  	_ =	task [dreg:s7], $0x5FFFF  }
0xac: {  	[dreg:$0x1] =	wrdreg $0xFFFFFFFF  }
0xad: {  	[dreg:$0x0] =	wrdreg $0x60  }
0xae: {  	[dreg:$0x2] =	wrdreg s24  }
0xaf: {  	[dreg:$0x3] =	wrdreg s2  }
0xb0: {  	[dreg:$0x4] =	wrdreg $0xA8000  }
0xb1: {  	[dreg:$0x5] =	wrdreg $0x9  }
0xb2: {  	_ =	task.clear_ibuf [dreg:s7], $0x6FFFF;
	_ =	strace $0x9000004C  }
0xb3: {  	s29 =	simm.s32 $0x9;
	_ =	strace $0x8000004E  }
0xb4: {  	_ =	swait.ge [sflag:s29], $0x1  }
0xb5: {  	[sflag:s29] =	ssyncadd.s32 $0xFFFFFFFF  }
0xb6: {  	_ =	strace $0x9000004E  }
0xb7: {  	_ =	sfence  }
0xb8: {  	s30 =	sld [smem:$0x0];
	_ =	sdelay $0x2  }
0xb9: {  	s31 =	sshll.u32 s1, $0xD;
	s1 =	sshrl.u32 s1, $0x2  }
0xba: {  	s3 =	sand.u32 $0x4000, s31;
	s1 =	sadd.s32 s1, s30  }
0xbb: {  	s0 =	sor.u32 s3, s0;
	s1 =	sshll.u32 s1, $0x11  }
0xbc: {  	s0 =	sor.u32 s1, s0  }
0xbd: {  	s0 =	sadd.s32 $0x8F2B, s0  }
0xbe: {  	[sflag:s0] =	ssyncadd.remote.s32 $0x1  }
0xbf: {  	_ =	sfence.sel $0xFFFF  }
0xc0: {  	[dreg:$0x0] =	wrdreg $0xFFFFFFFF;
	(pc) =	sbr.abs _section_cstart, $3  }
0xc1: {  	[dreg:$0x1] =	wrdreg $0xFFFFFFFF  }
0xc2: {  	_ =	task.clear_ibuf [dreg:s7], $0x2FFFF;
	_ =	strace $0x9FFFFFFF  }
0xc3: {  	(tm) =	ssettm $0x7FFFFFFF  }
tec
execute0_lowered:
.L_overlay_start_1:
0x0: {  	(tag) =	ssettag $0x1  }
0x1: {  	s0 =	rddreg [dreg:$0x0]  }
0x2: {  	s1 =	rddreg [dreg:$0x1]  }
0x3: {  	s2 =	rddreg [dreg:$0x2];
	s3 =	srdreg.scid  }
0x4: {  	s11 =	simm.s32 $0x0;
	s4 =	stileid.u32;
	s13 =	simm.s32 $0x9  }
0x5: {  	s14 =	simm.s32 $0x1400;
	s15 =	simm.s32 $0x40;
	s16 =	simm.s32 $0x2800  }
0x6: {  	s17 =	simm.s32 $0x80;
	s18 =	simm.s32 $0x4800;
	s19 =	simm.s32 $0x100  }
0x7: {  	s20 =	simm.s32 $0x6800;
	s21 =	simm.s32 $0x180;
	s28 =	simm.s32 $0x5  }
0x8: {  	s29 =	simm.s32 $0x6;
	s30 =	simm.s32 $0x7;
	s31 =	simm.s32 $0x8  }
0x9: {  	s3 =	sand.u32 $0x1, s3;
	[smem:$0x7FF] =	sst s11;
	s8 =	smul.u32 $0x14000, s4  }
0xa: {  	s5 =	sadd.s32 $0x5400, s0;
	s6 =	sadd.s32 $0x55400, s0;
	s9 =	smul.u32 $0x50000, s4  }
0xb: {  	s10 =	sadd.s32 $0x2C00, s0;
	s25 =	sshll.u32 s4, $0x6;
	s7 =	smul.u32 $0x140000, s3  }
0xc: {  	_ =	strace $0x8000004D;
	s22 =	ssub.s32 $0x2, s3;
	[dreg:$0x5] =	wrdreg s10  }
0xd: {  	s3 =	sshll.u32 s3, $0x4;
	s12 =	sor.u32 $0x1C09, s25;
	s25 =	simm.s32 $0x3  }
0xe: {  	s10 =	simm.s32 $0x2780;
	s23 =	sshrl.u32 s22, $0x1;
	s24 =	sshrl.u32 s9, $0x2  }
0xf: {  	s3 =	sor.u32 s4, s3;
	[dreg:$0x6] =	wrdreg s12;
	s7 =	sadd.s32 s8, s7  }
0x10: {  	s8 =	sadd.s32 s24, s2;
	s9 =	smul.u32 $0xA0, s3;
	s24 =	simm.s32 $0x2  }
0x11: {  	s3 =	simm.s32 $0x2680;
	s7 =	sshrl.u32 s7, $0x3;
	s8 =	sshrl.u32 s8, $0x3  }
0x12: {  	s0 =	sadd.s32 s7, s0;
	s7 =	ssub.s32 s22, s23;
	s22 =	simm.s32 $0x8800  }
0x13: {  	s23 =	simm.s32 $0x1;
	[dreg:$0x9] =	wrdreg s8;
	s0 =	sadd.s32 $0x69400, s0  }
0x14: {  	s26 =	smax.u32 s7, $0x1;
	s7 =	simm.s32 $0x2700;
	[dreg:$0x7] =	wrdreg s0  }
0x15: {  	[dreg:$0x8] =	wrdreg s26;
	s26 =	simm.s32 $0x4;
	s0 =	simm.s32 $0x2600  }
.LBB2_1:
0x16: {  	[dreg:$0x4] =	wrdreg s11  }
0x17: {  	s4 =	rddreg [dreg:$0x5]  }
0x18: {  	[spmem:s8], [sflag:s12] =	dma.local [hbm:s4], $0x2800  }
0x19: {  	_ =	swait.ge [sflag:s13], $0x2800  }
0x1a: {  	[sflag:s13] =	ssyncset.done $0x0  }
0x1b: {  	[sflag:s13] =	ssyncadd.s32 $0xFFFFD800  }
0x1c: {  	s11 =	simm.s32 $0x0;
	[bflag:$0x0] =	sbarrier.arrive $0xFFFF  }
.LBB2_2:
0x1d: {  	s8 =	smul.u32 $0x28, s11;
	_ =	sdelay $0x1  }
0x1e: {  	s8 =	sadd.s32 s9, s8  }
0x1f: {  	s8 =	sshll.u32 s8, $0x4  }
0x20: {  	s4 =	simm.s32 $0x0;
	s12 =	sadd.s32 s6, s8  }
0x21: {  	[tilespmem:s4], [sflag:$0x9] =	stream.linear.gather [hbm4b:s12+s4], $0x1400, $0x38;
	[tilespmem:$0x1E800] =	vst v63  }
0x22: {  	_ =	swait.ge [sflag:s13], $0x1400  }
0x23: {  	[sflag:s13] =	ssyncset.done $0x0  }
0x24: {  	s8 =	sadd.s32 s1, s8;
	[sflag:s13] =	ssyncadd.s32 $0xFFFFEC00  }
0x25: {  	[tilespmem:s14], [sflag:$0x9] =	stream.linear.gather [hbm4b:s8+s4], $0x1400, $0x38;
	[tilespmem:$0x1E800] =	vst v63  }
0x26: {  	_ =	swait.ge [sflag:s13], $0x1400  }
0x27: {  	[sflag:s13] =	ssyncset.done $0x0  }
0x28: {  	[sflag:s13] =	ssyncadd.s32 $0xFFFFEC00  }
0x29: {  	[tilespmem:s16], [sflag:$0x1] =	stream.indirect.gather [hbm4b:s5+s15], $0x80, s4, s15, $0xb8;
	[tilespmem:$0x1E800] =	vst v63  }
0x2a: {  	_ = 	snop  }
0x2b: {  	[tilespmem:s18], [sflag:$0x2] =	stream.indirect.gather [hbm4b:s5+s15], $0x80, s17, s15, $0xb8;
	[tilespmem:$0x1E800] =	vst v63  }
0x2c: {  	_ = 	snop  }
0x2d: {  	[tilespmem:s20], [sflag:$0x3] =	stream.indirect.gather [hbm4b:s5+s15], $0x80, s19, s15, $0xb8;
	[tilespmem:$0x1E800] =	vst v63  }
0x2e: {  	_ = 	snop  }
0x2f: {  	[tilespmem:s22], [sflag:$0x4] =	stream.indirect.gather [hbm4b:s5+s15], $0x80, s21, s15, $0xb8;
	[tilespmem:$0x1E800] =	vst v63  }
0x30: {  	_ =	swait.ge [sflag:s23], $0x2000  }
0x31: {  	[sflag:s23] =	ssyncset.done $0x0  }
0x32: {  	s12 =	simm.s32 $0x1400;
	[sflag:s23] =	ssyncadd.s32 $0xFFFFE000  }
0x33: {  	[spmem:s2] =	stream.indirect.scatter.add.f32 [tilespmem:s16], [sflag:$0x5], $0x80, s12, s15, $0xb8;
	[tilespmem:$0x1E800] =	vst v63  }
0x34: {  	_ =	swait.ge [sflag:s24], $0x2000  }
0x35: {  	[sflag:s24] =	ssyncset.done $0x0  }
0x36: {  	s8 =	simm.s32 $0x1480;
	[sflag:s24] =	ssyncadd.s32 $0xFFFFE000  }
0x37: {  	[spmem:s2] =	stream.indirect.scatter.add.f32 [tilespmem:s18], [sflag:$0x6], $0x80, s8, s15, $0xb8;
	[tilespmem:$0x1E800] =	vst v63  }
0x38: {  	_ =	swait.ge [sflag:s25], $0x2000  }
0x39: {  	[sflag:s25] =	ssyncset.done $0x0  }
0x3a: {  	s12 =	simm.s32 $0x1500;
	[sflag:s25] =	ssyncadd.s32 $0xFFFFE000  }
0x3b: {  	[spmem:s2] =	stream.indirect.scatter.add.f32 [tilespmem:s20], [sflag:$0x7], $0x80, s12, s15, $0xb8;
	[tilespmem:$0x1E800] =	vst v63  }
0x3c: {  	_ =	swait.ge [sflag:s26], $0x2000  }
0x3d: {  	[sflag:s26] =	ssyncset.done $0x0  }
0x3e: {  	s8 =	simm.s32 $0x1580;
	[sflag:s26] =	ssyncadd.s32 $0xFFFFE000  }
0x3f: {  	[spmem:s2] =	stream.indirect.scatter.add.f32 [tilespmem:s22], [sflag:$0x8], $0x80, s8, s15, $0xb8;
	[tilespmem:$0x1E800] =	vst v63  }
0x40: {  	_ =	swait.ge [sflag:s28], $0x2000  }
0x41: {  	[sflag:s28] =	ssyncset.done $0x0  }
0x42: {  	s12 =	simm.s32 $0x200;
	[sflag:s28] =	ssyncadd.s32 $0xFFFFE000  }
0x43: {  	[tilespmem:s16], [sflag:$0x1] =	stream.indirect.gather [hbm4b:s5+s15], $0x80, s12, s15, $0xb8;
	[tilespmem:$0x1E800] =	vst v63  }
0x44: {  	_ =	swait.ge [sflag:s29], $0x2000  }
0x45: {  	[sflag:s29] =	ssyncset.done $0x0  }
0x46: {  	s8 =	simm.s32 $0x280;
	[sflag:s29] =	ssyncadd.s32 $0xFFFFE000  }
0x47: {  	[tilespmem:s18], [sflag:$0x2] =	stream.indirect.gather [hbm4b:s5+s15], $0x80, s8, s15, $0xb8;
	[tilespmem:$0x1E800] =	vst v63  }
0x48: {  	_ =	swait.ge [sflag:s30], $0x2000  }
0x49: {  	[sflag:s30] =	ssyncset.done $0x0  }
0x4a: {  	s12 =	simm.s32 $0x300;
	[sflag:s30] =	ssyncadd.s32 $0xFFFFE000  }
0x4b: {  	[tilespmem:s20], [sflag:$0x3] =	stream.indirect.gather [hbm4b:s5+s15], $0x80, s12, s15, $0xb8;
	[tilespmem:$0x1E800] =	vst v63  }
0x4c: {  	_ =	swait.ge [sflag:s31], $0x2000  }
0x4d: {  	[sflag:s31] =	ssyncset.done $0x0  }
0x4e: {  	s8 =	simm.s32 $0x800;
	s12 =	simm.s32 $0x380;
	[sflag:s31] =	ssyncadd.s32 $0xFFFFE000  }
.LBB2_3:
0x4f: {  	[tilespmem:s22], [sflag:$0x4] =	stream.indirect.gather [hbm4b:s5+s15], $0x80, s12, s15, $0xb8;
	[tilespmem:$0x1E800] =	vst v63  }
0x50: {  	s4 =	smov.u32 s8  }
0x51: {  	p0 =	sne.s32 s8, $0x4000;
	s8 =	sadd.s32 $0x800, s8;
	_ =	swait.ge [sflag:s23], $0x2000  }
0x52: {  	s12 =	sshra.s32 s4, $0x2;
	[sflag:s23] =	ssyncset.done $0x0  }
0x53: {  	s4 =	sadd.s32 $0x1400, s12;
	[sflag:s23] =	ssyncadd.s32 $0xFFFFE000  }
0x54: {  	[spmem:s2] =	stream.indirect.scatter.add.f32 [tilespmem:s16], [sflag:$0x5], $0x80, s4, s15, $0xb8;
	[tilespmem:$0x1E800] =	vst v63  }
0x55: {  	_ =	swait.ge [sflag:s24], $0x2000  }
0x56: {  	[sflag:s24] =	ssyncset.done $0x0  }
0x57: {  	s4 =	sadd.s32 $0x1480, s12;
	[sflag:s24] =	ssyncadd.s32 $0xFFFFE000  }
0x58: {  	[spmem:s2] =	stream.indirect.scatter.add.f32 [tilespmem:s18], [sflag:$0x6], $0x80, s4, s15, $0xb8;
	[tilespmem:$0x1E800] =	vst v63  }
0x59: {  	_ =	swait.ge [sflag:s25], $0x2000  }
0x5a: {  	[sflag:s25] =	ssyncset.done $0x0  }
0x5b: {  	s4 =	sadd.s32 $0x1500, s12;
	[sflag:s25] =	ssyncadd.s32 $0xFFFFE000  }
0x5c: {  	[spmem:s2] =	stream.indirect.scatter.add.f32 [tilespmem:s20], [sflag:$0x7], $0x80, s4, s15, $0xb8;
	[tilespmem:$0x1E800] =	vst v63  }
0x5d: {  	_ =	swait.ge [sflag:s26], $0x2000  }
0x5e: {  	[sflag:s26] =	ssyncset.done $0x0  }
0x5f: {  	s4 =	sadd.s32 $0x1580, s12;
	[sflag:s26] =	ssyncadd.s32 $0xFFFFE000  }
0x60: {  	[spmem:s2] =	stream.indirect.scatter.add.f32 [tilespmem:s22], [sflag:$0x8], $0x80, s4, s15, $0xb8;
	[tilespmem:$0x1E800] =	vst v63  }
0x61: {  	_ =	swait.ge [sflag:s28], $0x2000  }
0x62: {  	[sflag:s28] =	ssyncset.done $0x0  }
0x63: {  	s4 =	sadd.s32 $0x200, s12;
	[sflag:s28] =	ssyncadd.s32 $0xFFFFE000  }
0x64: {  	[tilespmem:s16], [sflag:$0x1] =	stream.indirect.gather [hbm4b:s5+s15], $0x80, s4, s15, $0xb8;
	[tilespmem:$0x1E800] =	vst v63  }
0x65: {  	_ =	swait.ge [sflag:s29], $0x2000  }
0x66: {  	[sflag:s29] =	ssyncset.done $0x0  }
0x67: {  	s4 =	sadd.s32 $0x280, s12;
	[sflag:s29] =	ssyncadd.s32 $0xFFFFE000  }
0x68: {  	[tilespmem:s18], [sflag:$0x2] =	stream.indirect.gather [hbm4b:s5+s15], $0x80, s4, s15, $0xb8;
	[tilespmem:$0x1E800] =	vst v63  }
0x69: {  	_ =	swait.ge [sflag:s30], $0x2000  }
0x6a: {  	[sflag:s30] =	ssyncset.done $0x0  }
.Ltmp0:
0x6b: {  	s4 =	sadd.s32 $0x300, s12;
	[sflag:s30] =	ssyncadd.s32 $0xFFFFE000;
	(pc) =	sbr.rel @p0 .LBB2_3-.Ltmp0, $4  }
0x6c: {  	[tilespmem:s20], [sflag:$0x3] =	stream.indirect.gather [hbm4b:s5+s15], $0x80, s4, s15, $0xb8;
	[tilespmem:$0x1E800] =	vst v63  }
0x6d: {  	_ =	swait.ge [sflag:s31], $0x2000  }
0x6e: {  	[sflag:s31] =	ssyncset.done $0x0  }
0x6f: {  	s12 =	sadd.s32 $0x380, s12;
	[sflag:s31] =	ssyncadd.s32 $0xFFFFE000  }
0x70: {  	[tilespmem:s22], [sflag:$0x4] =	stream.indirect.gather [hbm4b:s5+s15], $0x80, s12, s15, $0xb8;
	[tilespmem:$0x1E800] =	vst v63  }
0x71: {  	_ =	swait.ge [sflag:s23], $0x2000  }
0x72: {  	[sflag:s23] =	ssyncset.done $0x0  }
0x73: {  	[sflag:s23] =	ssyncadd.s32 $0xFFFFE000  }
0x74: {  	[spmem:s2] =	stream.indirect.scatter.add.f32 [tilespmem:s16], [sflag:$0x5], $0x80, s0, s15, $0xb8;
	[tilespmem:$0x1E800] =	vst v63  }
0x75: {  	_ =	swait.ge [sflag:s24], $0x2000  }
0x76: {  	[sflag:s24] =	ssyncset.done $0x0  }
0x77: {  	[sflag:s24] =	ssyncadd.s32 $0xFFFFE000  }
0x78: {  	[spmem:s2] =	stream.indirect.scatter.add.f32 [tilespmem:s18], [sflag:$0x6], $0x80, s3, s15, $0xb8;
	[tilespmem:$0x1E800] =	vst v63  }
0x79: {  	_ =	swait.ge [sflag:s25], $0x2000  }
0x7a: {  	[sflag:s25] =	ssyncset.done $0x0  }
0x7b: {  	[sflag:s25] =	ssyncadd.s32 $0xFFFFE000  }
0x7c: {  	[spmem:s2] =	stream.indirect.scatter.add.f32 [tilespmem:s20], [sflag:$0x7], $0x80, s7, s15, $0xb8;
	[tilespmem:$0x1E800] =	vst v63  }
0x7d: {  	_ =	swait.ge [sflag:s26], $0x2000  }
0x7e: {  	[sflag:s26] =	ssyncset.done $0x0  }
0x7f: {  	[sflag:s26] =	ssyncadd.s32 $0xFFFFE000  }
0x80: {  	[spmem:s2] =	stream.indirect.scatter.add.f32 [tilespmem:s22], [sflag:$0x8], $0x80, s10, s15, $0xb8;
	[tilespmem:$0x1E800] =	vst v63  }
0x81: {  	_ =	swait.ge [sflag:s28], $0x2000  }
0x82: {  	[sflag:s28] =	ssyncset.done $0x0  }
0x83: {  	[sflag:s28] =	ssyncadd.s32 $0xFFFFE000  }
0x84: {  	_ =	swait.ge [sflag:s29], $0x2000  }
0x85: {  	[sflag:s29] =	ssyncset.done $0x0  }
0x86: {  	s11 =	sadd.s32 $0x1, s11;
	[sflag:s29] =	ssyncadd.s32 $0xFFFFE000  }
0x87: {  	p0 =	sne.s32 s11, $0x4;
	_ =	swait.ge [sflag:s30], $0x2000  }
.Ltmp1:
0x88: {  	[sflag:s30] =	ssyncset.done $0x0;
	(pc) =	sbr.rel @p0 .LBB2_2-.Ltmp1, $4  }
0x89: {  	[sflag:s30] =	ssyncadd.s32 $0xFFFFE000  }
0x8a: {  	_ =	swait.ge [sflag:s31], $0x2000  }
0x8b: {  	[sflag:s31] =	ssyncset.done $0x0  }
0x8c: {  	[sflag:s31] =	ssyncadd.s32 $0xFFFFE000  }
0x8d: {  	[bflag:$0x0] =	sbarrier.arrive $0xFFFF  }
0x8e: {  	s12 =	rddreg [dreg:$0x6]  }
0x8f: {  	s4 =	rddreg [dreg:$0x7]  }
0x90: {  	s8 =	rddreg [dreg:$0x9]  }
0x91: {  	[hbm:s4], [sflag:s12] =	dma.local [spmem:s8], $0x2800  }
0x92: {  	_ =	swait.ge [sflag:s13], $0x2800  }
0x93: {  	s11 =	rddreg [dreg:$0x4]  }
0x94: {  	s4 =	rddreg [dreg:$0x8];
	s11 =	sadd.s32 $0x1, s11  }
0x95: {  	p0 =	sne.s32 s11, s4  }
.Ltmp2:
0x96: {  	_ = 	snop;
	(pc) =	sbr.rel @p0 .LBB2_1-.Ltmp2, $3  }
0x97: {  	_ =	sdelay $0x1  }
0x98: {  	[sflag:s13] =	ssyncset.done $0x0  }
0x99: {  	[sflag:s13] =	ssyncadd.s32 $0xFFFFD800  }
0x9a: {  	_ =	sfence.sel $0x180000  }
0x9b: {  	[bflag:$0x0] =	sbarrier.arrive $0xFFFF  }
0x9c: {  	_ =	strace $0x9000004D  }
0x9d: {  	s0 =	stileid.u32;
	[bflag:$0x2] =	sbarrier.arrive $0xFFFF  }
0x9e: {  	p0 =	sne.s32 s0, $0x0;
	s0 =	rddreg [dreg:$0x3]  }
0x9f: {  	s0 =	sadd.s32 @!p0 $0x100000, s0  }
0xa0: {  	[sflag:s0] =	ssyncadd.tile.s32 @!p0 $0x1;
	_ =	shalt  }
.Lfunc_end2:
_tile_overlayer_lowered:
.L_overlay_start_2:
0xa1: {  	(tag) =	ssettag $0x2  }
0xa2: {  	s0 =	rddreg [dreg:$0x0];
	s2 =	stileid.u32  }
0xa3: {  	s1 =	rddreg [dreg:$0x1];
	p0 =	sne.s32 s2, $0x0  }
0xa4: {  	s3 =	rddreg [dreg:$0x2];
	[bflag:$0x3] =	sbarrier.arrive $0xFFFF;
	s2 =	simm.s32 @!p0 $0x1C09  }
0xa5: {  	[timem:s3], [sflag:s2] =	dma.local @!p0 [hbm:s0], s1  }
0xa6: {  	s0 =	simm.s32 @!p0 $0x9  }
0xa7: {  	_ =	swait.ge @!p0 [sflag:s0], s1  }
0xa8: {  	s1 =	ssub.s32 @!p0 $0x0, s1;
	[sflag:s0] =	ssyncset.done @!p0 $0x0  }
0xa9: {  	[sflag:s0] =	ssyncadd.s32 @!p0 s1  }
0xaa: {  	[bflag:$0x3] =	sbarrier.arrive $0xFFFF  }
0xab: {  	_ =	shalt  }

// kernel: kernel.8.cloned.1.call-start
scs
__scs_entry_jumppad:
0x0: {  	(pc) =	sbr.rel $0x88, $3  }
0x1: {  	(tag) =	ssettag $0x0;
	lr =	simm.s32 $0x1  }
0x2: {  	[smem:$0x3F9B] =	sst lr;
	_ =	strace $0xD0000000  }
0x3: {  	_ = 	snop  }
0x4: {  	_ = 	snop  }
0x5: {  	_ = 	snop  }
0x6: {  	_ = 	snop  }
0x7: {  	_ = 	snop  }
__scs_overlays_trampoline_lowered:
0x8: {  	[smem:$0x3FAA] =	sst s0  }
0x9: {  	[smem:$0x3FAB] =	sst s1  }
0xa: {  	[smem:$0x3FAC] =	sst s2  }
0xb: {  	[smem:$0x3FAD] =	sst s3  }
0xc: {  	[smem:$0x3FAE] =	sst s4  }
0xd: {  	[smem:$0x3FAF] =	sst s5  }
0xe: {  	[smem:$0x3FB0] =	sst s6  }
0xf: {  	[smem:$0x3FB1] =	sst s7  }
0x10: {  	[smem:$0x3FB2] =	sst s8  }
0x11: {  	[smem:$0x3FB3] =	sst s9;
	s0 =	simm.s32 @!p0 $0x0  }
0x12: {  	s1 =	sld [smem:$0x3F99];
	s0 =	simm.s32 @p0 $0x1  }
0x13: {  	[smem:$0x3FB4] =	sst s0;
	s0 =	simm.s32 @!p1 $0x0  }
0x14: {  	s2 =	sld [smem:$0x3F98];
	s0 =	simm.s32 @p1 $0x1  }
0x15: {  	[smem:$0x3FB5] =	sst s0;
	s0 =	simm.s32 @!p2 $0x0  }
0x16: {  	s3 =	sld [smem:$0x3FDB];
	s0 =	simm.s32 @p2 $0x1  }
0x17: {  	s4 =	simm.s32 $0x1BF5;
	[smem:$0x3FB7] =	sst s0  }
0x18: {  	s0 =	sld [smem:$0x3F9A];
	_ =	swait.ge [sflag:s4], $0x0  }
0x19: {  	s7 =	sld [smem:$0x3F9B]  }
0x1a: {  	s8 =	sadd.s32 $0xFFFFE003, lr  }
0x1b: {  	s9 =	sadd.s32 $0xFFFFFEF7, lr;
	s5 =	simm.s32 $0xFFFFFFFF;
	p2 =	slt.u32 s8, $0xFFFFF086  }
0x1c: {  	p1 =	slt.u32 s9, $0xF7A;
	s5 =	simm.s32 @!p2 $0x0  }
0x1d: {  	s5 =	simm.s32 @p1 $0x1;
	p0 =	seq.s32 s7, s2  }
0x1e: {  	s7 =	smul.u32 @!p0 $0xF7A, s2;
	p2 =	seq.s32 @!p0 s5, $0x0  }
0x1f: {  	s9 =	smul.u32 $0xF7A, s1;
	s8 =	simm.s32 @!p0 $0x1BF5;
	p2 =	por !p2, p0  }
0x20: {  	[sflag:s8] =	ssyncset.s32 @!p0 $0xFFFFF086;
	s6 =	sadd.s32 @!p0 s3, s7;
	s7 =	simm.s32 @!p0 $0x108  }
0x21: {  	s3 =	sadd.s32 s3, s9;
	s6 =	sadd.s32 @!p0 $0x88, s6;
	s7 =	simm.s32 @p2 $0x1082  }
0x22: {  	[simem:s7], [sflag:s8] =	dma.local @!p0 [hbm:s6], $0xF7A  }
0x23: {  	s9 =	sor.u32 $0xD0000000, s2;
	s6 =	simm.s32 $0x108;
	_ =	swait.ge @!p0 [sflag:s8], $0x0  }
0x24: {  	s3 =	sadd.s32 $0x88, s3;
	s6 =	simm.s32 @!p1 $0x1082;
	[sflag:s4] =	ssyncset.s32 $0xFFFFF086  }
0x25: {  	[simem:s6], [sflag:s4] =	dma.local [hbm:s3], $0xF7A  }
0x26: {  	[smem:$0x3F9B] =	sst s1;
	(tag) =	ssettag s2;
	_ =	strace s9  }
0x27: {  	s1 =	sld [smem:$0x3FAB]  }
0x28: {  	s2 =	sld [smem:$0x3FAC]  }
0x29: {  	s4 =	sld [smem:$0x3FAE]  }
0x2a: {  	p0 =	seq.s32 s5, $0x0;
	s5 =	sld [smem:$0x3FAF]  }
0x2b: {  	s6 =	sld [smem:$0x3FB0]  }
0x2c: {  	s7 =	sld [smem:$0x3FB1]  }
0x2d: {  	s3 =	simm.s32 $0x108;
	s8 =	sld [smem:$0x3FB2]  }
0x2e: {  	s3 =	simm.s32 @!p0 $0x1082;
	s9 =	sld [smem:$0x3FB3]  }
0x2f: {  	lr =	sadd.s32 s0, s3;
	s0 =	sld [smem:$0x3FAA]  }
0x30: {  	s3 =	sld [smem:$0x3FAD]  }
0x31: {  	[smem:$0x3FB6] =	sst s10  }
0x32: {  	s10 =	sld [smem:$0x3FB4];
	_ =	sdelay $0x3  }
0x33: {  	p0 =	seq.s32 s10, $0x1;
	s10 =	sld [smem:$0x3FB6];
	_ =	sdelay $0x3  }
0x34: {  	[smem:$0x3FB6] =	sst s10  }
0x35: {  	s10 =	sld [smem:$0x3FB5];
	_ =	sdelay $0x3  }
0x36: {  	p1 =	seq.s32 s10, $0x1;
	s10 =	sld [smem:$0x3FB6];
	_ =	sdelay $0x3  }
0x37: {  	[smem:$0x3FB6] =	sst s10  }
0x38: {  	s10 =	sld [smem:$0x3FB7]  }
0x39: {  	_ = 	snop;
	(pc) =	sbr.ind lr, $3  }
0x3a: {  	_ = 	snop  }
0x3b: {  	_ = 	snop  }
0x3c: {  	p2 =	seq.s32 s10, $0x1;
	s10 =	sld [smem:$0x3FB6]  }
0x3d: {  	_ =	shalt  }
0x3e: {  	_ =	shalt  }
0x3f: {  	_ =	shalt  }
0x40: {  	_ =	shalt  }
0x41: {  	_ =	shalt  }
0x42: {  	_ =	shalt  }
0x43: {  	_ =	shalt  }
0x44: {  	_ =	shalt  }
0x45: {  	_ =	shalt  }
0x46: {  	_ =	shalt  }
0x47: {  	_ =	shalt  }
0x48: {  	_ =	shalt  }
0x49: {  	_ =	shalt  }
0x4a: {  	_ =	shalt  }
0x4b: {  	_ =	shalt  }
0x4c: {  	_ =	shalt  }
0x4d: {  	_ =	shalt  }
0x4e: {  	_ =	shalt  }
0x4f: {  	_ =	shalt  }
0x50: {  	_ =	shalt  }
0x51: {  	_ =	shalt  }
0x52: {  	_ =	shalt  }
0x53: {  	_ =	shalt  }
0x54: {  	_ =	shalt  }
0x55: {  	_ =	shalt  }
0x56: {  	_ =	shalt  }
0x57: {  	_ =	shalt  }
0x58: {  	_ =	shalt  }
0x59: {  	_ =	shalt  }
0x5a: {  	_ =	shalt  }
0x5b: {  	_ =	shalt  }
0x5c: {  	_ =	shalt  }
0x5d: {  	_ =	shalt  }
0x5e: {  	_ =	shalt  }
0x5f: {  	_ =	shalt  }
0x60: {  	_ =	shalt  }
0x61: {  	_ =	shalt  }
0x62: {  	_ =	shalt  }
0x63: {  	_ =	shalt  }
0x64: {  	_ =	shalt  }
0x65: {  	_ =	shalt  }
0x66: {  	_ =	shalt  }
0x67: {  	_ =	shalt  }
0x68: {  	_ =	shalt  }
0x69: {  	_ =	shalt  }
0x6a: {  	_ =	shalt  }
0x6b: {  	_ =	shalt  }
0x6c: {  	_ =	shalt  }
0x6d: {  	_ =	shalt  }
0x6e: {  	_ =	shalt  }
0x6f: {  	_ =	shalt  }
0x70: {  	_ =	shalt  }
0x71: {  	_ =	shalt  }
0x72: {  	_ =	shalt  }
0x73: {  	_ =	shalt  }
0x74: {  	_ =	shalt  }
0x75: {  	_ =	shalt  }
0x76: {  	_ =	shalt  }
0x77: {  	_ =	shalt  }
0x78: {  	_ =	shalt  }
0x79: {  	_ =	shalt  }
0x7a: {  	_ =	shalt  }
0x7b: {  	_ =	shalt  }
0x7c: {  	_ =	shalt  }
0x7d: {  	_ =	shalt  }
0x7e: {  	_ =	shalt  }
0x7f: {  	_ =	shalt  }
0x80: {  	_ =	shalt  }
0x81: {  	_ =	shalt  }
0x82: {  	_ =	shalt  }
0x83: {  	_ =	shalt  }
0x84: {  	_ =	shalt  }
0x85: {  	_ =	shalt  }
0x86: {  	_ =	shalt  }
0x87: {  	_ =	shalt  }
.Lfunc_end0:
.L_simem_size_0:
called_computation_lowered:
.L_overlay_start_0:
0x88: {  	s2 =	sld [smem:$0x3FD9]  }
0x89: {  	s3 =	sld [smem:$0x3FFE];
	_ =	sdelay $0x1  }
0x8a: {  	s1 =	srdreg.scid  }
0x8b: {  	s0 =	sand.u32 $0x1, s1  }
0x8c: {  	s17 =	sshll.u32 s0, $0xA;
	s2 =	sadd.s32 s3, s2  }
0x8d: {  	s2 =	sadd.s32 s2, s17  }
0x8e: {  	[smem:$0x3FC2] =	sst s2  }
0x8f: {  	_ = 	snop  }
0x90: {  	s2 =	sld [smem:$0x3FD0];
	(tm) =	ssettm $0x1  }
0x91: {  	s18 =	sld [smem:$0x3FFB];
	_ =	sdelay $0x3  }
0x92: {  	_ =	strace s18  }
0x93: {  	s3 =	sld [smem:$0x3FFC];
	_ =	sdelay $0x3  }
0x94: {  	_ =	strace s3  }
0x95: {  	s3 =	sld [smem:$0x3FFD];
	_ =	sdelay $0x3  }
0x96: {  	_ =	strace s3  }
0x97: {  	_ =	strace $0x8FFFFFFF  }
0x98: {  	s19 =	sld [smem:$0x3FDB];
	_ =	sdelay $0x1  }
0x99: {  	s4 =	simm.s32 $_scs_section_size  }
0x9a: {  	s5 =	simm.s32 $_size__tile_overlayer_lowered;
	s6 =	simm.s32 $_tile_overlayer_lowered  }
0x9b: {  	s22 =	simm.s32 $0x1BFF;
	s21 =	sshll.u32 s6, $0x1;
	s3 =	sadd.s32 s4, s19  }
0x9c: {  	s7 =	simm.s32 $0x0;
	s20 =	sshll.u32 s5, $0x1;
	s5 =	sadd.s32 s21, s3  }
0x9d: {  	[timem:s7], [sflag:s22] =	dma.local [hbm:s5], s20  }
0x9e: {  	_ =	swait.ge [sflag:s22], s20  }
0x9f: {  	s4 =	ssub.s32 $0x0, s20;
	[sflag:s22] =	ssyncset.done $0x0  }
0xa0: {  	[sflag:s22] =	ssyncadd.s32 s4;
	_ =	sdelay $0x1  }
0xa1: {  	s23 =	simm.s32 $0x1B8B  }
0xa2: {  	_ =	swait.ge [sflag:s23], $0x1  }
0xa3: {  	[sflag:s23] =	ssyncset.done $0x0  }
0xa4: {  	s25 =	simm.s32 $0x1B8E;
	s24 =	sld [smem:$0x3FFE];
	[sflag:s23] =	ssyncadd.s32 $0xFFFFFFFF  }
0xa5: {  	s26 =	simm.s32 $execute0_lowered;
	[smem:$0x3FD2] =	sst s25  }
0xa6: {  	s5 =	sshll.u32 s26, $0x1;
	_ =	strace $0x80000046;
	[dreg:$0x1] =	wrdreg $0xFFFFFFFF  }
0xa7: {  	s28 =	simm.s32 $_size_execute0_lowered;
	s3 =	sadd.s32 s3, s5;
	[dreg:$0x0] =	wrdreg $0x0  }
0xa8: {  	s5 =	sshll.u32 s28, $0x1;
	[dreg:$0x2] =	wrdreg s3  }
0xa9: {  	[dreg:$0x3] =	wrdreg s5  }
0xaa: {  	[dreg:$0x4] =	wrdreg $0xC0  }
0xab: {  	_ =	task [dreg:s7], $0x5FFFF  }
0xac: {  	[dreg:$0x1] =	wrdreg $0xFFFFFFFF  }
0xad: {  	[dreg:$0x0] =	wrdreg $0x60  }
0xae: {  	[dreg:$0x2] =	wrdreg s2  }
0xaf: {  	[dreg:$0x3] =	wrdreg s24  }
0xb0: {  	[dreg:$0x4] =	wrdreg $0x70000  }
0xb1: {  	[dreg:$0x5] =	wrdreg $0x9  }
0xb2: {  	_ =	task.clear_ibuf [dreg:s7], $0x6FFFF;
	_ =	strace $0x90000046  }
0xb3: {  	s29 =	simm.s32 $0x9;
	_ =	strace $0x80000048  }
0xb4: {  	_ =	swait.ge [sflag:s29], $0x1  }
0xb5: {  	[sflag:s29] =	ssyncadd.s32 $0xFFFFFFFF  }
0xb6: {  	_ =	strace $0x90000048  }
0xb7: {  	_ =	sfence  }
0xb8: {  	s30 =	sld [smem:$0x0];
	_ =	sdelay $0x2  }
0xb9: {  	s31 =	sshll.u32 s1, $0xD;
	s1 =	sshrl.u32 s1, $0x2  }
0xba: {  	s3 =	sand.u32 $0x4000, s31;
	s1 =	sadd.s32 s1, s30  }
0xbb: {  	s0 =	sor.u32 s3, s0;
	s1 =	sshll.u32 s1, $0x11  }
0xbc: {  	s0 =	sor.u32 s1, s0  }
0xbd: {  	s0 =	sadd.s32 $0x8F2B, s0  }
0xbe: {  	[sflag:s0] =	ssyncadd.remote.s32 $0x1  }
0xbf: {  	_ =	sfence.sel $0xFFFF  }
0xc0: {  	[dreg:$0x0] =	wrdreg $0xFFFFFFFF;
	(pc) =	sbr.abs _section_cstart, $3  }
0xc1: {  	[dreg:$0x1] =	wrdreg $0xFFFFFFFF  }
0xc2: {  	_ =	task.clear_ibuf [dreg:s7], $0x2FFFF;
	_ =	strace $0x9FFFFFFF  }
0xc3: {  	(tm) =	ssettm $0x7FFFFFFF  }
tec
execute0_lowered:
.L_overlay_start_1:
0x0: {  	(tag) =	ssettag $0x1  }
0x1: {  	s6 =	rddreg [dreg:$0x0]  }
0x2: {  	s7 =	rddreg [dreg:$0x1]  }
0x3: {  	s1 =	rddreg [dreg:$0x2];
	s2 =	srdreg.scid  }
0x4: {  	s0 =	rddreg [dreg:$0x3];
	s3 =	simm.s32 $0x0;
	s13 =	simm.s32 $0x40  }
0x5: {  	s14 =	simm.s32 $0x80;
	s15 =	simm.s32 $0x100;
	s16 =	simm.s32 $0x180  }
0x6: {  	s17 =	simm.s32 $0x1;
	s18 =	simm.s32 $0x2;
	s19 =	simm.s32 $0x3  }
0x7: {  	s20 =	simm.s32 $0x4;
	s8 =	sand.u32 $0x1, s2;
	s2 =	stileid.u32  }
0x8: {  	s21 =	simm.s32 $0x0;
	[smem:$0x7FF] =	sst s3;
	s9 =	smul.u32 $0x140000, s8  }
0x9: {  	s4 =	sadd.s32 $0x2800, s7;
	s5 =	sadd.s32 $0x2C00, s7;
	s10 =	smul.u32 $0x14000, s2  }
0xa: {  	_ =	strace $0x80000047;
	s28 =	sshll.u32 s8, $0x4;
	s8 =	ssub.s32 $0x2, s8  }
0xb: {  	s11 =	smul.u32 $0x50000, s2;
	s31 =	sshll.u32 s2, $0x6;
	s12 =	sshrl.u32 s8, $0x1  }
0xc: {  	s9 =	sadd.s32 s10, s9;
	s10 =	sor.u32 s2, s28;
	s8 =	ssub.s32 s8, s12  }
0xd: {  	s29 =	sshrl.u32 s11, $0x2;
	s11 =	sor.u32 $0x1C05, s31;
	s9 =	sshrl.u32 s9, $0x3  }
0xe: {  	s10 =	smul.u32 $0xA00, s10;
	s30 =	sadd.s32 s29, s1;
	s8 =	smax.u32 s8, $0x1  }
0xf: {  	s7 =	sadd.s32 s9, s7;
	s9 =	simm.s32 $0x5;
	s12 =	sshrl.u32 s30, $0x3  }
0x10: {  	s6 =	sadd.s32 s6, s10;
	s7 =	sadd.s32 $0x5400, s7;
	s10 =	simm.s32 $0x5000  }
.LBB2_1:
0x11: {  	[tilespmem:s3], [sflag:$0x5] =	stream.linear.gather [hbm4b:s6+s3], $0x5000, $0x38;
	[tilespmem:$0x1B000] =	vst v63  }
0x12: {  	_ =	swait.ge [sflag:s9], $0x5000  }
0x13: {  	[sflag:s9] =	ssyncset.done $0x0  }
0x14: {  	[sflag:s9] =	ssyncadd.s32 $0xFFFFB000  }
0x15: {  	[tilespmem:s10], [sflag:$0x5] =	stream.linear.gather [hbm4b:s4+s3], $0x2000, $0x38;
	[tilespmem:$0x1B000] =	vst v63  }
0x16: {  	_ =	swait.ge [sflag:s9], $0x2000  }
0x17: {  	[sflag:s9] =	ssyncset.done $0x0  }
0x18: {  	[sflag:s9] =	ssyncadd.s32 $0xFFFFE000  }
0x19: {  	[spmem:s12], [sflag:s11] =	dma.local [hbm:s5], $0x2800  }
0x1a: {  	_ =	swait.ge [sflag:s9], $0x2800  }
0x1b: {  	[sflag:s9] =	ssyncset.done $0x0  }
0x1c: {  	[sflag:s9] =	ssyncadd.s32 $0xFFFFD800  }
0x1d: {  	[bflag:$0x0] =	sbarrier.arrive $0xFFFF  }
0x1e: {  	[spmem:s1] =	stream.indirect.scatter.add.f32 [tilespmem:s10], [sflag:$0x1], $0x80, s3, s13, $0xb8;
	[tilespmem:$0x1B000] =	vst v63  }
0x1f: {  	_ = 	snop  }
0x20: {  	[spmem:s1] =	stream.indirect.scatter.add.f32 [tilespmem:s10], [sflag:$0x2], $0x80, s14, s13, $0xb8;
	[tilespmem:$0x1B000] =	vst v63  }
0x21: {  	_ = 	snop  }
0x22: {  	[spmem:s1] =	stream.indirect.scatter.add.f32 [tilespmem:s10], [sflag:$0x3], $0x80, s15, s13, $0xb8;
	[tilespmem:$0x1B000] =	vst v63  }
0x23: {  	_ = 	snop  }
0x24: {  	[spmem:s1] =	stream.indirect.scatter.add.f32 [tilespmem:s10], [sflag:$0x4], $0x80, s16, s13, $0xb8;
	[tilespmem:$0x1B000] =	vst v63  }
0x25: {  	_ =	swait.ge [sflag:s17], $0x2000  }
0x26: {  	[sflag:s17] =	ssyncset.done $0x0  }
0x27: {  	s22 =	simm.s32 $0x200;
	[sflag:s17] =	ssyncadd.s32 $0xFFFFE000  }
0x28: {  	[spmem:s1] =	stream.indirect.scatter.add.f32 [tilespmem:s10], [sflag:$0x1], $0x80, s22, s13, $0xb8;
	[tilespmem:$0x1B000] =	vst v63  }
0x29: {  	_ =	swait.ge [sflag:s18], $0x2000  }
0x2a: {  	[sflag:s18] =	ssyncset.done $0x0  }
0x2b: {  	s30 =	simm.s32 $0x280;
	[sflag:s18] =	ssyncadd.s32 $0xFFFFE000  }
0x2c: {  	[spmem:s1] =	stream.indirect.scatter.add.f32 [tilespmem:s10], [sflag:$0x2], $0x80, s30, s13, $0xb8;
	[tilespmem:$0x1B000] =	vst v63  }
0x2d: {  	_ =	swait.ge [sflag:s19], $0x2000  }
0x2e: {  	[sflag:s19] =	ssyncset.done $0x0  }
0x2f: {  	s31 =	simm.s32 $0x300;
	[sflag:s19] =	ssyncadd.s32 $0xFFFFE000  }
0x30: {  	[spmem:s1] =	stream.indirect.scatter.add.f32 [tilespmem:s10], [sflag:$0x3], $0x80, s31, s13, $0xb8;
	[tilespmem:$0x1B000] =	vst v63  }
0x31: {  	_ =	swait.ge [sflag:s20], $0x2000  }
0x32: {  	[sflag:s20] =	ssyncset.done $0x0  }
0x33: {  	s23 =	simm.s32 $0x380;
	s22 =	simm.s32 $0xFFFED000;
	[sflag:s20] =	ssyncadd.s32 $0xFFFFE000  }
.LBB2_2:
0x34: {  	[spmem:s1] =	stream.indirect.scatter.add.f32 [tilespmem:s10], [sflag:$0x4], $0x80, s23, s13, $0xb8;
	[tilespmem:$0x1B000] =	vst v63  }
0x35: {  	s23 =	smov.u32 s22  }
0x36: {  	p0 =	sne.s32 s22, $0xFFFFF800;
	s22 =	sadd.s32 $0x800, s22;
	_ =	swait.ge [sflag:s17], $0x2000  }
0x37: {  	s23 =	sshra.s32 s23, $0x2;
	[sflag:s17] =	ssyncset.done $0x0  }
0x38: {  	s24 =	sadd.s32 $0x5000, s23;
	[sflag:s17] =	ssyncadd.s32 $0xFFFFE000  }
0x39: {  	[spmem:s1] =	stream.indirect.scatter.add.f32 [tilespmem:s10], [sflag:$0x1], $0x80, s24, s13, $0xb8;
	[tilespmem:$0x1B000] =	vst v63  }
0x3a: {  	_ =	swait.ge [sflag:s18], $0x2000  }
0x3b: {  	[sflag:s18] =	ssyncset.done $0x0  }
0x3c: {  	s24 =	sadd.s32 $0x5080, s23;
	[sflag:s18] =	ssyncadd.s32 $0xFFFFE000  }
0x3d: {  	[spmem:s1] =	stream.indirect.scatter.add.f32 [tilespmem:s10], [sflag:$0x2], $0x80, s24, s13, $0xb8;
	[tilespmem:$0x1B000] =	vst v63  }
0x3e: {  	_ =	swait.ge [sflag:s19], $0x2000  }
0x3f: {  	[sflag:s19] =	ssyncset.done $0x0  }
.Ltmp0:
0x40: {  	s24 =	sadd.s32 $0x5100, s23;
	[sflag:s19] =	ssyncadd.s32 $0xFFFFE000;
	(pc) =	sbr.rel @p0 .LBB2_2-.Ltmp0, $4  }
0x41: {  	[spmem:s1] =	stream.indirect.scatter.add.f32 [tilespmem:s10], [sflag:$0x3], $0x80, s24, s13, $0xb8;
	[tilespmem:$0x1B000] =	vst v63  }
0x42: {  	_ =	swait.ge [sflag:s20], $0x2000  }
0x43: {  	[sflag:s20] =	ssyncset.done $0x0  }
0x44: {  	s23 =	sadd.s32 $0x5180, s23;
	[sflag:s20] =	ssyncadd.s32 $0xFFFFE000  }
0x45: {  	[spmem:s1] =	stream.indirect.scatter.add.f32 [tilespmem:s10], [sflag:$0x4], $0x80, s23, s13, $0xb8;
	[tilespmem:$0x1B000] =	vst v63  }
0x46: {  	_ =	swait.ge [sflag:s17], $0x2000  }
0x47: {  	[sflag:s17] =	ssyncset.done $0x0  }
0x48: {  	[sflag:s17] =	ssyncadd.s32 $0xFFFFE000  }
0x49: {  	_ =	swait.ge [sflag:s18], $0x2000  }
0x4a: {  	[sflag:s18] =	ssyncset.done $0x0  }
0x4b: {  	[sflag:s18] =	ssyncadd.s32 $0xFFFFE000  }
0x4c: {  	_ =	swait.ge [sflag:s19], $0x2000  }
0x4d: {  	[sflag:s19] =	ssyncset.done $0x0  }
0x4e: {  	[sflag:s19] =	ssyncadd.s32 $0xFFFFE000  }
0x4f: {  	_ =	swait.ge [sflag:s20], $0x2000  }
0x50: {  	s21 =	sadd.s32 $0x1, s21;
	[sflag:s20] =	ssyncset.done $0x0  }
0x51: {  	p0 =	sne.s32 s21, s8;
	[sflag:s20] =	ssyncadd.s32 $0xFFFFE000  }
.Ltmp1:
0x52: {  	[bflag:$0x0] =	sbarrier.arrive $0xFFFF;
	(pc) =	sbr.rel @p0 .LBB2_1-.Ltmp1, $4  }
0x53: {  	[hbm:s7], [sflag:s11] =	dma.local [spmem:s12], $0x2800  }
0x54: {  	_ =	swait.ge [sflag:s9], $0x2800  }
0x55: {  	[sflag:s9] =	ssyncset.done $0x0  }
0x56: {  	[sflag:s9] =	ssyncadd.s32 $0xFFFFD800  }
0x57: {  	_ =	sfence.sel $0x180000  }
0x58: {  	[bflag:$0x0] =	sbarrier.arrive $0xFFFF  }
0x59: {  	p0 =	sne.s32 s2, $0x0;
	_ =	strace $0x90000047  }
0x5a: {  	s0 =	sadd.s32 @!p0 $0x100000, s0;
	[bflag:$0x2] =	sbarrier.arrive $0xFFFF  }
0x5b: {  	[sflag:s0] =	ssyncadd.tile.s32 @!p0 $0x1;
	_ =	shalt  }
.Lfunc_end2:
_tile_overlayer_lowered:
.L_overlay_start_2:
0x5c: {  	(tag) =	ssettag $0x2  }
0x5d: {  	s0 =	rddreg [dreg:$0x0];
	s2 =	stileid.u32  }
0x5e: {  	s1 =	rddreg [dreg:$0x1];
	p0 =	sne.s32 s2, $0x0  }
0x5f: {  	s3 =	rddreg [dreg:$0x2];
	[bflag:$0x3] =	sbarrier.arrive $0xFFFF;
	s2 =	simm.s32 @!p0 $0x1C05  }
0x60: {  	[timem:s3], [sflag:s2] =	dma.local @!p0 [hbm:s0], s1  }
0x61: {  	s0 =	simm.s32 @!p0 $0x5  }
0x62: {  	_ =	swait.ge @!p0 [sflag:s0], s1  }
0x63: {  	s1 =	ssub.s32 @!p0 $0x0, s1;
	[sflag:s0] =	ssyncset.done @!p0 $0x0  }
0x64: {  	[sflag:s0] =	ssyncadd.s32 @!p0 s1  }
0x65: {  	[bflag:$0x3] =	sbarrier.arrive $0xFFFF  }
0x66: {  	_ =	shalt  }

</sc_bundles>
